<compile_context>
chip_gen: v7x
topology: tpu7x:2x2x1
jax: 0.10.2.dev20260603
libtpu: 0.0.44.dev20260713+nightly
codegen_flags: <defaults>
</compile_context>

<pallas_src>
import functools

import jax
import jax.numpy as jnp
from jax import lax
from jax.experimental import pallas as pl
from jax.experimental.pallas import tpu as pltpu
from jax.experimental.pallas import tpu_sc as plsc

N = 10000
F = 128
E = 320000
K = 128
NCH = 80
NTILES = 32
EPAD = 2 * 16 * NCH * K
NPAD = 10240
RPT = NPAD // 16

_mesh = plsc.VectorSubcoreMesh(core_axis_name="c", subcore_axis_name="s")


@functools.partial(
    pl.kernel, mesh=_mesh,
    out_type=jax.ShapeDtypeStruct((2, NPAD, 16), jnp.float32),
    scratch_types=[
        pltpu.VMEM((NCH, K), jnp.int32),
        pltpu.VMEM((K, 16), jnp.float32),
        pltpu.VMEM((K, 16), jnp.float32),
        pltpu.VMEM_SHARED((NPAD, 16), jnp.float32),
    ],
)
def _deg_kernel(dst_hbm, out_hbm, dst_v, ones_v, zeros_v, acc_sh):
    c = lax.axis_index("c")
    s = lax.axis_index("s")

    def fill(i, carry):
        ones_v[i, :] = jnp.ones((16,), jnp.float32)
        zeros_v[i, :] = jnp.zeros((16,), jnp.float32)
        return carry

    lax.fori_loop(0, K, fill, 0)

    def zslice(i, carry):
        pltpu.sync_copy(zeros_v, acc_sh.at[pl.ds(s * RPT + i * K, K)])
        return carry

    lax.fori_loop(0, RPT // K, zslice, 0)
    w = pl.multiple_of((c * 16 + s) * NCH, 16)
    pltpu.sync_copy(dst_hbm.at[pl.ds(w, NCH)], dst_v)
    plsc.subcore_barrier()

    def chunk(j, carry):
        pltpu.sync_copy(ones_v, acc_sh.at[dst_v.at[j]], add=True)
        return carry

    lax.fori_loop(0, NCH, chunk, 0)
    plsc.subcore_barrier()
    pltpu.sync_copy(acc_sh.at[pl.ds(s * RPT, RPT)],
                    out_hbm.at[c, pl.ds(s * RPT, RPT)])


NCH0 = 128
NCH1 = 32
NCHT = 16 * (NCH0 + NCH1)
QCH = 32


@functools.partial(
    pl.kernel, mesh=_mesh,
    out_type=jax.ShapeDtypeStruct((2, NPAD, F), jnp.float32),
    scratch_types=[
        pltpu.VMEM((QCH, K), jnp.int32),
        pltpu.VMEM((QCH, K), jnp.int32),
        pltpu.VMEM((K, F), jnp.float32),
        pltpu.VMEM((K, F), jnp.float32),
        pltpu.VMEM_SHARED((NPAD, F), jnp.float32),
        pltpu.SemaphoreType.DMA,
        pltpu.SemaphoreType.DMA,
    ],
)
def _prop_kernel(src_hbm, dst_hbm, table_hbm, out_hbm,
                 src_v, dst_v, rows_a, rows_b, acc_sh, sem_a, sem_b):
    c = lax.axis_index("c")
    s = lax.axis_index("s")
    nph = jnp.where(c == 0, NCH0 // QCH, NCH1 // QCH)
    base = jnp.where(c == 0, s * NCH0, 16 * NCH0 + s * NCH1)

    def zrow(i, carry):
        for l in range(F // 16):
            rows_a[i, pl.ds(l * 16, 16)] = jnp.zeros((16,), jnp.float32)
        return carry

    lax.fori_loop(0, K, zrow, 0)

    def zslice(i, carry):
        pltpu.sync_copy(rows_a, acc_sh.at[pl.ds(s * RPT + i * K, K)])
        return carry

    lax.fori_loop(0, RPT // K, zslice, 0)
    plsc.subcore_barrier()

    def phase(q, carry):
        off = pl.multiple_of(base + q * QCH, QCH)
        pltpu.sync_copy(src_hbm.at[pl.ds(off, QCH)], src_v)
        pltpu.sync_copy(dst_hbm.at[pl.ds(off, QCH)], dst_v)
        pltpu.async_copy(table_hbm.at[src_v.at[0]], rows_a, sem_a)
        pltpu.async_copy(table_hbm.at[src_v.at[1]], rows_b, sem_b)

        def pair(i, carry2):
            j = 2 * i
            pltpu.make_async_copy(table_hbm.at[src_v.at[j]],
                                  rows_a, sem_a).wait()
            pltpu.sync_copy(rows_a, acc_sh.at[dst_v.at[j]], add=True)
            pltpu.async_copy(table_hbm.at[src_v.at[j + 2]], rows_a, sem_a)
            pltpu.make_async_copy(table_hbm.at[src_v.at[j + 1]],
                                  rows_b, sem_b).wait()
            pltpu.sync_copy(rows_b, acc_sh.at[dst_v.at[j + 1]], add=True)
            pltpu.async_copy(table_hbm.at[src_v.at[j + 3]], rows_b, sem_b)
            return carry2

        lax.fori_loop(0, QCH // 2 - 1, pair, 0)
        pltpu.make_async_copy(table_hbm.at[src_v.at[QCH - 2]],
                              rows_a, sem_a).wait()
        pltpu.sync_copy(rows_a, acc_sh.at[dst_v.at[QCH - 2]], add=True)
        pltpu.make_async_copy(table_hbm.at[src_v.at[QCH - 1]],
                              rows_b, sem_b).wait()
        pltpu.sync_copy(rows_b, acc_sh.at[dst_v.at[QCH - 1]], add=True)
        return carry

    lax.fori_loop(0, nph, phase, 0)

    plsc.subcore_barrier()
    pltpu.sync_copy(acc_sh.at[pl.ds(s * RPT, RPT)],
                    out_hbm.at[c, pl.ds(s * RPT, RPT)])


RB = 2000


def _prep1_body(x_ref, dA_ref, dB_ref, W_ref, s1_ref, self1_ref, disb_ref):
    dis = lax.rsqrt(1.0 + dA_ref[:, 0:1] + dB_ref[:, 0:1])
    xw = jnp.dot(x_ref[...], W_ref[...], preferred_element_type=jnp.float32)
    s1 = xw * dis
    s1_ref[...] = s1
    self1_ref[...] = s1 * dis
    disb_ref[...] = jnp.broadcast_to(dis, s1.shape)


def _prep1(x, degA, degB, W1):
    return pl.pallas_call(
        _prep1_body,
        grid=(N // RB,),
        in_specs=[
            pl.BlockSpec((RB, F), lambda i: (i, 0)),
            pl.BlockSpec((RB, 16), lambda i: (i, 0)),
            pl.BlockSpec((RB, 16), lambda i: (i, 0)),
            pl.BlockSpec((F, F), lambda i: (0, 0)),
        ],
        out_specs=[pl.BlockSpec((RB, F), lambda i: (i, 0))] * 3,
        out_shape=[jax.ShapeDtypeStruct((N, F), jnp.float32)] * 3,
    )(x, degA, degB, W1)


def _mid_body(aA_ref, aB_ref, self1_ref, disb_ref, b1_ref, W_ref,
              x1_ref, s2_ref, self2_ref):
    dis = disb_ref[...]
    x1 = jnp.maximum(
        dis * (aA_ref[...] + aB_ref[...]) + self1_ref[...] + b1_ref[...], 0.0)
    xw2 = jnp.dot(x1, W_ref[...], preferred_element_type=jnp.float32)
    s2 = xw2 * dis
    x1_ref[...] = x1
    s2_ref[...] = s2
    self2_ref[...] = s2 * dis


def _mid(aggA, aggB, self1, disb, b1, W2):
    return pl.pallas_call(
        _mid_body,
        grid=(N // RB,),
        in_specs=[
            pl.BlockSpec((RB, F), lambda i: (i, 0)),
            pl.BlockSpec((RB, F), lambda i: (i, 0)),
            pl.BlockSpec((RB, F), lambda i: (i, 0)),
            pl.BlockSpec((RB, F), lambda i: (i, 0)),
            pl.BlockSpec((1, F), lambda i: (0, 0)),
            pl.BlockSpec((F, F), lambda i: (0, 0)),
        ],
        out_specs=[pl.BlockSpec((RB, F), lambda i: (i, 0))] * 3,
        out_shape=[jax.ShapeDtypeStruct((N, F), jnp.float32)] * 3,
    )(aggA, aggB, self1, disb, b1, W2)


def _head_body(aA_ref, aB_ref, self2_ref, disb_ref, b2_ref, x_ref, x1_ref,
               L1W_ref, L1b_ref, L2W_ref, L2b_ref, out_ref):
    dis = disb_ref[...]
    x2 = jnp.maximum(
        dis * (aA_ref[...] + aB_ref[...]) + self2_ref[...] + b2_ref[...], 0.0)
    t = (jnp.dot(x_ref[...], L1W_ref[0:F, :], preferred_element_type=jnp.float32)
         + jnp.dot(x1_ref[...], L1W_ref[F:2 * F, :],
                   preferred_element_type=jnp.float32)
         + jnp.dot(x2, L1W_ref[2 * F:3 * F, :],
                   preferred_element_type=jnp.float32)
         + L1b_ref[...])
    t = jnp.maximum(t, 0.0)
    z = jnp.dot(t, L2W_ref[...], preferred_element_type=jnp.float32) + L2b_ref[...]
    out_ref[...] = jax.nn.sigmoid(z)


def _head(aggA, aggB, self2, disb, b2, x, x1, L1W, L1b, L2W, L2b):
    return pl.pallas_call(
        _head_body,
        grid=(N // RB,),
        in_specs=[
            pl.BlockSpec((RB, F), lambda i: (i, 0)),
            pl.BlockSpec((RB, F), lambda i: (i, 0)),
            pl.BlockSpec((RB, F), lambda i: (i, 0)),
            pl.BlockSpec((RB, F), lambda i: (i, 0)),
            pl.BlockSpec((1, F), lambda i: (0, 0)),
            pl.BlockSpec((RB, F), lambda i: (i, 0)),
            pl.BlockSpec((RB, F), lambda i: (i, 0)),
            pl.BlockSpec((3 * F, F), lambda i: (0, 0)),
            pl.BlockSpec((1, F), lambda i: (0, 0)),
            pl.BlockSpec((F, 64), lambda i: (0, 0)),
            pl.BlockSpec((1, 64), lambda i: (0, 0)),
        ],
        out_specs=pl.BlockSpec((RB, 64), lambda i: (i, 0)),
        out_shape=jax.ShapeDtypeStruct((N, 64), jnp.float32),
    )(aggA, aggB, self2, disb, b2, x, x1, L1W, L1b, L2W, L2b)


def kernel(x, edge_index, W1, b1, W2, b2, L1W, L1b, L2W, L2b):
    src = edge_index[0].astype(jnp.int32)
    dst = edge_index[1].astype(jnp.int32)
    pad = EPAD - E
    src_p = jnp.concatenate([src, jnp.zeros((pad,), jnp.int32)])
    dst_p = jnp.concatenate(
        [dst, N + jnp.arange(pad, dtype=jnp.int32) % (NPAD - N)])
    src_p = src_p.reshape(NCHT, K)
    dst_p = dst_p.reshape(NCHT, K)

    degs = _deg_kernel(dst_p)
    degA = degs[0, :N, :]
    degB = degs[1, :N, :]

    s1, self1, disb = _prep1(x, degA, degB, W1)
    agg1 = _prop_kernel(src_p, dst_p, s1)
    x1, s2, self2 = _mid(agg1[0, :N], agg1[1, :N], self1, disb,
                         b1.reshape(1, F), W2)
    agg2 = _prop_kernel(src_p, dst_p, s2)
    out = _head(agg2[0, :N], agg2[1, :N], self2, disb, b2.reshape(1, F),
                x, x1, L1W, L1b.reshape(1, F), L2W, L2b.reshape(1, 64))
    return out

# --- scband reference (transcript-rebuilt; emitter-appended) ---
"""Pipeline reference for scband-gcn-18494129177104 (READ-ONLY COPY).

The authoritative reference and input builder live on the scoring server;
editing this copy changes nothing except your own understanding.
"""

import jax, jax.numpy as jnp
import numpy as np

N_NODES = 10000

def gcn_conv(x, src, dst, deg_inv_sqrt, W, b):
    # PyG GCNConv: linear transform first, then normalized propagate, then bias
    xw = x @ W
    norm = deg_inv_sqrt[src] * deg_inv_sqrt[dst]
    msg = xw[src] * norm[:, None]
    out = jax.ops.segment_sum(msg, dst, num_segments=N_NODES)
    return out + b

def setup_inputs(seed: int = 0) -> dict:
    key = jax.random.key(seed)
    ks = jax.random.split(key, 12)
    x = jax.random.normal(ks[0], (N_NODES, 128), dtype=jnp.float32)
    edge_index = jax.random.randint(ks[1], (2, 320000), 0, N_NODES, dtype=jnp.int64)
    # GCNConv weights (glorot-ish scale)
    W1 = jax.random.normal(ks[2], (128, 128), dtype=jnp.float32) * (1.0 / np.sqrt(128))
    b1 = jnp.zeros((128,), dtype=jnp.float32)
    W2 = jax.random.normal(ks[3], (128, 128), dtype=jnp.float32) * (1.0 / np.sqrt(128))
    b2 = jnp.zeros((128,), dtype=jnp.float32)
    # lin1: in = 2*hidden + in_channels = 384 -> 128 ; lin2: 128 -> 64
    L1W = jax.random.normal(ks[4], (384, 128), dtype=jnp.float32) * (1.0 / np.sqrt(384))
    L1b = jnp.zeros((128,), dtype=jnp.float32)
    L2W = jax.random.normal(ks[5], (128, 64), dtype=jnp.float32) * (1.0 / np.sqrt(128))
    L2b = jnp.zeros((64,), dtype=jnp.float32)
    return {"x": x, "edge_index": edge_index, "W1": W1, "b1": b1, "W2": W2, "b2": b2,
            "L1W": L1W, "L1b": L1b, "L2W": L2W, "L2b": L2b}

def reference(x, edge_index, W1, b1, W2, b2, L1W, L1b, L2W, L2b):
    # Add self-loops (PyG GCNConv default) and compute symmetric normalization once
    loop = jnp.arange(N_NODES, dtype=edge_index.dtype)
    src = jnp.concatenate([edge_index[0], loop])
    dst = jnp.concatenate([edge_index[1], loop])
    ones = jnp.ones(src.shape[0], dtype=jnp.float32)
    deg = jax.ops.segment_sum(ones, dst, num_segments=N_NODES)
    deg_inv_sqrt = jnp.where(deg > 0, 1.0 / jnp.sqrt(deg), 0.0)
    x1 = jax.nn.relu(gcn_conv(x, src, dst, deg_inv_sqrt, W1, b1))
    # dropout p=0.2 is identity in eval mode (training=False)
    x2 = jax.nn.relu(gcn_conv(x1, src, dst, deg_inv_sqrt, W2, b2))
    h = jnp.concatenate([x, x1, x2], axis=-1)
    h = jax.nn.relu(h @ L1W + L1b)
    out = jax.nn.sigmoid(h @ L2W + L2b)
    return out

if __name__ == "__main__":
    import jax
    _d = setup_inputs()
    print(jax.jit(kernel)(*tuple(_d.values())))

</pallas_src>

<mosaic_0001>
#map = affine_map<(d0, d1) -> (0, 0)>
#map1 = affine_map<(d0, d1) -> (0, 0, 0)>
module attributes {stable_mosaic.version = 14 : i64} {
  func.func @_deg_kernel(%arg0: i32, %arg1: i32, %arg2: memref<2560x128xi32, #tpu.memory_space<hbm>>, %arg3: memref<2x10240x16xf32, #tpu.memory_space<hbm>>, %arg4: memref<80x128xi32, #tpu.memory_space<vmem>>, %arg5: memref<128x16xf32, #tpu.memory_space<vmem>>, %arg6: memref<128x16xf32, #tpu.memory_space<vmem>>, %arg7: memref<10240x16xf32, #tpu.memory_space<vmem_shared>>) attributes {dimension_semantics = [#tpu.dimension_semantics<core_parallel>, #tpu.dimension_semantics<subcore_parallel>], iteration_bounds = array<i64: 2, 16>, scalar_prefetch = 0 : i64, scratch_operands = 4 : i64, tpu.core_type = #tpu.core_type<sc_vector_subcore>, window_params = [{transform_indices = #map}, {transform_indices = #map1}]} {
    %scan3A = arith.constant 0 : i32
    %scan3A_0 = arith.constant 0 : i32
    %scan3A_1 = arith.constant 128 : i32
    %scan3A_2 = arith.addi %scan3A_0, %scan3A_1 : i32
    %scan3A_3 = arith.constant 1 : i32
    scf.for %scan3A_25 = %scan3A_0 to %scan3A_2 step %scan3A_3  : i32 {
      %broadcast_in_dim3A = arith.constant 1.000000e+00 : f32
      %broadcast_in_dim3A_26 = vector.broadcast %broadcast_in_dim3A : f32 to vector<16xf32>
      %swap3A = arith.index_cast %scan3A_25 : i32 to index
      %swap3A_27 = arith.constant 0 : index
      %swap3A_28 = tpu.vector_load %arg5[%swap3A, %swap3A_27] {strides = array<i32>} : memref<128x16xf32, #tpu.memory_space<vmem>>, vector<1x16xf32>,
      %swap3A_29 = vector.shape_cast %swap3A_28 : vector<1x16xf32> to vector<16xf32>
      %swap3A_30 = vector.shape_cast %broadcast_in_dim3A_26 : vector<16xf32> to vector<1x16xf32>
      tpu.vector_store %arg5[%swap3A, %swap3A_27], %swap3A_30 {strides = array<i32>} : memref<128x16xf32, #tpu.memory_space<vmem>>, vector<1x16xf32>,
      %broadcast_in_dim3A_31 = arith.constant 0.000000e+00 : f32
      %broadcast_in_dim3A_32 = vector.broadcast %broadcast_in_dim3A_31 : f32 to vector<16xf32>
      %swap3A_33 = arith.index_cast %scan3A_25 : i32 to index
      %swap3A_34 = arith.constant 0 : index
      %swap3A_35 = tpu.vector_load %arg6[%swap3A_33, %swap3A_34] {strides = array<i32>} : memref<128x16xf32, #tpu.memory_space<vmem>>, vector<1x16xf32>,
      %swap3A_36 = vector.shape_cast %swap3A_35 : vector<1x16xf32> to vector<16xf32>
      %swap3A_37 = vector.shape_cast %broadcast_in_dim3A_32 : vector<16xf32> to vector<1x16xf32>
      tpu.vector_store %arg6[%swap3A_33, %swap3A_34], %swap3A_37 {strides = array<i32>} : memref<128x16xf32, #tpu.memory_space<vmem>>, vector<1x16xf32>,
    }
    %scan3A_4 = arith.constant 128 : i32
    %scan3A_5 = arith.constant 0 : i32
    %scan3A_6 = arith.constant 0 : i32
    %scan3A_7 = arith.constant 5 : i32
    %scan3A_8 = arith.addi %scan3A_6, %scan3A_7 : i32
    %scan3A_9 = arith.constant 1 : i32
    scf.for %scan3A_25 = %scan3A_6 to %scan3A_8 step %scan3A_9  : i32 {
      %mul3A_26 = arith.constant 640 : i32
      %mul3A_27 = arith.muli %arg1, %mul3A_26 : i32
      %mul3A_28 = arith.constant 128 : i32
      %mul3A_29 = arith.muli %scan3A_25, %mul3A_28 : i32
      %add3A_30 = arith.addi %mul3A_27, %mul3A_29 : i32
      "tpu.region"() ({
        %run_scoped3A = tpu.sem_alloc : memref<!tpu.dma_semaphore, #tpu.memory_space<semaphore_mem>>
        %dma_start3A = arith.constant 0 : i32
        %dma_start3A_31 = tpu.memref_slice %arg7[%add3A_30, %dma_start3A] : memref<10240x16xf32, #tpu.memory_space<vmem_shared>> -> memref<128x16xf32, #tpu.memory_space<vmem_shared>>
        %dma_start3A_32 = arith.constant 0 : i32
        %dma_start3A_33 = tpu.memref_slice %arg7[%add3A_30, %dma_start3A_32] : memref<10240x16xf32, #tpu.memory_space<vmem_shared>> -> memref<128x16xf32, #tpu.memory_space<vmem_shared>>
        tpu.enqueue_dma source(%arg6 : memref<128x16xf32, #tpu.memory_space<vmem>>) target(%dma_start3A_33 : memref<128x16xf32, #tpu.memory_space<vmem_shared>>) target_semaphore(%run_scoped3A : memref<!tpu.dma_semaphore, #tpu.memory_space<semaphore_mem>>)
        %dma_wait3A = arith.constant 0 : i32
        %dma_wait3A_34 = tpu.memref_slice %arg7[%add3A_30, %dma_wait3A] : memref<10240x16xf32, #tpu.memory_space<vmem_shared>> -> memref<128x16xf32, #tpu.memory_space<vmem_shared>>
        %dma_wait3A_35 = arith.constant 0 : i32
        %dma_wait3A_36 = tpu.memref_slice %arg7[%add3A_30, %dma_wait3A_35] : memref<10240x16xf32, #tpu.memory_space<vmem_shared>> -> memref<128x16xf32, #tpu.memory_space<vmem_shared>>
        tpu.wait_dma2 semaphore(%run_scoped3A : memref<!tpu.dma_semaphore, #tpu.memory_space<semaphore_mem>>) src(%arg6 : memref<128x16xf32, #tpu.memory_space<vmem>>) dst(%dma_wait3A_36 : memref<128x16xf32, #tpu.memory_space<vmem_shared>>)
        tpu.yield
      }) : () -> ()
    }
    %scan3A_10 = arith.constant 5 : i32
    %mul3A = arith.constant 16 : i32
    %mul3A_11 = arith.muli %arg0, %mul3A : i32
    %add3A = arith.addi %mul3A_11, %arg1 : i32
    %mul3A_12 = arith.constant 80 : i32
    %mul3A_13 = arith.muli %add3A, %mul3A_12 : i32
    %multiple_of3A = tpu.assume_multiple %mul3A_13, 16 : i32
    "tpu.region"() ({
      %run_scoped3A = tpu.sem_alloc : memref<!tpu.dma_semaphore, #tpu.memory_space<semaphore_mem>>
      %dma_start3A = arith.constant 0 : i32
      %dma_start3A_25 = tpu.memref_slice %arg2[%multiple_of3A, %dma_start3A] : memref<2560x128xi32, #tpu.memory_space<hbm>> -> memref<80x128xi32, #tpu.memory_space<hbm>>
      %dma_start3A_26 = arith.constant 0 : i32
      %dma_start3A_27 = tpu.memref_slice %arg2[%multiple_of3A, %dma_start3A_26] : memref<2560x128xi32, #tpu.memory_space<hbm>> -> memref<80x128xi32, #tpu.memory_space<hbm>>
      tpu.enqueue_dma source(%dma_start3A_27 : memref<80x128xi32, #tpu.memory_space<hbm>>) target(%arg4 : memref<80x128xi32, #tpu.memory_space<vmem>>) target_semaphore(%run_scoped3A : memref<!tpu.dma_semaphore, #tpu.memory_space<semaphore_mem>>)
      %dma_wait3A = arith.constant 0 : i32
      %dma_wait3A_28 = tpu.memref_slice %arg2[%multiple_of3A, %dma_wait3A] : memref<2560x128xi32, #tpu.memory_space<hbm>> -> memref<80x128xi32, #tpu.memory_space<hbm>>
      %dma_wait3A_29 = arith.constant 0 : i32
      %dma_wait3A_30 = tpu.memref_slice %arg2[%multiple_of3A, %dma_wait3A_29] : memref<2560x128xi32, #tpu.memory_space<hbm>> -> memref<80x128xi32, #tpu.memory_space<hbm>>
      tpu.wait_dma2 semaphore(%run_scoped3A : memref<!tpu.dma_semaphore, #tpu.memory_space<semaphore_mem>>) src(%dma_wait3A_30 : memref<80x128xi32, #tpu.memory_space<hbm>>) dst(%arg4 : memref<80x128xi32, #tpu.memory_space<vmem>>)
      tpu.yield
    }) : () -> ()
    %barrier3A = arith.constant 0 : index
    tpu.barrier barrier_id(%barrier3A)
    %scan3A_14 = arith.constant 0 : i32
    %scan3A_15 = arith.constant 0 : i32
    %scan3A_16 = arith.constant 80 : i32
    %scan3A_17 = arith.addi %scan3A_15, %scan3A_16 : i32
    %scan3A_18 = arith.constant 1 : i32
    scf.for %scan3A_25 = %scan3A_15 to %scan3A_17 step %scan3A_18  : i32 {
      "tpu.region"() ({
        %run_scoped3A = tpu.sem_alloc : memref<!tpu.dma_semaphore, #tpu.memory_space<semaphore_mem>>
        %dma_start3A = arith.constant 0 : i32
        %dma_start3A_26 = tpu.memref_slice %arg4[%scan3A_25, %dma_start3A] : memref<80x128xi32, #tpu.memory_space<vmem>> -> memref<1x128xi32, #tpu.memory_space<vmem>>
        %dma_start3A_27 = tpu.memref_squeeze %dma_start3A_26 : memref<1x128xi32, #tpu.memory_space<vmem>> -> memref<128xi32, #tpu.memory_space<vmem>>
        %dma_start3A_28 = arith.constant 0 : i32
        %dma_start3A_29 = arith.constant 0 : i32
        %dma_start3A_30 = tpu.memref_slice %arg7[%dma_start3A_28, %dma_start3A_29] : memref<10240x16xf32, #tpu.memory_space<vmem_shared>> -> memref<10240x16xf32, #tpu.memory_space<vmem_shared>>
        tpu.enqueue_indirect_dma source(%arg5 : memref<128x16xf32, #tpu.memory_space<vmem>>) target(%dma_start3A_30 : memref<10240x16xf32, #tpu.memory_space<vmem_shared>>) offsets(%dma_start3A_27 : memref<128xi32, #tpu.memory_space<vmem>>) semaphore(%run_scoped3A : memref<!tpu.dma_semaphore, #tpu.memory_space<semaphore_mem>>) {add = true}
        %dma_wait3A = arith.constant 0 : i32
        %dma_wait3A_31 = tpu.memref_slice %arg4[%scan3A_25, %dma_wait3A] : memref<80x128xi32, #tpu.memory_space<vmem>> -> memref<1x128xi32, #tpu.memory_space<vmem>>
        %dma_wait3A_32 = tpu.memref_squeeze %dma_wait3A_31 : memref<1x128xi32, #tpu.memory_space<vmem>> -> memref<128xi32, #tpu.memory_space<vmem>>
        %dma_wait3A_33 = arith.constant 0 : i32
        %dma_wait3A_34 = arith.constant 0 : i32
        %dma_wait3A_35 = tpu.memref_slice %arg7[%dma_wait3A_33, %dma_wait3A_34] : memref<10240x16xf32, #tpu.memory_space<vmem_shared>> -> memref<10240x16xf32, #tpu.memory_space<vmem_shared>>
        tpu.wait_indirect_dma semaphore(%run_scoped3A : memref<!tpu.dma_semaphore, #tpu.memory_space<semaphore_mem>>) src(%arg5 : memref<128x16xf32, #tpu.memory_space<vmem>>) dst(%dma_wait3A_35 : memref<10240x16xf32, #tpu.memory_space<vmem_shared>>)
        tpu.yield
      }) : () -> ()
    }
    %scan3A_19 = arith.constant 80 : i32
    %barrier3A_20 = arith.constant 0 : index
    tpu.barrier barrier_id(%barrier3A_20)
    %mul3A_21 = arith.constant 640 : i32
    %mul3A_22 = arith.muli %arg1, %mul3A_21 : i32
    %mul3A_23 = arith.constant 640 : i32
    %mul3A_24 = arith.muli %arg1, %mul3A_23 : i32
    "tpu.region"() ({
      %run_scoped3A = tpu.sem_alloc : memref<!tpu.dma_semaphore, #tpu.memory_space<semaphore_mem>>
      %dma_start3A = arith.constant 0 : i32
      %dma_start3A_25 = tpu.memref_slice %arg3[%arg0, %mul3A_24, %dma_start3A] : memref<2x10240x16xf32, #tpu.memory_space<hbm>> -> memref<1x640x16xf32, #tpu.memory_space<hbm>>
      %dma_start3A_26 = tpu.memref_squeeze %dma_start3A_25 : memref<1x640x16xf32, #tpu.memory_space<hbm>> -> memref<640x16xf32, #tpu.memory_space<hbm>>
      %dma_start3A_27 = arith.constant 0 : i32
      %dma_start3A_28 = tpu.memref_slice %arg7[%mul3A_22, %dma_start3A_27] : memref<10240x16xf32, #tpu.memory_space<vmem_shared>> -> memref<640x16xf32, #tpu.memory_space<vmem_shared>>
      tpu.enqueue_dma source(%dma_start3A_28 : memref<640x16xf32, #tpu.memory_space<vmem_shared>>) target(%dma_start3A_26 : memref<640x16xf32, #tpu.memory_space<hbm>>) target_semaphore(%run_scoped3A : memref<!tpu.dma_semaphore, #tpu.memory_space<semaphore_mem>>)
      %dma_wait3A = arith.constant 0 : i32
      %dma_wait3A_29 = tpu.memref_slice %arg3[%arg0, %mul3A_24, %dma_wait3A] : memref<2x10240x16xf32, #tpu.memory_space<hbm>> -> memref<1x640x16xf32, #tpu.memory_space<hbm>>
      %dma_wait3A_30 = tpu.memref_squeeze %dma_wait3A_29 : memref<1x640x16xf32, #tpu.memory_space<hbm>> -> memref<640x16xf32, #tpu.memory_space<hbm>>
      %dma_wait3A_31 = arith.constant 0 : i32
      %dma_wait3A_32 = tpu.memref_slice %arg7[%mul3A_22, %dma_wait3A_31] : memref<10240x16xf32, #tpu.memory_space<vmem_shared>> -> memref<640x16xf32, #tpu.memory_space<vmem_shared>>
      tpu.wait_dma2 semaphore(%run_scoped3A : memref<!tpu.dma_semaphore, #tpu.memory_space<semaphore_mem>>) src(%dma_wait3A_32 : memref<640x16xf32, #tpu.memory_space<vmem_shared>>) dst(%dma_wait3A_30 : memref<640x16xf32, #tpu.memory_space<hbm>>)
      tpu.yield
    }) : () -> ()
    return
  }
}

#map = affine_map<(d0, d1) -> (0, 0)>
#map1 = affine_map<(d0, d1) -> (0, 0, 0)>
module attributes {stable_mosaic.version = 14 : i64} {
  func.func @_prop_kernel(%arg0: i32, %arg1: i32, %arg2: memref<2560x128xi32, #tpu.memory_space<hbm>>, %arg3: memref<2560x128xi32, #tpu.memory_space<hbm>>, %arg4: memref<10000x128xf32, #tpu.memory_space<hbm>>, %arg5: memref<2x10240x128xf32, #tpu.memory_space<hbm>>, %arg6: memref<32x128xi32, #tpu.memory_space<vmem>>, %arg7: memref<32x128xi32, #tpu.memory_space<vmem>>, %arg8: memref<128x128xf32, #tpu.memory_space<vmem>>, %arg9: memref<128x128xf32, #tpu.memory_space<vmem>>, %arg10: memref<10240x128xf32, #tpu.memory_space<vmem_shared>>, %arg11: memref<!tpu.dma_semaphore, #tpu.memory_space<semaphore_mem>>, %arg12: memref<!tpu.dma_semaphore, #tpu.memory_space<semaphore_mem>>) attributes {dimension_semantics = [#tpu.dimension_semantics<core_parallel>, #tpu.dimension_semantics<subcore_parallel>], iteration_bounds = array<i64: 2, 16>, scalar_prefetch = 0 : i64, scratch_operands = 7 : i64, tpu.core_type = #tpu.core_type<sc_vector_subcore>, window_params = [{transform_indices = #map}, {transform_indices = #map}, {transform_indices = #map}, {transform_indices = #map1}]} {
    %eq3A = arith.constant 0 : i32
    %eq3A_0 = arith.cmpi eq, %arg0, %eq3A : i32
    %jit3A = arith.constant 4 : i32
    %jit3A_1 = arith.constant 1 : i32
    %select_n3A = arith.select %eq3A_0, %jit3A, %jit3A_1 : i32
    %eq3A_2 = arith.constant 0 : i32
    %eq3A_3 = arith.cmpi eq, %arg0, %eq3A_2 : i32
    %mul3A = arith.constant 128 : i32
    %mul3A_4 = arith.muli %arg1, %mul3A : i32
    %mul3A_5 = arith.constant 32 : i32
    %mul3A_6 = arith.muli %arg1, %mul3A_5 : i32
    %add3A = arith.constant 2048 : i32
    %add3A_7 = arith.addi %add3A, %mul3A_6 : i32
    %select_n3A_8 = arith.select %eq3A_3, %mul3A_4, %add3A_7 : i32
    %scan3A = arith.constant 0 : i32
    %scan3A_9 = arith.constant 0 : i32
    %scan3A_10 = arith.constant 128 : i32
    %scan3A_11 = arith.addi %scan3A_9, %scan3A_10 : i32
    %scan3A_12 = arith.constant 1 : i32
    scf.for %scan3A_34 = %scan3A_9 to %scan3A_11 step %scan3A_12  : i32 {
      %broadcast_in_dim3A = arith.constant 0.000000e+00 : f32
      %broadcast_in_dim3A_35 = vector.broadcast %broadcast_in_dim3A : f32 to vector<16xf32>
      %swap3A = arith.index_cast %scan3A_34 : i32 to index
      %swap3A_36 = arith.constant 0 : index
      %swap3A_37 = tpu.vector_load %arg8[%swap3A, %swap3A_36] {strides = array<i32>} : memref<128x128xf32, #tpu.memory_space<vmem>>, vector<1x16xf32>,
      %swap3A_38 = vector.shape_cast %swap3A_37 : vector<1x16xf32> to vector<16xf32>
      %swap3A_39 = vector.shape_cast %broadcast_in_dim3A_35 : vector<16xf32> to vector<1x16xf32>
      tpu.vector_store %arg8[%swap3A, %swap3A_36], %swap3A_39 {strides = array<i32>} : memref<128x128xf32, #tpu.memory_space<vmem>>, vector<1x16xf32>,
      %broadcast_in_dim3A_40 = arith.constant 0.000000e+00 : f32
      %broadcast_in_dim3A_41 = vector.broadcast %broadcast_in_dim3A_40 : f32 to vector<16xf32>
      %swap3A_42 = arith.index_cast %scan3A_34 : i32 to index
      %swap3A_43 = arith.constant 16 : index
      %swap3A_44 = tpu.vector_load %arg8[%swap3A_42, %swap3A_43] {strides = array<i32>} : memref<128x128xf32, #tpu.memory_space<vmem>>, vector<1x16xf32>,
      %swap3A_45 = vector.shape_cast %swap3A_44 : vector<1x16xf32> to vector<16xf32>
      %swap3A_46 = vector.shape_cast %broadcast_in_dim3A_41 : vector<16xf32> to vector<1x16xf32>
      tpu.vector_store %arg8[%swap3A_42, %swap3A_43], %swap3A_46 {strides = array<i32>} : memref<128x128xf32, #tpu.memory_space<vmem>>, vector<1x16xf32>,
      %broadcast_in_dim3A_47 = arith.constant 0.000000e+00 : f32
      %broadcast_in_dim3A_48 = vector.broadcast %broadcast_in_dim3A_47 : f32 to vector<16xf32>
      %swap3A_49 = arith.index_cast %scan3A_34 : i32 to index
      %swap3A_50 = arith.constant 32 : index
      %swap3A_51 = tpu.vector_load %arg8[%swap3A_49, %swap3A_50] {strides = array<i32>} : memref<128x128xf32, #tpu.memory_space<vmem>>, vector<1x16xf32>,
      %swap3A_52 = vector.shape_cast %swap3A_51 : vector<1x16xf32> to vector<16xf32>
      %swap3A_53 = vector.shape_cast %broadcast_in_dim3A_48 : vector<16xf32> to vector<1x16xf32>
      tpu.vector_store %arg8[%swap3A_49, %swap3A_50], %swap3A_53 {strides = array<i32>} : memref<128x128xf32, #tpu.memory_space<vmem>>, vector<1x16xf32>,
      %broadcast_in_dim3A_54 = arith.constant 0.000000e+00 : f32
      %broadcast_in_dim3A_55 = vector.broadcast %broadcast_in_dim3A_54 : f32 to vector<16xf32>
      %swap3A_56 = arith.index_cast %scan3A_34 : i32 to index
      %swap3A_57 = arith.constant 48 : index
      %swap3A_58 = tpu.vector_load %arg8[%swap3A_56, %swap3A_57] {strides = array<i32>} : memref<128x128xf32, #tpu.memory_space<vmem>>, vector<1x16xf32>,
      %swap3A_59 = vector.shape_cast %swap3A_58 : vector<1x16xf32> to vector<16xf32>
      %swap3A_60 = vector.shape_cast %broadcast_in_dim3A_55 : vector<16xf32> to vector<1x16xf32>
      tpu.vector_store %arg8[%swap3A_56, %swap3A_57], %swap3A_60 {strides = array<i32>} : memref<128x128xf32, #tpu.memory_space<vmem>>, vector<1x16xf32>,
      %broadcast_in_dim3A_61 = arith.constant 0.000000e+00 : f32
      %broadcast_in_dim3A_62 = vector.broadcast %broadcast_in_dim3A_61 : f32 to vector<16xf32>
      %swap3A_63 = arith.index_cast %scan3A_34 : i32 to index
      %swap3A_64 = arith.constant 64 : index
      %swap3A_65 = tpu.vector_load %arg8[%swap3A_63, %swap3A_64] {strides = array<i32>} : memref<128x128xf32, #tpu.memory_space<vmem>>, vector<1x16xf32>,
      %swap3A_66 = vector.shape_cast %swap3A_65 : vector<1x16xf32> to vector<16xf32>
      %swap3A_67 = vector.shape_cast %broadcast_in_dim3A_62 : vector<16xf32> to vector<1x16xf32>
      tpu.vector_store %arg8[%swap3A_63, %swap3A_64], %swap3A_67 {strides = array<i32>} : memref<128x128xf32, #tpu.memory_space<vmem>>, vector<1x16xf32>,
      %broadcast_in_dim3A_68 = arith.constant 0.000000e+00 : f32
      %broadcast_in_dim3A_69 = vector.broadcast %broadcast_in_dim3A_68 : f32 to vector<16xf32>
      %swap3A_70 = arith.index_cast %scan3A_34 : i32 to index
      %swap3A_71 = arith.constant 80 : index
      %swap3A_72 = tpu.vector_load %arg8[%swap3A_70, %swap3A_71] {strides = array<i32>} : memref<128x128xf32, #tpu.memory_space<vmem>>, vector<1x16xf32>,
      %swap3A_73 = vector.shape_cast %swap3A_72 : vector<1x16xf32> to vector<16xf32>
      %swap3A_74 = vector.shape_cast %broadcast_in_dim3A_69 : vector<16xf32> to vector<1x16xf32>
      tpu.vector_store %arg8[%swap3A_70, %swap3A_71], %swap3A_74 {strides = array<i32>} : memref<128x128xf32, #tpu.memory_space<vmem>>, vector<1x16xf32>,
      %broadcast_in_dim3A_75 = arith.constant 0.000000e+00 : f32
      %broadcast_in_dim3A_76 = vector.broadcast %broadcast_in_dim3A_75 : f32 to vector<16xf32>
      %swap3A_77 = arith.index_cast %scan3A_34 : i32 to index
      %swap3A_78 = arith.constant 96 : index
      %swap3A_79 = tpu.vector_load %arg8[%swap3A_77, %swap3A_78] {strides = array<i32>} : memref<128x128xf32, #tpu.memory_space<vmem>>, vector<1x16xf32>,
      %swap3A_80 = vector.shape_cast %swap3A_79 : vector<1x16xf32> to vector<16xf32>
      %swap3A_81 = vector.shape_cast %broadcast_in_dim3A_76 : vector<16xf32> to vector<1x16xf32>
      tpu.vector_store %arg8[%swap3A_77, %swap3A_78], %swap3A_81 {strides = array<i32>} : memref<128x128xf32, #tpu.memory_space<vmem>>, vector<1x16xf32>,
      %broadcast_in_dim3A_82 = arith.constant 0.000000e+00 : f32
      %broadcast_in_dim3A_83 = vector.broadcast %broadcast_in_dim3A_82 : f32 to vector<16xf32>
      %swap3A_84 = arith.index_cast %scan3A_34 : i32 to index
      %swap3A_85 = arith.constant 112 : index
      %swap3A_86 = tpu.vector_load %arg8[%swap3A_84, %swap3A_85] {strides = array<i32>} : memref<128x128xf32, #tpu.memory_space<vmem>>, vector<1x16xf32>,
      %swap3A_87 = vector.shape_cast %swap3A_86 : vector<1x16xf32> to vector<16xf32>
      %swap3A_88 = vector.shape_cast %broadcast_in_dim3A_83 : vector<16xf32> to vector<1x16xf32>
      tpu.vector_store %arg8[%swap3A_84, %swap3A_85], %swap3A_88 {strides = array<i32>} : memref<128x128xf32, #tpu.memory_space<vmem>>, vector<1x16xf32>,
    }
    %scan3A_13 = arith.constant 128 : i32
    %scan3A_14 = arith.constant 0 : i32
    %scan3A_15 = arith.constant 0 : i32
    %scan3A_16 = arith.constant 5 : i32
    %scan3A_17 = arith.addi %scan3A_15, %scan3A_16 : i32
    %scan3A_18 = arith.constant 1 : i32
    scf.for %scan3A_34 = %scan3A_15 to %scan3A_17 step %scan3A_18  : i32 {
      %mul3A_35 = arith.constant 640 : i32
      %mul3A_36 = arith.muli %arg1, %mul3A_35 : i32
      %mul3A_37 = arith.constant 128 : i32
      %mul3A_38 = arith.muli %scan3A_34, %mul3A_37 : i32
      %add3A_39 = arith.addi %mul3A_36, %mul3A_38 : i32
      "tpu.region"() ({
        %run_scoped3A = tpu.sem_alloc : memref<!tpu.dma_semaphore, #tpu.memory_space<semaphore_mem>>
        %dma_start3A = arith.constant 0 : i32
        %dma_start3A_40 = tpu.memref_slice %arg10[%add3A_39, %dma_start3A] : memref<10240x128xf32, #tpu.memory_space<vmem_shared>> -> memref<128x128xf32, #tpu.memory_space<vmem_shared>>
        %dma_start3A_41 = arith.constant 0 : i32
        %dma_start3A_42 = tpu.memref_slice %arg10[%add3A_39, %dma_start3A_41] : memref<10240x128xf32, #tpu.memory_space<vmem_shared>> -> memref<128x128xf32, #tpu.memory_space<vmem_shared>>
        tpu.enqueue_dma source(%arg8 : memref<128x128xf32, #tpu.memory_space<vmem>>) target(%dma_start3A_42 : memref<128x128xf32, #tpu.memory_space<vmem_shared>>) target_semaphore(%run_scoped3A : memref<!tpu.dma_semaphore, #tpu.memory_space<semaphore_mem>>)
        %dma_wait3A = arith.constant 0 : i32
        %dma_wait3A_43 = tpu.memref_slice %arg10[%add3A_39, %dma_wait3A] : memref<10240x128xf32, #tpu.memory_space<vmem_shared>> -> memref<128x128xf32, #tpu.memory_space<vmem_shared>>
        %dma_wait3A_44 = arith.constant 0 : i32
        %dma_wait3A_45 = tpu.memref_slice %arg10[%add3A_39, %dma_wait3A_44] : memref<10240x128xf32, #tpu.memory_space<vmem_shared>> -> memref<128x128xf32, #tpu.memory_space<vmem_shared>>
        tpu.wait_dma2 semaphore(%run_scoped3A : memref<!tpu.dma_semaphore, #tpu.memory_space<semaphore_mem>>) src(%arg8 : memref<128x128xf32, #tpu.memory_space<vmem>>) dst(%dma_wait3A_45 : memref<128x128xf32, #tpu.memory_space<vmem_shared>>)
        tpu.yield
      }) : () -> ()
    }
    %scan3A_19 = arith.constant 5 : i32
    %barrier3A = arith.constant 0 : index
    tpu.barrier barrier_id(%barrier3A)
    %while3A = arith.constant 0 : i32
    %while3A_20 = arith.constant 0 : i32
    %while3A_21 = arith.subi %select_n3A, %while3A_20 : i32
    %while3A_22 = arith.addi %while3A_20, %while3A_21 : i32
    %while3A_23 = arith.constant 1 : i32
    %while3A_24 = arith.divsi %while3A_21, %while3A_23 : i32
    %while3A_25 = arith.muli %while3A_24, %while3A_23 : i32
    %while3A_26 = arith.addi %while3A_20, %while3A_25 : i32
    %while3A_27 = arith.constant 1 : i32
    scf.for %while3A_34 = %while3A_20 to %while3A_26 step %while3A_27  : i32 {
      %mul3A_35 = arith.constant 32 : i32
      %mul3A_36 = arith.muli %while3A_34, %mul3A_35 : i32
      %add3A_37 = arith.addi %select_n3A_8, %mul3A_36 : i32
      %multiple_of3A = tpu.assume_multiple %add3A_37, 32 : i32
      "tpu.region"() ({
        %run_scoped3A_71 = tpu.sem_alloc : memref<!tpu.dma_semaphore, #tpu.memory_space<semaphore_mem>>
        %dma_start3A_72 = arith.constant 0 : i32
        %dma_start3A_73 = tpu.memref_slice %arg2[%multiple_of3A, %dma_start3A_72] : memref<2560x128xi32, #tpu.memory_space<hbm>> -> memref<32x128xi32, #tpu.memory_space<hbm>>
        %dma_start3A_74 = arith.constant 0 : i32
        %dma_start3A_75 = tpu.memref_slice %arg2[%multiple_of3A, %dma_start3A_74] : memref<2560x128xi32, #tpu.memory_space<hbm>> -> memref<32x128xi32, #tpu.memory_space<hbm>>
        tpu.enqueue_dma source(%dma_start3A_75 : memref<32x128xi32, #tpu.memory_space<hbm>>) target(%arg6 : memref<32x128xi32, #tpu.memory_space<vmem>>) target_semaphore(%run_scoped3A_71 : memref<!tpu.dma_semaphore, #tpu.memory_space<semaphore_mem>>)
        %dma_wait3A_76 = arith.constant 0 : i32
        %dma_wait3A_77 = tpu.memref_slice %arg2[%multiple_of3A, %dma_wait3A_76] : memref<2560x128xi32, #tpu.memory_space<hbm>> -> memref<32x128xi32, #tpu.memory_space<hbm>>
        %dma_wait3A_78 = arith.constant 0 : i32
        %dma_wait3A_79 = tpu.memref_slice %arg2[%multiple_of3A, %dma_wait3A_78] : memref<2560x128xi32, #tpu.memory_space<hbm>> -> memref<32x128xi32, #tpu.memory_space<hbm>>
        tpu.wait_dma2 semaphore(%run_scoped3A_71 : memref<!tpu.dma_semaphore, #tpu.memory_space<semaphore_mem>>) src(%dma_wait3A_79 : memref<32x128xi32, #tpu.memory_space<hbm>>) dst(%arg6 : memref<32x128xi32, #tpu.memory_space<vmem>>)
        tpu.yield
      }) : () -> ()
      "tpu.region"() ({
        %run_scoped3A_71 = tpu.sem_alloc : memref<!tpu.dma_semaphore, #tpu.memory_space<semaphore_mem>>
        %dma_start3A_72 = arith.constant 0 : i32
        %dma_start3A_73 = tpu.memref_slice %arg3[%multiple_of3A, %dma_start3A_72] : memref<2560x128xi32, #tpu.memory_space<hbm>> -> memref<32x128xi32, #tpu.memory_space<hbm>>
        %dma_start3A_74 = arith.constant 0 : i32
        %dma_start3A_75 = tpu.memref_slice %arg3[%multiple_of3A, %dma_start3A_74] : memref<2560x128xi32, #tpu.memory_space<hbm>> -> memref<32x128xi32, #tpu.memory_space<hbm>>
        tpu.enqueue_dma source(%dma_start3A_75 : memref<32x128xi32, #tpu.memory_space<hbm>>) target(%arg7 : memref<32x128xi32, #tpu.memory_space<vmem>>) target_semaphore(%run_scoped3A_71 : memref<!tpu.dma_semaphore, #tpu.memory_space<semaphore_mem>>)
        %dma_wait3A_76 = arith.constant 0 : i32
        %dma_wait3A_77 = tpu.memref_slice %arg3[%multiple_of3A, %dma_wait3A_76] : memref<2560x128xi32, #tpu.memory_space<hbm>> -> memref<32x128xi32, #tpu.memory_space<hbm>>
        %dma_wait3A_78 = arith.constant 0 : i32
        %dma_wait3A_79 = tpu.memref_slice %arg3[%multiple_of3A, %dma_wait3A_78] : memref<2560x128xi32, #tpu.memory_space<hbm>> -> memref<32x128xi32, #tpu.memory_space<hbm>>
        tpu.wait_dma2 semaphore(%run_scoped3A_71 : memref<!tpu.dma_semaphore, #tpu.memory_space<semaphore_mem>>) src(%dma_wait3A_79 : memref<32x128xi32, #tpu.memory_space<hbm>>) dst(%arg7 : memref<32x128xi32, #tpu.memory_space<vmem>>)
        tpu.yield
      }) : () -> ()
      %dma_start3A = arith.constant 0 : i32
      %dma_start3A_38 = arith.constant 0 : i32
      %dma_start3A_39 = tpu.memref_slice %arg6[%dma_start3A, %dma_start3A_38] : memref<32x128xi32, #tpu.memory_space<vmem>> -> memref<1x128xi32, #tpu.memory_space<vmem>>
      %dma_start3A_40 = tpu.memref_squeeze %dma_start3A_39 : memref<1x128xi32, #tpu.memory_space<vmem>> -> memref<128xi32, #tpu.memory_space<vmem>>
      %dma_start3A_41 = arith.constant 0 : i32
      %dma_start3A_42 = arith.constant 0 : i32
      %dma_start3A_43 = tpu.memref_slice %arg4[%dma_start3A_41, %dma_start3A_42] : memref<10000x128xf32, #tpu.memory_space<hbm>> -> memref<10000x128xf32, #tpu.memory_space<hbm>>
      tpu.enqueue_indirect_dma source(%dma_start3A_43 : memref<10000x128xf32, #tpu.memory_space<hbm>>) target(%arg8 : memref<128x128xf32, #tpu.memory_space<vmem>>) offsets(%dma_start3A_40 : memref<128xi32, #tpu.memory_space<vmem>>) semaphore(%arg11 : memref<!tpu.dma_semaphore, #tpu.memory_space<semaphore_mem>>)
      %dma_start3A_44 = arith.constant 1 : i32
      %dma_start3A_45 = arith.constant 0 : i32
      %dma_start3A_46 = tpu.memref_slice %arg6[%dma_start3A_44, %dma_start3A_45] : memref<32x128xi32, #tpu.memory_space<vmem>> -> memref<1x128xi32, #tpu.memory_space<vmem>>
      %dma_start3A_47 = tpu.memref_squeeze %dma_start3A_46 : memref<1x128xi32, #tpu.memory_space<vmem>> -> memref<128xi32, #tpu.memory_space<vmem>>
      %dma_start3A_48 = arith.constant 0 : i32
      %dma_start3A_49 = arith.constant 0 : i32
      %dma_start3A_50 = tpu.memref_slice %arg4[%dma_start3A_48, %dma_start3A_49] : memref<10000x128xf32, #tpu.memory_space<hbm>> -> memref<10000x128xf32, #tpu.memory_space<hbm>>
      tpu.enqueue_indirect_dma source(%dma_start3A_50 : memref<10000x128xf32, #tpu.memory_space<hbm>>) target(%arg9 : memref<128x128xf32, #tpu.memory_space<vmem>>) offsets(%dma_start3A_47 : memref<128xi32, #tpu.memory_space<vmem>>) semaphore(%arg12 : memref<!tpu.dma_semaphore, #tpu.memory_space<semaphore_mem>>)
      %scan3A_51 = arith.constant 0 : i32
      %scan3A_52 = arith.constant 0 : i32
      %scan3A_53 = arith.constant 15 : i32
      %scan3A_54 = arith.addi %scan3A_52, %scan3A_53 : i32
      %scan3A_55 = arith.constant 1 : i32
      scf.for %scan3A_71 = %scan3A_52 to %scan3A_54 step %scan3A_55  : i32 {
        %mul3A_72 = arith.constant 2 : i32
        %mul3A_73 = arith.muli %mul3A_72, %scan3A_71 : i32
        %dma_wait3A_74 = arith.constant 0 : i32
        %dma_wait3A_75 = tpu.memref_slice %arg6[%mul3A_73, %dma_wait3A_74] : memref<32x128xi32, #tpu.memory_space<vmem>> -> memref<1x128xi32, #tpu.memory_space<vmem>>
        %dma_wait3A_76 = tpu.memref_squeeze %dma_wait3A_75 : memref<1x128xi32, #tpu.memory_space<vmem>> -> memref<128xi32, #tpu.memory_space<vmem>>
        %dma_wait3A_77 = arith.constant 0 : i32
        %dma_wait3A_78 = arith.constant 0 : i32
        %dma_wait3A_79 = tpu.memref_slice %arg4[%dma_wait3A_77, %dma_wait3A_78] : memref<10000x128xf32, #tpu.memory_space<hbm>> -> memref<10000x128xf32, #tpu.memory_space<hbm>>
        tpu.wait_indirect_dma semaphore(%arg11 : memref<!tpu.dma_semaphore, #tpu.memory_space<semaphore_mem>>) src(%dma_wait3A_79 : memref<10000x128xf32, #tpu.memory_space<hbm>>) dst(%arg8 : memref<128x128xf32, #tpu.memory_space<vmem>>)
        "tpu.region"() ({
          %run_scoped3A_106 = tpu.sem_alloc : memref<!tpu.dma_semaphore, #tpu.memory_space<semaphore_mem>>
          %dma_start3A_107 = arith.constant 0 : i32
          %dma_start3A_108 = tpu.memref_slice %arg7[%mul3A_73, %dma_start3A_107] : memref<32x128xi32, #tpu.memory_space<vmem>> -> memref<1x128xi32, #tpu.memory_space<vmem>>
          %dma_start3A_109 = tpu.memref_squeeze %dma_start3A_108 : memref<1x128xi32, #tpu.memory_space<vmem>> -> memref<128xi32, #tpu.memory_space<vmem>>
          %dma_start3A_110 = arith.constant 0 : i32
          %dma_start3A_111 = arith.constant 0 : i32
          %dma_start3A_112 = tpu.memref_slice %arg10[%dma_start3A_110, %dma_start3A_111] : memref<10240x128xf32, #tpu.memory_space<vmem_shared>> -> memref<10240x128xf32, #tpu.memory_space<vmem_shared>>
          tpu.enqueue_indirect_dma source(%arg8 : memref<128x128xf32, #tpu.memory_space<vmem>>) target(%dma_start3A_112 : memref<10240x128xf32, #tpu.memory_space<vmem_shared>>) offsets(%dma_start3A_109 : memref<128xi32, #tpu.memory_space<vmem>>) semaphore(%run_scoped3A_106 : memref<!tpu.dma_semaphore, #tpu.memory_space<semaphore_mem>>) {add = true}
          %dma_wait3A_113 = arith.constant 0 : i32
          %dma_wait3A_114 = tpu.memref_slice %arg7[%mul3A_73, %dma_wait3A_113] : memref<32x128xi32, #tpu.memory_space<vmem>> -> memref<1x128xi32, #tpu.memory_space<vmem>>
          %dma_wait3A_115 = tpu.memref_squeeze %dma_wait3A_114 : memref<1x128xi32, #tpu.memory_space<vmem>> -> memref<128xi32, #tpu.memory_space<vmem>>
          %dma_wait3A_116 = arith.constant 0 : i32
          %dma_wait3A_117 = arith.constant 0 : i32
          %dma_wait3A_118 = tpu.memref_slice %arg10[%dma_wait3A_116, %dma_wait3A_117] : memref<10240x128xf32, #tpu.memory_space<vmem_shared>> -> memref<10240x128xf32, #tpu.memory_space<vmem_shared>>
          tpu.wait_indirect_dma semaphore(%run_scoped3A_106 : memref<!tpu.dma_semaphore, #tpu.memory_space<semaphore_mem>>) src(%arg8 : memref<128x128xf32, #tpu.memory_space<vmem>>) dst(%dma_wait3A_118 : memref<10240x128xf32, #tpu.memory_space<vmem_shared>>)
          tpu.yield
        }) : () -> ()
        %add3A_80 = arith.constant 2 : i32
        %add3A_81 = arith.addi %mul3A_73, %add3A_80 : i32
        %dma_start3A_82 = arith.constant 0 : i32
        %dma_start3A_83 = tpu.memref_slice %arg6[%add3A_81, %dma_start3A_82] : memref<32x128xi32, #tpu.memory_space<vmem>> -> memref<1x128xi32, #tpu.memory_space<vmem>>
        %dma_start3A_84 = tpu.memref_squeeze %dma_start3A_83 : memref<1x128xi32, #tpu.memory_space<vmem>> -> memref<128xi32, #tpu.memory_space<vmem>>
        %dma_start3A_85 = arith.constant 0 : i32
        %dma_start3A_86 = arith.constant 0 : i32
        %dma_start3A_87 = tpu.memref_slice %arg4[%dma_start3A_85, %dma_start3A_86] : memref<10000x128xf32, #tpu.memory_space<hbm>> -> memref<10000x128xf32, #tpu.memory_space<hbm>>
        tpu.enqueue_indirect_dma source(%dma_start3A_87 : memref<10000x128xf32, #tpu.memory_space<hbm>>) target(%arg8 : memref<128x128xf32, #tpu.memory_space<vmem>>) offsets(%dma_start3A_84 : memref<128xi32, #tpu.memory_space<vmem>>) semaphore(%arg11 : memref<!tpu.dma_semaphore, #tpu.memory_space<semaphore_mem>>)
        %add3A_88 = arith.constant 1 : i32
        %add3A_89 = arith.addi %mul3A_73, %add3A_88 : i32
        %dma_wait3A_90 = arith.constant 0 : i32
        %dma_wait3A_91 = tpu.memref_slice %arg6[%add3A_89, %dma_wait3A_90] : memref<32x128xi32, #tpu.memory_space<vmem>> -> memref<1x128xi32, #tpu.memory_space<vmem>>
        %dma_wait3A_92 = tpu.memref_squeeze %dma_wait3A_91 : memref<1x128xi32, #tpu.memory_space<vmem>> -> memref<128xi32, #tpu.memory_space<vmem>>
        %dma_wait3A_93 = arith.constant 0 : i32
        %dma_wait3A_94 = arith.constant 0 : i32
        %dma_wait3A_95 = tpu.memref_slice %arg4[%dma_wait3A_93, %dma_wait3A_94] : memref<10000x128xf32, #tpu.memory_space<hbm>> -> memref<10000x128xf32, #tpu.memory_space<hbm>>
        tpu.wait_indirect_dma semaphore(%arg12 : memref<!tpu.dma_semaphore, #tpu.memory_space<semaphore_mem>>) src(%dma_wait3A_95 : memref<10000x128xf32, #tpu.memory_space<hbm>>) dst(%arg9 : memref<128x128xf32, #tpu.memory_space<vmem>>)
        %add3A_96 = arith.constant 1 : i32
        %add3A_97 = arith.addi %mul3A_73, %add3A_96 : i32
        "tpu.region"() ({
          %run_scoped3A_106 = tpu.sem_alloc : memref<!tpu.dma_semaphore, #tpu.memory_space<semaphore_mem>>
          %dma_start3A_107 = arith.constant 0 : i32
          %dma_start3A_108 = tpu.memref_slice %arg7[%add3A_97, %dma_start3A_107] : memref<32x128xi32, #tpu.memory_space<vmem>> -> memref<1x128xi32, #tpu.memory_space<vmem>>
          %dma_start3A_109 = tpu.memref_squeeze %dma_start3A_108 : memref<1x128xi32, #tpu.memory_space<vmem>> -> memref<128xi32, #tpu.memory_space<vmem>>
          %dma_start3A_110 = arith.constant 0 : i32
          %dma_start3A_111 = arith.constant 0 : i32
          %dma_start3A_112 = tpu.memref_slice %arg10[%dma_start3A_110, %dma_start3A_111] : memref<10240x128xf32, #tpu.memory_space<vmem_shared>> -> memref<10240x128xf32, #tpu.memory_space<vmem_shared>>
          tpu.enqueue_indirect_dma source(%arg9 : memref<128x128xf32, #tpu.memory_space<vmem>>) target(%dma_start3A_112 : memref<10240x128xf32, #tpu.memory_space<vmem_shared>>) offsets(%dma_start3A_109 : memref<128xi32, #tpu.memory_space<vmem>>) semaphore(%run_scoped3A_106 : memref<!tpu.dma_semaphore, #tpu.memory_space<semaphore_mem>>) {add = true}
          %dma_wait3A_113 = arith.constant 0 : i32
          %dma_wait3A_114 = tpu.memref_slice %arg7[%add3A_97, %dma_wait3A_113] : memref<32x128xi32, #tpu.memory_space<vmem>> -> memref<1x128xi32, #tpu.memory_space<vmem>>
          %dma_wait3A_115 = tpu.memref_squeeze %dma_wait3A_114 : memref<1x128xi32, #tpu.memory_space<vmem>> -> memref<128xi32, #tpu.memory_space<vmem>>
          %dma_wait3A_116 = arith.constant 0 : i32
          %dma_wait3A_117 = arith.constant 0 : i32
          %dma_wait3A_118 = tpu.memref_slice %arg10[%dma_wait3A_116, %dma_wait3A_117] : memref<10240x128xf32, #tpu.memory_space<vmem_shared>> -> memref<10240x128xf32, #tpu.memory_space<vmem_shared>>
          tpu.wait_indirect_dma semaphore(%run_scoped3A_106 : memref<!tpu.dma_semaphore, #tpu.memory_space<semaphore_mem>>) src(%arg9 : memref<128x128xf32, #tpu.memory_space<vmem>>) dst(%dma_wait3A_118 : memref<10240x128xf32, #tpu.memory_space<vmem_shared>>)
          tpu.yield
        }) : () -> ()
        %add3A_98 = arith.constant 3 : i32
        %add3A_99 = arith.addi %mul3A_73, %add3A_98 : i32
        %dma_start3A_100 = arith.constant 0 : i32
        %dma_start3A_101 = tpu.memref_slice %arg6[%add3A_99, %dma_start3A_100] : memref<32x128xi32, #tpu.memory_space<vmem>> -> memref<1x128xi32, #tpu.memory_space<vmem>>
        %dma_start3A_102 = tpu.memref_squeeze %dma_start3A_101 : memref<1x128xi32, #tpu.memory_space<vmem>> -> memref<128xi32, #tpu.memory_space<vmem>>
        %dma_start3A_103 = arith.constant 0 : i32
        %dma_start3A_104 = arith.constant 0 : i32
        %dma_start3A_105 = tpu.memref_slice %arg4[%dma_start3A_103, %dma_start3A_104] : memref<10000x128xf32, #tpu.memory_space<hbm>> -> memref<10000x128xf32, #tpu.memory_space<hbm>>
        tpu.enqueue_indirect_dma source(%dma_start3A_105 : memref<10000x128xf32, #tpu.memory_space<hbm>>) target(%arg9 : memref<128x128xf32, #tpu.memory_space<vmem>>) offsets(%dma_start3A_102 : memref<128xi32, #tpu.memory_space<vmem>>) semaphore(%arg12 : memref<!tpu.dma_semaphore, #tpu.memory_space<semaphore_mem>>)
      }
      %scan3A_56 = arith.constant 15 : i32
      %dma_wait3A = arith.constant 30 : i32
      %dma_wait3A_57 = arith.constant 0 : i32
      %dma_wait3A_58 = tpu.memref_slice %arg6[%dma_wait3A, %dma_wait3A_57] : memref<32x128xi32, #tpu.memory_space<vmem>> -> memref<1x128xi32, #tpu.memory_space<vmem>>
      %dma_wait3A_59 = tpu.memref_squeeze %dma_wait3A_58 : memref<1x128xi32, #tpu.memory_space<vmem>> -> memref<128xi32, #tpu.memory_space<vmem>>
      %dma_wait3A_60 = arith.constant 0 : i32
      %dma_wait3A_61 = arith.constant 0 : i32
      %dma_wait3A_62 = tpu.memref_slice %arg4[%dma_wait3A_60, %dma_wait3A_61] : memref<10000x128xf32, #tpu.memory_space<hbm>> -> memref<10000x128xf32, #tpu.memory_space<hbm>>
      tpu.wait_indirect_dma semaphore(%arg11 : memref<!tpu.dma_semaphore, #tpu.memory_space<semaphore_mem>>) src(%dma_wait3A_62 : memref<10000x128xf32, #tpu.memory_space<hbm>>) dst(%arg8 : memref<128x128xf32, #tpu.memory_space<vmem>>)
      %run_scoped3A = arith.constant 30 : i32
      "tpu.region"() ({
        %run_scoped3A_71 = tpu.sem_alloc : memref<!tpu.dma_semaphore, #tpu.memory_space<semaphore_mem>>
        %dma_start3A_72 = arith.constant 0 : i32
        %dma_start3A_73 = tpu.memref_slice %arg7[%run_scoped3A, %dma_start3A_72] : memref<32x128xi32, #tpu.memory_space<vmem>> -> memref<1x128xi32, #tpu.memory_space<vmem>>
        %dma_start3A_74 = tpu.memref_squeeze %dma_start3A_73 : memref<1x128xi32, #tpu.memory_space<vmem>> -> memref<128xi32, #tpu.memory_space<vmem>>
        %dma_start3A_75 = arith.constant 0 : i32
        %dma_start3A_76 = arith.constant 0 : i32
        %dma_start3A_77 = tpu.memref_slice %arg10[%dma_start3A_75, %dma_start3A_76] : memref<10240x128xf32, #tpu.memory_space<vmem_shared>> -> memref<10240x128xf32, #tpu.memory_space<vmem_shared>>
        tpu.enqueue_indirect_dma source(%arg8 : memref<128x128xf32, #tpu.memory_space<vmem>>) target(%dma_start3A_77 : memref<10240x128xf32, #tpu.memory_space<vmem_shared>>) offsets(%dma_start3A_74 : memref<128xi32, #tpu.memory_space<vmem>>) semaphore(%run_scoped3A_71 : memref<!tpu.dma_semaphore, #tpu.memory_space<semaphore_mem>>) {add = true}
        %dma_wait3A_78 = arith.constant 0 : i32
        %dma_wait3A_79 = tpu.memref_slice %arg7[%run_scoped3A, %dma_wait3A_78] : memref<32x128xi32, #tpu.memory_space<vmem>> -> memref<1x128xi32, #tpu.memory_space<vmem>>
        %dma_wait3A_80 = tpu.memref_squeeze %dma_wait3A_79 : memref<1x128xi32, #tpu.memory_space<vmem>> -> memref<128xi32, #tpu.memory_space<vmem>>
        %dma_wait3A_81 = arith.constant 0 : i32
        %dma_wait3A_82 = arith.constant 0 : i32
        %dma_wait3A_83 = tpu.memref_slice %arg10[%dma_wait3A_81, %dma_wait3A_82] : memref<10240x128xf32, #tpu.memory_space<vmem_shared>> -> memref<10240x128xf32, #tpu.memory_space<vmem_shared>>
        tpu.wait_indirect_dma semaphore(%run_scoped3A_71 : memref<!tpu.dma_semaphore, #tpu.memory_space<semaphore_mem>>) src(%arg8 : memref<128x128xf32, #tpu.memory_space<vmem>>) dst(%dma_wait3A_83 : memref<10240x128xf32, #tpu.memory_space<vmem_shared>>)
        tpu.yield
      }) : () -> ()
      %dma_wait3A_63 = arith.constant 31 : i32
      %dma_wait3A_64 = arith.constant 0 : i32
      %dma_wait3A_65 = tpu.memref_slice %arg6[%dma_wait3A_63, %dma_wait3A_64] : memref<32x128xi32, #tpu.memory_space<vmem>> -> memref<1x128xi32, #tpu.memory_space<vmem>>
      %dma_wait3A_66 = tpu.memref_squeeze %dma_wait3A_65 : memref<1x128xi32, #tpu.memory_space<vmem>> -> memref<128xi32, #tpu.memory_space<vmem>>
      %dma_wait3A_67 = arith.constant 0 : i32
      %dma_wait3A_68 = arith.constant 0 : i32
      %dma_wait3A_69 = tpu.memref_slice %arg4[%dma_wait3A_67, %dma_wait3A_68] : memref<10000x128xf32, #tpu.memory_space<hbm>> -> memref<10000x128xf32, #tpu.memory_space<hbm>>
      tpu.wait_indirect_dma semaphore(%arg12 : memref<!tpu.dma_semaphore, #tpu.memory_space<semaphore_mem>>) src(%dma_wait3A_69 : memref<10000x128xf32, #tpu.memory_space<hbm>>) dst(%arg9 : memref<128x128xf32, #tpu.memory_space<vmem>>)
      %run_scoped3A_70 = arith.constant 31 : i32
      "tpu.region"() ({
        %run_scoped3A_71 = tpu.sem_alloc : memref<!tpu.dma_semaphore, #tpu.memory_space<semaphore_mem>>
        %dma_start3A_72 = arith.constant 0 : i32
        %dma_start3A_73 = tpu.memref_slice %arg7[%run_scoped3A_70, %dma_start3A_72] : memref<32x128xi32, #tpu.memory_space<vmem>> -> memref<1x128xi32, #tpu.memory_space<vmem>>
        %dma_start3A_74 = tpu.memref_squeeze %dma_start3A_73 : memref<1x128xi32, #tpu.memory_space<vmem>> -> memref<128xi32, #tpu.memory_space<vmem>>
        %dma_start3A_75 = arith.constant 0 : i32
        %dma_start3A_76 = arith.constant 0 : i32
        %dma_start3A_77 = tpu.memref_slice %arg10[%dma_start3A_75, %dma_start3A_76] : memref<10240x128xf32, #tpu.memory_space<vmem_shared>> -> memref<10240x128xf32, #tpu.memory_space<vmem_shared>>
        tpu.enqueue_indirect_dma source(%arg9 : memref<128x128xf32, #tpu.memory_space<vmem>>) target(%dma_start3A_77 : memref<10240x128xf32, #tpu.memory_space<vmem_shared>>) offsets(%dma_start3A_74 : memref<128xi32, #tpu.memory_space<vmem>>) semaphore(%run_scoped3A_71 : memref<!tpu.dma_semaphore, #tpu.memory_space<semaphore_mem>>) {add = true}
        %dma_wait3A_78 = arith.constant 0 : i32
        %dma_wait3A_79 = tpu.memref_slice %arg7[%run_scoped3A_70, %dma_wait3A_78] : memref<32x128xi32, #tpu.memory_space<vmem>> -> memref<1x128xi32, #tpu.memory_space<vmem>>
        %dma_wait3A_80 = tpu.memref_squeeze %dma_wait3A_79 : memref<1x128xi32, #tpu.memory_space<vmem>> -> memref<128xi32, #tpu.memory_space<vmem>>
        %dma_wait3A_81 = arith.constant 0 : i32
        %dma_wait3A_82 = arith.constant 0 : i32
        %dma_wait3A_83 = tpu.memref_slice %arg10[%dma_wait3A_81, %dma_wait3A_82] : memref<10240x128xf32, #tpu.memory_space<vmem_shared>> -> memref<10240x128xf32, #tpu.memory_space<vmem_shared>>
        tpu.wait_indirect_dma semaphore(%run_scoped3A_71 : memref<!tpu.dma_semaphore, #tpu.memory_space<semaphore_mem>>) src(%arg9 : memref<128x128xf32, #tpu.memory_space<vmem>>) dst(%dma_wait3A_83 : memref<10240x128xf32, #tpu.memory_space<vmem_shared>>)
        tpu.yield
      }) : () -> ()
    }
    %while3A_28 = arith.constant 1 : i32
    scf.for %while3A_34 = %while3A_26 to %while3A_22 step %while3A_28  : i32 {
      %mul3A_35 = arith.constant 32 : i32
      %mul3A_36 = arith.muli %while3A_34, %mul3A_35 : i32
      %add3A_37 = arith.addi %select_n3A_8, %mul3A_36 : i32
      %multiple_of3A = tpu.assume_multiple %add3A_37, 32 : i32
      "tpu.region"() ({
        %run_scoped3A_71 = tpu.sem_alloc : memref<!tpu.dma_semaphore, #tpu.memory_space<semaphore_mem>>
        %dma_start3A_72 = arith.constant 0 : i32
        %dma_start3A_73 = tpu.memref_slice %arg2[%multiple_of3A, %dma_start3A_72] : memref<2560x128xi32, #tpu.memory_space<hbm>> -> memref<32x128xi32, #tpu.memory_space<hbm>>
        %dma_start3A_74 = arith.constant 0 : i32
        %dma_start3A_75 = tpu.memref_slice %arg2[%multiple_of3A, %dma_start3A_74] : memref<2560x128xi32, #tpu.memory_space<hbm>> -> memref<32x128xi32, #tpu.memory_space<hbm>>
        tpu.enqueue_dma source(%dma_start3A_75 : memref<32x128xi32, #tpu.memory_space<hbm>>) target(%arg6 : memref<32x128xi32, #tpu.memory_space<vmem>>) target_semaphore(%run_scoped3A_71 : memref<!tpu.dma_semaphore, #tpu.memory_space<semaphore_mem>>)
        %dma_wait3A_76 = arith.constant 0 : i32
        %dma_wait3A_77 = tpu.memref_slice %arg2[%multiple_of3A, %dma_wait3A_76] : memref<2560x128xi32, #tpu.memory_space<hbm>> -> memref<32x128xi32, #tpu.memory_space<hbm>>
        %dma_wait3A_78 = arith.constant 0 : i32
        %dma_wait3A_79 = tpu.memref_slice %arg2[%multiple_of3A, %dma_wait3A_78] : memref<2560x128xi32, #tpu.memory_space<hbm>> -> memref<32x128xi32, #tpu.memory_space<hbm>>
        tpu.wait_dma2 semaphore(%run_scoped3A_71 : memref<!tpu.dma_semaphore, #tpu.memory_space<semaphore_mem>>) src(%dma_wait3A_79 : memref<32x128xi32, #tpu.memory_space<hbm>>) dst(%arg6 : memref<32x128xi32, #tpu.memory_space<vmem>>)
        tpu.yield
      }) : () -> ()
      "tpu.region"() ({
        %run_scoped3A_71 = tpu.sem_alloc : memref<!tpu.dma_semaphore, #tpu.memory_space<semaphore_mem>>
        %dma_start3A_72 = arith.constant 0 : i32
        %dma_start3A_73 = tpu.memref_slice %arg3[%multiple_of3A, %dma_start3A_72] : memref<2560x128xi32, #tpu.memory_space<hbm>> -> memref<32x128xi32, #tpu.memory_space<hbm>>
        %dma_start3A_74 = arith.constant 0 : i32
        %dma_start3A_75 = tpu.memref_slice %arg3[%multiple_of3A, %dma_start3A_74] : memref<2560x128xi32, #tpu.memory_space<hbm>> -> memref<32x128xi32, #tpu.memory_space<hbm>>
        tpu.enqueue_dma source(%dma_start3A_75 : memref<32x128xi32, #tpu.memory_space<hbm>>) target(%arg7 : memref<32x128xi32, #tpu.memory_space<vmem>>) target_semaphore(%run_scoped3A_71 : memref<!tpu.dma_semaphore, #tpu.memory_space<semaphore_mem>>)
        %dma_wait3A_76 = arith.constant 0 : i32
        %dma_wait3A_77 = tpu.memref_slice %arg3[%multiple_of3A, %dma_wait3A_76] : memref<2560x128xi32, #tpu.memory_space<hbm>> -> memref<32x128xi32, #tpu.memory_space<hbm>>
        %dma_wait3A_78 = arith.constant 0 : i32
        %dma_wait3A_79 = tpu.memref_slice %arg3[%multiple_of3A, %dma_wait3A_78] : memref<2560x128xi32, #tpu.memory_space<hbm>> -> memref<32x128xi32, #tpu.memory_space<hbm>>
        tpu.wait_dma2 semaphore(%run_scoped3A_71 : memref<!tpu.dma_semaphore, #tpu.memory_space<semaphore_mem>>) src(%dma_wait3A_79 : memref<32x128xi32, #tpu.memory_space<hbm>>) dst(%arg7 : memref<32x128xi32, #tpu.memory_space<vmem>>)
        tpu.yield
      }) : () -> ()
      %dma_start3A = arith.constant 0 : i32
      %dma_start3A_38 = arith.constant 0 : i32
      %dma_start3A_39 = tpu.memref_slice %arg6[%dma_start3A, %dma_start3A_38] : memref<32x128xi32, #tpu.memory_space<vmem>> -> memref<1x128xi32, #tpu.memory_space<vmem>>
      %dma_start3A_40 = tpu.memref_squeeze %dma_start3A_39 : memref<1x128xi32, #tpu.memory_space<vmem>> -> memref<128xi32, #tpu.memory_space<vmem>>
      %dma_start3A_41 = arith.constant 0 : i32
      %dma_start3A_42 = arith.constant 0 : i32
      %dma_start3A_43 = tpu.memref_slice %arg4[%dma_start3A_41, %dma_start3A_42] : memref<10000x128xf32, #tpu.memory_space<hbm>> -> memref<10000x128xf32, #tpu.memory_space<hbm>>
      tpu.enqueue_indirect_dma source(%dma_start3A_43 : memref<10000x128xf32, #tpu.memory_space<hbm>>) target(%arg8 : memref<128x128xf32, #tpu.memory_space<vmem>>) offsets(%dma_start3A_40 : memref<128xi32, #tpu.memory_space<vmem>>) semaphore(%arg11 : memref<!tpu.dma_semaphore, #tpu.memory_space<semaphore_mem>>)
      %dma_start3A_44 = arith.constant 1 : i32
      %dma_start3A_45 = arith.constant 0 : i32
      %dma_start3A_46 = tpu.memref_slice %arg6[%dma_start3A_44, %dma_start3A_45] : memref<32x128xi32, #tpu.memory_space<vmem>> -> memref<1x128xi32, #tpu.memory_space<vmem>>
      %dma_start3A_47 = tpu.memref_squeeze %dma_start3A_46 : memref<1x128xi32, #tpu.memory_space<vmem>> -> memref<128xi32, #tpu.memory_space<vmem>>
      %dma_start3A_48 = arith.constant 0 : i32
      %dma_start3A_49 = arith.constant 0 : i32
      %dma_start3A_50 = tpu.memref_slice %arg4[%dma_start3A_48, %dma_start3A_49] : memref<10000x128xf32, #tpu.memory_space<hbm>> -> memref<10000x128xf32, #tpu.memory_space<hbm>>
      tpu.enqueue_indirect_dma source(%dma_start3A_50 : memref<10000x128xf32, #tpu.memory_space<hbm>>) target(%arg9 : memref<128x128xf32, #tpu.memory_space<vmem>>) offsets(%dma_start3A_47 : memref<128xi32, #tpu.memory_space<vmem>>) semaphore(%arg12 : memref<!tpu.dma_semaphore, #tpu.memory_space<semaphore_mem>>)
      %scan3A_51 = arith.constant 0 : i32
      %scan3A_52 = arith.constant 0 : i32
      %scan3A_53 = arith.constant 15 : i32
      %scan3A_54 = arith.addi %scan3A_52, %scan3A_53 : i32
      %scan3A_55 = arith.constant 1 : i32
      scf.for %scan3A_71 = %scan3A_52 to %scan3A_54 step %scan3A_55  : i32 {
        %mul3A_72 = arith.constant 2 : i32
        %mul3A_73 = arith.muli %mul3A_72, %scan3A_71 : i32
        %dma_wait3A_74 = arith.constant 0 : i32
        %dma_wait3A_75 = tpu.memref_slice %arg6[%mul3A_73, %dma_wait3A_74] : memref<32x128xi32, #tpu.memory_space<vmem>> -> memref<1x128xi32, #tpu.memory_space<vmem>>
        %dma_wait3A_76 = tpu.memref_squeeze %dma_wait3A_75 : memref<1x128xi32, #tpu.memory_space<vmem>> -> memref<128xi32, #tpu.memory_space<vmem>>
        %dma_wait3A_77 = arith.constant 0 : i32
        %dma_wait3A_78 = arith.constant 0 : i32
        %dma_wait3A_79 = tpu.memref_slice %arg4[%dma_wait3A_77, %dma_wait3A_78] : memref<10000x128xf32, #tpu.memory_space<hbm>> -> memref<10000x128xf32, #tpu.memory_space<hbm>>
        tpu.wait_indirect_dma semaphore(%arg11 : memref<!tpu.dma_semaphore, #tpu.memory_space<semaphore_mem>>) src(%dma_wait3A_79 : memref<10000x128xf32, #tpu.memory_space<hbm>>) dst(%arg8 : memref<128x128xf32, #tpu.memory_space<vmem>>)
        "tpu.region"() ({
          %run_scoped3A_106 = tpu.sem_alloc : memref<!tpu.dma_semaphore, #tpu.memory_space<semaphore_mem>>
          %dma_start3A_107 = arith.constant 0 : i32
          %dma_start3A_108 = tpu.memref_slice %arg7[%mul3A_73, %dma_start3A_107] : memref<32x128xi32, #tpu.memory_space<vmem>> -> memref<1x128xi32, #tpu.memory_space<vmem>>
          %dma_start3A_109 = tpu.memref_squeeze %dma_start3A_108 : memref<1x128xi32, #tpu.memory_space<vmem>> -> memref<128xi32, #tpu.memory_space<vmem>>
          %dma_start3A_110 = arith.constant 0 : i32
          %dma_start3A_111 = arith.constant 0 : i32
          %dma_start3A_112 = tpu.memref_slice %arg10[%dma_start3A_110, %dma_start3A_111] : memref<10240x128xf32, #tpu.memory_space<vmem_shared>> -> memref<10240x128xf32, #tpu.memory_space<vmem_shared>>
          tpu.enqueue_indirect_dma source(%arg8 : memref<128x128xf32, #tpu.memory_space<vmem>>) target(%dma_start3A_112 : memref<10240x128xf32, #tpu.memory_space<vmem_shared>>) offsets(%dma_start3A_109 : memref<128xi32, #tpu.memory_space<vmem>>) semaphore(%run_scoped3A_106 : memref<!tpu.dma_semaphore, #tpu.memory_space<semaphore_mem>>) {add = true}
          %dma_wait3A_113 = arith.constant 0 : i32
          %dma_wait3A_114 = tpu.memref_slice %arg7[%mul3A_73, %dma_wait3A_113] : memref<32x128xi32, #tpu.memory_space<vmem>> -> memref<1x128xi32, #tpu.memory_space<vmem>>
          %dma_wait3A_115 = tpu.memref_squeeze %dma_wait3A_114 : memref<1x128xi32, #tpu.memory_space<vmem>> -> memref<128xi32, #tpu.memory_space<vmem>>
          %dma_wait3A_116 = arith.constant 0 : i32
          %dma_wait3A_117 = arith.constant 0 : i32
          %dma_wait3A_118 = tpu.memref_slice %arg10[%dma_wait3A_116, %dma_wait3A_117] : memref<10240x128xf32, #tpu.memory_space<vmem_shared>> -> memref<10240x128xf32, #tpu.memory_space<vmem_shared>>
          tpu.wait_indirect_dma semaphore(%run_scoped3A_106 : memref<!tpu.dma_semaphore, #tpu.memory_space<semaphore_mem>>) src(%arg8 : memref<128x128xf32, #tpu.memory_space<vmem>>) dst(%dma_wait3A_118 : memref<10240x128xf32, #tpu.memory_space<vmem_shared>>)
          tpu.yield
        }) : () -> ()
        %add3A_80 = arith.constant 2 : i32
        %add3A_81 = arith.addi %mul3A_73, %add3A_80 : i32
        %dma_start3A_82 = arith.constant 0 : i32
        %dma_start3A_83 = tpu.memref_slice %arg6[%add3A_81, %dma_start3A_82] : memref<32x128xi32, #tpu.memory_space<vmem>> -> memref<1x128xi32, #tpu.memory_space<vmem>>
        %dma_start3A_84 = tpu.memref_squeeze %dma_start3A_83 : memref<1x128xi32, #tpu.memory_space<vmem>> -> memref<128xi32, #tpu.memory_space<vmem>>
        %dma_start3A_85 = arith.constant 0 : i32
        %dma_start3A_86 = arith.constant 0 : i32
        %dma_start3A_87 = tpu.memref_slice %arg4[%dma_start3A_85, %dma_start3A_86] : memref<10000x128xf32, #tpu.memory_space<hbm>> -> memref<10000x128xf32, #tpu.memory_space<hbm>>
        tpu.enqueue_indirect_dma source(%dma_start3A_87 : memref<10000x128xf32, #tpu.memory_space<hbm>>) target(%arg8 : memref<128x128xf32, #tpu.memory_space<vmem>>) offsets(%dma_start3A_84 : memref<128xi32, #tpu.memory_space<vmem>>) semaphore(%arg11 : memref<!tpu.dma_semaphore, #tpu.memory_space<semaphore_mem>>)
        %add3A_88 = arith.constant 1 : i32
        %add3A_89 = arith.addi %mul3A_73, %add3A_88 : i32
        %dma_wait3A_90 = arith.constant 0 : i32
        %dma_wait3A_91 = tpu.memref_slice %arg6[%add3A_89, %dma_wait3A_90] : memref<32x128xi32, #tpu.memory_space<vmem>> -> memref<1x128xi32, #tpu.memory_space<vmem>>
        %dma_wait3A_92 = tpu.memref_squeeze %dma_wait3A_91 : memref<1x128xi32, #tpu.memory_space<vmem>> -> memref<128xi32, #tpu.memory_space<vmem>>
        %dma_wait3A_93 = arith.constant 0 : i32
        %dma_wait3A_94 = arith.constant 0 : i32
        %dma_wait3A_95 = tpu.memref_slice %arg4[%dma_wait3A_93, %dma_wait3A_94] : memref<10000x128xf32, #tpu.memory_space<hbm>> -> memref<10000x128xf32, #tpu.memory_space<hbm>>
        tpu.wait_indirect_dma semaphore(%arg12 : memref<!tpu.dma_semaphore, #tpu.memory_space<semaphore_mem>>) src(%dma_wait3A_95 : memref<10000x128xf32, #tpu.memory_space<hbm>>) dst(%arg9 : memref<128x128xf32, #tpu.memory_space<vmem>>)
        %add3A_96 = arith.constant 1 : i32
        %add3A_97 = arith.addi %mul3A_73, %add3A_96 : i32
        "tpu.region"() ({
          %run_scoped3A_106 = tpu.sem_alloc : memref<!tpu.dma_semaphore, #tpu.memory_space<semaphore_mem>>
          %dma_start3A_107 = arith.constant 0 : i32
          %dma_start3A_108 = tpu.memref_slice %arg7[%add3A_97, %dma_start3A_107] : memref<32x128xi32, #tpu.memory_space<vmem>> -> memref<1x128xi32, #tpu.memory_space<vmem>>
          %dma_start3A_109 = tpu.memref_squeeze %dma_start3A_108 : memref<1x128xi32, #tpu.memory_space<vmem>> -> memref<128xi32, #tpu.memory_space<vmem>>
          %dma_start3A_110 = arith.constant 0 : i32
          %dma_start3A_111 = arith.constant 0 : i32
          %dma_start3A_112 = tpu.memref_slice %arg10[%dma_start3A_110, %dma_start3A_111] : memref<10240x128xf32, #tpu.memory_space<vmem_shared>> -> memref<10240x128xf32, #tpu.memory_space<vmem_shared>>
          tpu.enqueue_indirect_dma source(%arg9 : memref<128x128xf32, #tpu.memory_space<vmem>>) target(%dma_start3A_112 : memref<10240x128xf32, #tpu.memory_space<vmem_shared>>) offsets(%dma_start3A_109 : memref<128xi32, #tpu.memory_space<vmem>>) semaphore(%run_scoped3A_106 : memref<!tpu.dma_semaphore, #tpu.memory_space<semaphore_mem>>) {add = true}
          %dma_wait3A_113 = arith.constant 0 : i32
          %dma_wait3A_114 = tpu.memref_slice %arg7[%add3A_97, %dma_wait3A_113] : memref<32x128xi32, #tpu.memory_space<vmem>> -> memref<1x128xi32, #tpu.memory_space<vmem>>
          %dma_wait3A_115 = tpu.memref_squeeze %dma_wait3A_114 : memref<1x128xi32, #tpu.memory_space<vmem>> -> memref<128xi32, #tpu.memory_space<vmem>>
          %dma_wait3A_116 = arith.constant 0 : i32
          %dma_wait3A_117 = arith.constant 0 : i32
          %dma_wait3A_118 = tpu.memref_slice %arg10[%dma_wait3A_116, %dma_wait3A_117] : memref<10240x128xf32, #tpu.memory_space<vmem_shared>> -> memref<10240x128xf32, #tpu.memory_space<vmem_shared>>
          tpu.wait_indirect_dma semaphore(%run_scoped3A_106 : memref<!tpu.dma_semaphore, #tpu.memory_space<semaphore_mem>>) src(%arg9 : memref<128x128xf32, #tpu.memory_space<vmem>>) dst(%dma_wait3A_118 : memref<10240x128xf32, #tpu.memory_space<vmem_shared>>)
          tpu.yield
        }) : () -> ()
        %add3A_98 = arith.constant 3 : i32
        %add3A_99 = arith.addi %mul3A_73, %add3A_98 : i32
        %dma_start3A_100 = arith.constant 0 : i32
        %dma_start3A_101 = tpu.memref_slice %arg6[%add3A_99, %dma_start3A_100] : memref<32x128xi32, #tpu.memory_space<vmem>> -> memref<1x128xi32, #tpu.memory_space<vmem>>
        %dma_start3A_102 = tpu.memref_squeeze %dma_start3A_101 : memref<1x128xi32, #tpu.memory_space<vmem>> -> memref<128xi32, #tpu.memory_space<vmem>>
        %dma_start3A_103 = arith.constant 0 : i32
        %dma_start3A_104 = arith.constant 0 : i32
        %dma_start3A_105 = tpu.memref_slice %arg4[%dma_start3A_103, %dma_start3A_104] : memref<10000x128xf32, #tpu.memory_space<hbm>> -> memref<10000x128xf32, #tpu.memory_space<hbm>>
        tpu.enqueue_indirect_dma source(%dma_start3A_105 : memref<10000x128xf32, #tpu.memory_space<hbm>>) target(%arg9 : memref<128x128xf32, #tpu.memory_space<vmem>>) offsets(%dma_start3A_102 : memref<128xi32, #tpu.memory_space<vmem>>) semaphore(%arg12 : memref<!tpu.dma_semaphore, #tpu.memory_space<semaphore_mem>>)
      }
      %scan3A_56 = arith.constant 15 : i32
      %dma_wait3A = arith.constant 30 : i32
      %dma_wait3A_57 = arith.constant 0 : i32
      %dma_wait3A_58 = tpu.memref_slice %arg6[%dma_wait3A, %dma_wait3A_57] : memref<32x128xi32, #tpu.memory_space<vmem>> -> memref<1x128xi32, #tpu.memory_space<vmem>>
      %dma_wait3A_59 = tpu.memref_squeeze %dma_wait3A_58 : memref<1x128xi32, #tpu.memory_space<vmem>> -> memref<128xi32, #tpu.memory_space<vmem>>
      %dma_wait3A_60 = arith.constant 0 : i32
      %dma_wait3A_61 = arith.constant 0 : i32
      %dma_wait3A_62 = tpu.memref_slice %arg4[%dma_wait3A_60, %dma_wait3A_61] : memref<10000x128xf32, #tpu.memory_space<hbm>> -> memref<10000x128xf32, #tpu.memory_space<hbm>>
      tpu.wait_indirect_dma semaphore(%arg11 : memref<!tpu.dma_semaphore, #tpu.memory_space<semaphore_mem>>) src(%dma_wait3A_62 : memref<10000x128xf32, #tpu.memory_space<hbm>>) dst(%arg8 : memref<128x128xf32, #tpu.memory_space<vmem>>)
      %run_scoped3A = arith.constant 30 : i32
      "tpu.region"() ({
        %run_scoped3A_71 = tpu.sem_alloc : memref<!tpu.dma_semaphore, #tpu.memory_space<semaphore_mem>>
        %dma_start3A_72 = arith.constant 0 : i32
        %dma_start3A_73 = tpu.memref_slice %arg7[%run_scoped3A, %dma_start3A_72] : memref<32x128xi32, #tpu.memory_space<vmem>> -> memref<1x128xi32, #tpu.memory_space<vmem>>
        %dma_start3A_74 = tpu.memref_squeeze %dma_start3A_73 : memref<1x128xi32, #tpu.memory_space<vmem>> -> memref<128xi32, #tpu.memory_space<vmem>>
        %dma_start3A_75 = arith.constant 0 : i32
        %dma_start3A_76 = arith.constant 0 : i32
        %dma_start3A_77 = tpu.memref_slice %arg10[%dma_start3A_75, %dma_start3A_76] : memref<10240x128xf32, #tpu.memory_space<vmem_shared>> -> memref<10240x128xf32, #tpu.memory_space<vmem_shared>>
        tpu.enqueue_indirect_dma source(%arg8 : memref<128x128xf32, #tpu.memory_space<vmem>>) target(%dma_start3A_77 : memref<10240x128xf32, #tpu.memory_space<vmem_shared>>) offsets(%dma_start3A_74 : memref<128xi32, #tpu.memory_space<vmem>>) semaphore(%run_scoped3A_71 : memref<!tpu.dma_semaphore, #tpu.memory_space<semaphore_mem>>) {add = true}
        %dma_wait3A_78 = arith.constant 0 : i32
        %dma_wait3A_79 = tpu.memref_slice %arg7[%run_scoped3A, %dma_wait3A_78] : memref<32x128xi32, #tpu.memory_space<vmem>> -> memref<1x128xi32, #tpu.memory_space<vmem>>
        %dma_wait3A_80 = tpu.memref_squeeze %dma_wait3A_79 : memref<1x128xi32, #tpu.memory_space<vmem>> -> memref<128xi32, #tpu.memory_space<vmem>>
        %dma_wait3A_81 = arith.constant 0 : i32
        %dma_wait3A_82 = arith.constant 0 : i32
        %dma_wait3A_83 = tpu.memref_slice %arg10[%dma_wait3A_81, %dma_wait3A_82] : memref<10240x128xf32, #tpu.memory_space<vmem_shared>> -> memref<10240x128xf32, #tpu.memory_space<vmem_shared>>
        tpu.wait_indirect_dma semaphore(%run_scoped3A_71 : memref<!tpu.dma_semaphore, #tpu.memory_space<semaphore_mem>>) src(%arg8 : memref<128x128xf32, #tpu.memory_space<vmem>>) dst(%dma_wait3A_83 : memref<10240x128xf32, #tpu.memory_space<vmem_shared>>)
        tpu.yield
      }) : () -> ()
      %dma_wait3A_63 = arith.constant 31 : i32
      %dma_wait3A_64 = arith.constant 0 : i32
      %dma_wait3A_65 = tpu.memref_slice %arg6[%dma_wait3A_63, %dma_wait3A_64] : memref<32x128xi32, #tpu.memory_space<vmem>> -> memref<1x128xi32, #tpu.memory_space<vmem>>
      %dma_wait3A_66 = tpu.memref_squeeze %dma_wait3A_65 : memref<1x128xi32, #tpu.memory_space<vmem>> -> memref<128xi32, #tpu.memory_space<vmem>>
      %dma_wait3A_67 = arith.constant 0 : i32
      %dma_wait3A_68 = arith.constant 0 : i32
      %dma_wait3A_69 = tpu.memref_slice %arg4[%dma_wait3A_67, %dma_wait3A_68] : memref<10000x128xf32, #tpu.memory_space<hbm>> -> memref<10000x128xf32, #tpu.memory_space<hbm>>
      tpu.wait_indirect_dma semaphore(%arg12 : memref<!tpu.dma_semaphore, #tpu.memory_space<semaphore_mem>>) src(%dma_wait3A_69 : memref<10000x128xf32, #tpu.memory_space<hbm>>) dst(%arg9 : memref<128x128xf32, #tpu.memory_space<vmem>>)
      %run_scoped3A_70 = arith.constant 31 : i32
      "tpu.region"() ({
        %run_scoped3A_71 = tpu.sem_alloc : memref<!tpu.dma_semaphore, #tpu.memory_space<semaphore_mem>>
        %dma_start3A_72 = arith.constant 0 : i32
        %dma_start3A_73 = tpu.memref_slice %arg7[%run_scoped3A_70, %dma_start3A_72] : memref<32x128xi32, #tpu.memory_space<vmem>> -> memref<1x128xi32, #tpu.memory_space<vmem>>
        %dma_start3A_74 = tpu.memref_squeeze %dma_start3A_73 : memref<1x128xi32, #tpu.memory_space<vmem>> -> memref<128xi32, #tpu.memory_space<vmem>>
        %dma_start3A_75 = arith.constant 0 : i32
        %dma_start3A_76 = arith.constant 0 : i32
        %dma_start3A_77 = tpu.memref_slice %arg10[%dma_start3A_75, %dma_start3A_76] : memref<10240x128xf32, #tpu.memory_space<vmem_shared>> -> memref<10240x128xf32, #tpu.memory_space<vmem_shared>>
        tpu.enqueue_indirect_dma source(%arg9 : memref<128x128xf32, #tpu.memory_space<vmem>>) target(%dma_start3A_77 : memref<10240x128xf32, #tpu.memory_space<vmem_shared>>) offsets(%dma_start3A_74 : memref<128xi32, #tpu.memory_space<vmem>>) semaphore(%run_scoped3A_71 : memref<!tpu.dma_semaphore, #tpu.memory_space<semaphore_mem>>) {add = true}
        %dma_wait3A_78 = arith.constant 0 : i32
        %dma_wait3A_79 = tpu.memref_slice %arg7[%run_scoped3A_70, %dma_wait3A_78] : memref<32x128xi32, #tpu.memory_space<vmem>> -> memref<1x128xi32, #tpu.memory_space<vmem>>
        %dma_wait3A_80 = tpu.memref_squeeze %dma_wait3A_79 : memref<1x128xi32, #tpu.memory_space<vmem>> -> memref<128xi32, #tpu.memory_space<vmem>>
        %dma_wait3A_81 = arith.constant 0 : i32
        %dma_wait3A_82 = arith.constant 0 : i32
        %dma_wait3A_83 = tpu.memref_slice %arg10[%dma_wait3A_81, %dma_wait3A_82] : memref<10240x128xf32, #tpu.memory_space<vmem_shared>> -> memref<10240x128xf32, #tpu.memory_space<vmem_shared>>
        tpu.wait_indirect_dma semaphore(%run_scoped3A_71 : memref<!tpu.dma_semaphore, #tpu.memory_space<semaphore_mem>>) src(%arg9 : memref<128x128xf32, #tpu.memory_space<vmem>>) dst(%dma_wait3A_83 : memref<10240x128xf32, #tpu.memory_space<vmem_shared>>)
        tpu.yield
      }) : () -> ()
    }
    %barrier3A_29 = arith.constant 0 : index
    tpu.barrier barrier_id(%barrier3A_29)
    %mul3A_30 = arith.constant 640 : i32
    %mul3A_31 = arith.muli %arg1, %mul3A_30 : i32
    %mul3A_32 = arith.constant 640 : i32
    %mul3A_33 = arith.muli %arg1, %mul3A_32 : i32
    "tpu.region"() ({
      %run_scoped3A = tpu.sem_alloc : memref<!tpu.dma_semaphore, #tpu.memory_space<semaphore_mem>>
      %dma_start3A = arith.constant 0 : i32
      %dma_start3A_34 = tpu.memref_slice %arg5[%arg0, %mul3A_33, %dma_start3A] : memref<2x10240x128xf32, #tpu.memory_space<hbm>> -> memref<1x640x128xf32, #tpu.memory_space<hbm>>
      %dma_start3A_35 = tpu.memref_squeeze %dma_start3A_34 : memref<1x640x128xf32, #tpu.memory_space<hbm>> -> memref<640x128xf32, #tpu.memory_space<hbm>>
      %dma_start3A_36 = arith.constant 0 : i32
      %dma_start3A_37 = tpu.memref_slice %arg10[%mul3A_31, %dma_start3A_36] : memref<10240x128xf32, #tpu.memory_space<vmem_shared>> -> memref<640x128xf32, #tpu.memory_space<vmem_shared>>
      tpu.enqueue_dma source(%dma_start3A_37 : memref<640x128xf32, #tpu.memory_space<vmem_shared>>) target(%dma_start3A_35 : memref<640x128xf32, #tpu.memory_space<hbm>>) target_semaphore(%run_scoped3A : memref<!tpu.dma_semaphore, #tpu.memory_space<semaphore_mem>>)
      %dma_wait3A = arith.constant 0 : i32
      %dma_wait3A_38 = tpu.memref_slice %arg5[%arg0, %mul3A_33, %dma_wait3A] : memref<2x10240x128xf32, #tpu.memory_space<hbm>> -> memref<1x640x128xf32, #tpu.memory_space<hbm>>
      %dma_wait3A_39 = tpu.memref_squeeze %dma_wait3A_38 : memref<1x640x128xf32, #tpu.memory_space<hbm>> -> memref<640x128xf32, #tpu.memory_space<hbm>>
      %dma_wait3A_40 = arith.constant 0 : i32
      %dma_wait3A_41 = tpu.memref_slice %arg10[%mul3A_31, %dma_wait3A_40] : memref<10240x128xf32, #tpu.memory_space<vmem_shared>> -> memref<640x128xf32, #tpu.memory_space<vmem_shared>>
      tpu.wait_dma2 semaphore(%run_scoped3A : memref<!tpu.dma_semaphore, #tpu.memory_space<semaphore_mem>>) src(%dma_wait3A_41 : memref<640x128xf32, #tpu.memory_space<vmem_shared>>) dst(%dma_wait3A_39 : memref<640x128xf32, #tpu.memory_space<hbm>>)
      tpu.yield
    }) : () -> ()
    return
  }
}

#map = affine_map<(d0, d1) -> (0, 0)>
#map1 = affine_map<(d0, d1) -> (0, 0, 0)>
module attributes {stable_mosaic.version = 14 : i64} {
  func.func @_prop_kernel(%arg0: i32, %arg1: i32, %arg2: memref<2560x128xi32, #tpu.memory_space<hbm>>, %arg3: memref<2560x128xi32, #tpu.memory_space<hbm>>, %arg4: memref<10000x128xf32, #tpu.memory_space<hbm>>, %arg5: memref<2x10240x128xf32, #tpu.memory_space<hbm>>, %arg6: memref<32x128xi32, #tpu.memory_space<vmem>>, %arg7: memref<32x128xi32, #tpu.memory_space<vmem>>, %arg8: memref<128x128xf32, #tpu.memory_space<vmem>>, %arg9: memref<128x128xf32, #tpu.memory_space<vmem>>, %arg10: memref<10240x128xf32, #tpu.memory_space<vmem_shared>>, %arg11: memref<!tpu.dma_semaphore, #tpu.memory_space<semaphore_mem>>, %arg12: memref<!tpu.dma_semaphore, #tpu.memory_space<semaphore_mem>>) attributes {dimension_semantics = [#tpu.dimension_semantics<core_parallel>, #tpu.dimension_semantics<subcore_parallel>], iteration_bounds = array<i64: 2, 16>, scalar_prefetch = 0 : i64, scratch_operands = 7 : i64, tpu.core_type = #tpu.core_type<sc_vector_subcore>, window_params = [{transform_indices = #map}, {transform_indices = #map}, {transform_indices = #map}, {transform_indices = #map1}]} {
    %eq3A = arith.constant 0 : i32
    %eq3A_0 = arith.cmpi eq, %arg0, %eq3A : i32
    %jit3A = arith.constant 4 : i32
    %jit3A_1 = arith.constant 1 : i32
    %select_n3A = arith.select %eq3A_0, %jit3A, %jit3A_1 : i32
    %eq3A_2 = arith.constant 0 : i32
    %eq3A_3 = arith.cmpi eq, %arg0, %eq3A_2 : i32
    %mul3A = arith.constant 128 : i32
    %mul3A_4 = arith.muli %arg1, %mul3A : i32
    %mul3A_5 = arith.constant 32 : i32
    %mul3A_6 = arith.muli %arg1, %mul3A_5 : i32
    %add3A = arith.constant 2048 : i32
    %add3A_7 = arith.addi %add3A, %mul3A_6 : i32
    %select_n3A_8 = arith.select %eq3A_3, %mul3A_4, %add3A_7 : i32
    %scan3A = arith.constant 0 : i32
    %scan3A_9 = arith.constant 0 : i32
    %scan3A_10 = arith.constant 128 : i32
    %scan3A_11 = arith.addi %scan3A_9, %scan3A_10 : i32
    %scan3A_12 = arith.constant 1 : i32
    scf.for %scan3A_34 = %scan3A_9 to %scan3A_11 step %scan3A_12  : i32 {
      %broadcast_in_dim3A = arith.constant 0.000000e+00 : f32
      %broadcast_in_dim3A_35 = vector.broadcast %broadcast_in_dim3A : f32 to vector<16xf32>
      %swap3A = arith.index_cast %scan3A_34 : i32 to index
      %swap3A_36 = arith.constant 0 : index
      %swap3A_37 = tpu.vector_load %arg8[%swap3A, %swap3A_36] {strides = array<i32>} : memref<128x128xf32, #tpu.memory_space<vmem>>, vector<1x16xf32>,
      %swap3A_38 = vector.shape_cast %swap3A_37 : vector<1x16xf32> to vector<16xf32>
      %swap3A_39 = vector.shape_cast %broadcast_in_dim3A_35 : vector<16xf32> to vector<1x16xf32>
      tpu.vector_store %arg8[%swap3A, %swap3A_36], %swap3A_39 {strides = array<i32>} : memref<128x128xf32, #tpu.memory_space<vmem>>, vector<1x16xf32>,
      %broadcast_in_dim3A_40 = arith.constant 0.000000e+00 : f32
      %broadcast_in_dim3A_41 = vector.broadcast %broadcast_in_dim3A_40 : f32 to vector<16xf32>
      %swap3A_42 = arith.index_cast %scan3A_34 : i32 to index
      %swap3A_43 = arith.constant 16 : index
      %swap3A_44 = tpu.vector_load %arg8[%swap3A_42, %swap3A_43] {strides = array<i32>} : memref<128x128xf32, #tpu.memory_space<vmem>>, vector<1x16xf32>,
      %swap3A_45 = vector.shape_cast %swap3A_44 : vector<1x16xf32> to vector<16xf32>
      %swap3A_46 = vector.shape_cast %broadcast_in_dim3A_41 : vector<16xf32> to vector<1x16xf32>
      tpu.vector_store %arg8[%swap3A_42, %swap3A_43], %swap3A_46 {strides = array<i32>} : memref<128x128xf32, #tpu.memory_space<vmem>>, vector<1x16xf32>,
      %broadcast_in_dim3A_47 = arith.constant 0.000000e+00 : f32
      %broadcast_in_dim3A_48 = vector.broadcast %broadcast_in_dim3A_47 : f32 to vector<16xf32>
      %swap3A_49 = arith.index_cast %scan3A_34 : i32 to index
      %swap3A_50 = arith.constant 32 : index
      %swap3A_51 = tpu.vector_load %arg8[%swap3A_49, %swap3A_50] {strides = array<i32>} : memref<128x128xf32, #tpu.memory_space<vmem>>, vector<1x16xf32>,
      %swap3A_52 = vector.shape_cast %swap3A_51 : vector<1x16xf32> to vector<16xf32>
      %swap3A_53 = vector.shape_cast %broadcast_in_dim3A_48 : vector<16xf32> to vector<1x16xf32>
      tpu.vector_store %arg8[%swap3A_49, %swap3A_50], %swap3A_53 {strides = array<i32>} : memref<128x128xf32, #tpu.memory_space<vmem>>, vector<1x16xf32>,
      %broadcast_in_dim3A_54 = arith.constant 0.000000e+00 : f32
      %broadcast_in_dim3A_55 = vector.broadcast %broadcast_in_dim3A_54 : f32 to vector<16xf32>
      %swap3A_56 = arith.index_cast %scan3A_34 : i32 to index
      %swap3A_57 = arith.constant 48 : index
      %swap3A_58 = tpu.vector_load %arg8[%swap3A_56, %swap3A_57] {strides = array<i32>} : memref<128x128xf32, #tpu.memory_space<vmem>>, vector<1x16xf32>,
      %swap3A_59 = vector.shape_cast %swap3A_58 : vector<1x16xf32> to vector<16xf32>
      %swap3A_60 = vector.shape_cast %broadcast_in_dim3A_55 : vector<16xf32> to vector<1x16xf32>
      tpu.vector_store %arg8[%swap3A_56, %swap3A_57], %swap3A_60 {strides = array<i32>} : memref<128x128xf32, #tpu.memory_space<vmem>>, vector<1x16xf32>,
      %broadcast_in_dim3A_61 = arith.constant 0.000000e+00 : f32
      %broadcast_in_dim3A_62 = vector.broadcast %broadcast_in_dim3A_61 : f32 to vector<16xf32>
      %swap3A_63 = arith.index_cast %scan3A_34 : i32 to index
      %swap3A_64 = arith.constant 64 : index
      %swap3A_65 = tpu.vector_load %arg8[%swap3A_63, %swap3A_64] {strides = array<i32>} : memref<128x128xf32, #tpu.memory_space<vmem>>, vector<1x16xf32>,
      %swap3A_66 = vector.shape_cast %swap3A_65 : vector<1x16xf32> to vector<16xf32>
      %swap3A_67 = vector.shape_cast %broadcast_in_dim3A_62 : vector<16xf32> to vector<1x16xf32>
      tpu.vector_store %arg8[%swap3A_63, %swap3A_64], %swap3A_67 {strides = array<i32>} : memref<128x128xf32, #tpu.memory_space<vmem>>, vector<1x16xf32>,
      %broadcast_in_dim3A_68 = arith.constant 0.000000e+00 : f32
      %broadcast_in_dim3A_69 = vector.broadcast %broadcast_in_dim3A_68 : f32 to vector<16xf32>
      %swap3A_70 = arith.index_cast %scan3A_34 : i32 to index
      %swap3A_71 = arith.constant 80 : index
      %swap3A_72 = tpu.vector_load %arg8[%swap3A_70, %swap3A_71] {strides = array<i32>} : memref<128x128xf32, #tpu.memory_space<vmem>>, vector<1x16xf32>,
      %swap3A_73 = vector.shape_cast %swap3A_72 : vector<1x16xf32> to vector<16xf32>
      %swap3A_74 = vector.shape_cast %broadcast_in_dim3A_69 : vector<16xf32> to vector<1x16xf32>
      tpu.vector_store %arg8[%swap3A_70, %swap3A_71], %swap3A_74 {strides = array<i32>} : memref<128x128xf32, #tpu.memory_space<vmem>>, vector<1x16xf32>,
      %broadcast_in_dim3A_75 = arith.constant 0.000000e+00 : f32
      %broadcast_in_dim3A_76 = vector.broadcast %broadcast_in_dim3A_75 : f32 to vector<16xf32>
      %swap3A_77 = arith.index_cast %scan3A_34 : i32 to index
      %swap3A_78 = arith.constant 96 : index
      %swap3A_79 = tpu.vector_load %arg8[%swap3A_77, %swap3A_78] {strides = array<i32>} : memref<128x128xf32, #tpu.memory_space<vmem>>, vector<1x16xf32>,
      %swap3A_80 = vector.shape_cast %swap3A_79 : vector<1x16xf32> to vector<16xf32>
      %swap3A_81 = vector.shape_cast %broadcast_in_dim3A_76 : vector<16xf32> to vector<1x16xf32>
      tpu.vector_store %arg8[%swap3A_77, %swap3A_78], %swap3A_81 {strides = array<i32>} : memref<128x128xf32, #tpu.memory_space<vmem>>, vector<1x16xf32>,
      %broadcast_in_dim3A_82 = arith.constant 0.000000e+00 : f32
      %broadcast_in_dim3A_83 = vector.broadcast %broadcast_in_dim3A_82 : f32 to vector<16xf32>
      %swap3A_84 = arith.index_cast %scan3A_34 : i32 to index
      %swap3A_85 = arith.constant 112 : index
      %swap3A_86 = tpu.vector_load %arg8[%swap3A_84, %swap3A_85] {strides = array<i32>} : memref<128x128xf32, #tpu.memory_space<vmem>>, vector<1x16xf32>,
      %swap3A_87 = vector.shape_cast %swap3A_86 : vector<1x16xf32> to vector<16xf32>
      %swap3A_88 = vector.shape_cast %broadcast_in_dim3A_83 : vector<16xf32> to vector<1x16xf32>
      tpu.vector_store %arg8[%swap3A_84, %swap3A_85], %swap3A_88 {strides = array<i32>} : memref<128x128xf32, #tpu.memory_space<vmem>>, vector<1x16xf32>,
    }
    %scan3A_13 = arith.constant 128 : i32
    %scan3A_14 = arith.constant 0 : i32
    %scan3A_15 = arith.constant 0 : i32
    %scan3A_16 = arith.constant 5 : i32
    %scan3A_17 = arith.addi %scan3A_15, %scan3A_16 : i32
    %scan3A_18 = arith.constant 1 : i32
    scf.for %scan3A_34 = %scan3A_15 to %scan3A_17 step %scan3A_18  : i32 {
      %mul3A_35 = arith.constant 640 : i32
      %mul3A_36 = arith.muli %arg1, %mul3A_35 : i32
      %mul3A_37 = arith.constant 128 : i32
      %mul3A_38 = arith.muli %scan3A_34, %mul3A_37 : i32
      %add3A_39 = arith.addi %mul3A_36, %mul3A_38 : i32
      "tpu.region"() ({
        %run_scoped3A = tpu.sem_alloc : memref<!tpu.dma_semaphore, #tpu.memory_space<semaphore_mem>>
        %dma_start3A = arith.constant 0 : i32
        %dma_start3A_40 = tpu.memref_slice %arg10[%add3A_39, %dma_start3A] : memref<10240x128xf32, #tpu.memory_space<vmem_shared>> -> memref<128x128xf32, #tpu.memory_space<vmem_shared>>
        %dma_start3A_41 = arith.constant 0 : i32
        %dma_start3A_42 = tpu.memref_slice %arg10[%add3A_39, %dma_start3A_41] : memref<10240x128xf32, #tpu.memory_space<vmem_shared>> -> memref<128x128xf32, #tpu.memory_space<vmem_shared>>
        tpu.enqueue_dma source(%arg8 : memref<128x128xf32, #tpu.memory_space<vmem>>) target(%dma_start3A_42 : memref<128x128xf32, #tpu.memory_space<vmem_shared>>) target_semaphore(%run_scoped3A : memref<!tpu.dma_semaphore, #tpu.memory_space<semaphore_mem>>)
        %dma_wait3A = arith.constant 0 : i32
        %dma_wait3A_43 = tpu.memref_slice %arg10[%add3A_39, %dma_wait3A] : memref<10240x128xf32, #tpu.memory_space<vmem_shared>> -> memref<128x128xf32, #tpu.memory_space<vmem_shared>>
        %dma_wait3A_44 = arith.constant 0 : i32
        %dma_wait3A_45 = tpu.memref_slice %arg10[%add3A_39, %dma_wait3A_44] : memref<10240x128xf32, #tpu.memory_space<vmem_shared>> -> memref<128x128xf32, #tpu.memory_space<vmem_shared>>
        tpu.wait_dma2 semaphore(%run_scoped3A : memref<!tpu.dma_semaphore, #tpu.memory_space<semaphore_mem>>) src(%arg8 : memref<128x128xf32, #tpu.memory_space<vmem>>) dst(%dma_wait3A_45 : memref<128x128xf32, #tpu.memory_space<vmem_shared>>)
        tpu.yield
      }) : () -> ()
    }
    %scan3A_19 = arith.constant 5 : i32
    %barrier3A = arith.constant 0 : index
    tpu.barrier barrier_id(%barrier3A)
    %while3A = arith.constant 0 : i32
    %while3A_20 = arith.constant 0 : i32
    %while3A_21 = arith.subi %select_n3A, %while3A_20 : i32
    %while3A_22 = arith.addi %while3A_20, %while3A_21 : i32
    %while3A_23 = arith.constant 1 : i32
    %while3A_24 = arith.divsi %while3A_21, %while3A_23 : i32
    %while3A_25 = arith.muli %while3A_24, %while3A_23 : i32
    %while3A_26 = arith.addi %while3A_20, %while3A_25 : i32
    %while3A_27 = arith.constant 1 : i32
    scf.for %while3A_34 = %while3A_20 to %while3A_26 step %while3A_27  : i32 {
      %mul3A_35 = arith.constant 32 : i32
      %mul3A_36 = arith.muli %while3A_34, %mul3A_35 : i32
      %add3A_37 = arith.addi %select_n3A_8, %mul3A_36 : i32
      %multiple_of3A = tpu.assume_multiple %add3A_37, 32 : i32
      "tpu.region"() ({
        %run_scoped3A_71 = tpu.sem_alloc : memref<!tpu.dma_semaphore, #tpu.memory_space<semaphore_mem>>
        %dma_start3A_72 = arith.constant 0 : i32
        %dma_start3A_73 = tpu.memref_slice %arg2[%multiple_of3A, %dma_start3A_72] : memref<2560x128xi32, #tpu.memory_space<hbm>> -> memref<32x128xi32, #tpu.memory_space<hbm>>
        %dma_start3A_74 = arith.constant 0 : i32
        %dma_start3A_75 = tpu.memref_slice %arg2[%multiple_of3A, %dma_start3A_74] : memref<2560x128xi32, #tpu.memory_space<hbm>> -> memref<32x128xi32, #tpu.memory_space<hbm>>
        tpu.enqueue_dma source(%dma_start3A_75 : memref<32x128xi32, #tpu.memory_space<hbm>>) target(%arg6 : memref<32x128xi32, #tpu.memory_space<vmem>>) target_semaphore(%run_scoped3A_71 : memref<!tpu.dma_semaphore, #tpu.memory_space<semaphore_mem>>)
        %dma_wait3A_76 = arith.constant 0 : i32
        %dma_wait3A_77 = tpu.memref_slice %arg2[%multiple_of3A, %dma_wait3A_76] : memref<2560x128xi32, #tpu.memory_space<hbm>> -> memref<32x128xi32, #tpu.memory_space<hbm>>
        %dma_wait3A_78 = arith.constant 0 : i32
        %dma_wait3A_79 = tpu.memref_slice %arg2[%multiple_of3A, %dma_wait3A_78] : memref<2560x128xi32, #tpu.memory_space<hbm>> -> memref<32x128xi32, #tpu.memory_space<hbm>>
        tpu.wait_dma2 semaphore(%run_scoped3A_71 : memref<!tpu.dma_semaphore, #tpu.memory_space<semaphore_mem>>) src(%dma_wait3A_79 : memref<32x128xi32, #tpu.memory_space<hbm>>) dst(%arg6 : memref<32x128xi32, #tpu.memory_space<vmem>>)
        tpu.yield
      }) : () -> ()
      "tpu.region"() ({
        %run_scoped3A_71 = tpu.sem_alloc : memref<!tpu.dma_semaphore, #tpu.memory_space<semaphore_mem>>
        %dma_start3A_72 = arith.constant 0 : i32
        %dma_start3A_73 = tpu.memref_slice %arg3[%multiple_of3A, %dma_start3A_72] : memref<2560x128xi32, #tpu.memory_space<hbm>> -> memref<32x128xi32, #tpu.memory_space<hbm>>
        %dma_start3A_74 = arith.constant 0 : i32
        %dma_start3A_75 = tpu.memref_slice %arg3[%multiple_of3A, %dma_start3A_74] : memref<2560x128xi32, #tpu.memory_space<hbm>> -> memref<32x128xi32, #tpu.memory_space<hbm>>
        tpu.enqueue_dma source(%dma_start3A_75 : memref<32x128xi32, #tpu.memory_space<hbm>>) target(%arg7 : memref<32x128xi32, #tpu.memory_space<vmem>>) target_semaphore(%run_scoped3A_71 : memref<!tpu.dma_semaphore, #tpu.memory_space<semaphore_mem>>)
        %dma_wait3A_76 = arith.constant 0 : i32
        %dma_wait3A_77 = tpu.memref_slice %arg3[%multiple_of3A, %dma_wait3A_76] : memref<2560x128xi32, #tpu.memory_space<hbm>> -> memref<32x128xi32, #tpu.memory_space<hbm>>
        %dma_wait3A_78 = arith.constant 0 : i32
        %dma_wait3A_79 = tpu.memref_slice %arg3[%multiple_of3A, %dma_wait3A_78] : memref<2560x128xi32, #tpu.memory_space<hbm>> -> memref<32x128xi32, #tpu.memory_space<hbm>>
        tpu.wait_dma2 semaphore(%run_scoped3A_71 : memref<!tpu.dma_semaphore, #tpu.memory_space<semaphore_mem>>) src(%dma_wait3A_79 : memref<32x128xi32, #tpu.memory_space<hbm>>) dst(%arg7 : memref<32x128xi32, #tpu.memory_space<vmem>>)
        tpu.yield
      }) : () -> ()
      %dma_start3A = arith.constant 0 : i32
      %dma_start3A_38 = arith.constant 0 : i32
      %dma_start3A_39 = tpu.memref_slice %arg6[%dma_start3A, %dma_start3A_38] : memref<32x128xi32, #tpu.memory_space<vmem>> -> memref<1x128xi32, #tpu.memory_space<vmem>>
      %dma_start3A_40 = tpu.memref_squeeze %dma_start3A_39 : memref<1x128xi32, #tpu.memory_space<vmem>> -> memref<128xi32, #tpu.memory_space<vmem>>
      %dma_start3A_41 = arith.constant 0 : i32
      %dma_start3A_42 = arith.constant 0 : i32
      %dma_start3A_43 = tpu.memref_slice %arg4[%dma_start3A_41, %dma_start3A_42] : memref<10000x128xf32, #tpu.memory_space<hbm>> -> memref<10000x128xf32, #tpu.memory_space<hbm>>
      tpu.enqueue_indirect_dma source(%dma_start3A_43 : memref<10000x128xf32, #tpu.memory_space<hbm>>) target(%arg8 : memref<128x128xf32, #tpu.memory_space<vmem>>) offsets(%dma_start3A_40 : memref<128xi32, #tpu.memory_space<vmem>>) semaphore(%arg11 : memref<!tpu.dma_semaphore, #tpu.memory_space<semaphore_mem>>)
      %dma_start3A_44 = arith.constant 1 : i32
      %dma_start3A_45 = arith.constant 0 : i32
      %dma_start3A_46 = tpu.memref_slice %arg6[%dma_start3A_44, %dma_start3A_45] : memref<32x128xi32, #tpu.memory_space<vmem>> -> memref<1x128xi32, #tpu.memory_space<vmem>>
      %dma_start3A_47 = tpu.memref_squeeze %dma_start3A_46 : memref<1x128xi32, #tpu.memory_space<vmem>> -> memref<128xi32, #tpu.memory_space<vmem>>
      %dma_start3A_48 = arith.constant 0 : i32
      %dma_start3A_49 = arith.constant 0 : i32
      %dma_start3A_50 = tpu.memref_slice %arg4[%dma_start3A_48, %dma_start3A_49] : memref<10000x128xf32, #tpu.memory_space<hbm>> -> memref<10000x128xf32, #tpu.memory_space<hbm>>
      tpu.enqueue_indirect_dma source(%dma_start3A_50 : memref<10000x128xf32, #tpu.memory_space<hbm>>) target(%arg9 : memref<128x128xf32, #tpu.memory_space<vmem>>) offsets(%dma_start3A_47 : memref<128xi32, #tpu.memory_space<vmem>>) semaphore(%arg12 : memref<!tpu.dma_semaphore, #tpu.memory_space<semaphore_mem>>)
      %scan3A_51 = arith.constant 0 : i32
      %scan3A_52 = arith.constant 0 : i32
      %scan3A_53 = arith.constant 15 : i32
      %scan3A_54 = arith.addi %scan3A_52, %scan3A_53 : i32
      %scan3A_55 = arith.constant 1 : i32
      scf.for %scan3A_71 = %scan3A_52 to %scan3A_54 step %scan3A_55  : i32 {
        %mul3A_72 = arith.constant 2 : i32
        %mul3A_73 = arith.muli %mul3A_72, %scan3A_71 : i32
        %dma_wait3A_74 = arith.constant 0 : i32
        %dma_wait3A_75 = tpu.memref_slice %arg6[%mul3A_73, %dma_wait3A_74] : memref<32x128xi32, #tpu.memory_space<vmem>> -> memref<1x128xi32, #tpu.memory_space<vmem>>
        %dma_wait3A_76 = tpu.memref_squeeze %dma_wait3A_75 : memref<1x128xi32, #tpu.memory_space<vmem>> -> memref<128xi32, #tpu.memory_space<vmem>>
        %dma_wait3A_77 = arith.constant 0 : i32
        %dma_wait3A_78 = arith.constant 0 : i32
        %dma_wait3A_79 = tpu.memref_slice %arg4[%dma_wait3A_77, %dma_wait3A_78] : memref<10000x128xf32, #tpu.memory_space<hbm>> -> memref<10000x128xf32, #tpu.memory_space<hbm>>
        tpu.wait_indirect_dma semaphore(%arg11 : memref<!tpu.dma_semaphore, #tpu.memory_space<semaphore_mem>>) src(%dma_wait3A_79 : memref<10000x128xf32, #tpu.memory_space<hbm>>) dst(%arg8 : memref<128x128xf32, #tpu.memory_space<vmem>>)
        "tpu.region"() ({
          %run_scoped3A_106 = tpu.sem_alloc : memref<!tpu.dma_semaphore, #tpu.memory_space<semaphore_mem>>
          %dma_start3A_107 = arith.constant 0 : i32
          %dma_start3A_108 = tpu.memref_slice %arg7[%mul3A_73, %dma_start3A_107] : memref<32x128xi32, #tpu.memory_space<vmem>> -> memref<1x128xi32, #tpu.memory_space<vmem>>
          %dma_start3A_109 = tpu.memref_squeeze %dma_start3A_108 : memref<1x128xi32, #tpu.memory_space<vmem>> -> memref<128xi32, #tpu.memory_space<vmem>>
          %dma_start3A_110 = arith.constant 0 : i32
          %dma_start3A_111 = arith.constant 0 : i32
          %dma_start3A_112 = tpu.memref_slice %arg10[%dma_start3A_110, %dma_start3A_111] : memref<10240x128xf32, #tpu.memory_space<vmem_shared>> -> memref<10240x128xf32, #tpu.memory_space<vmem_shared>>
          tpu.enqueue_indirect_dma source(%arg8 : memref<128x128xf32, #tpu.memory_space<vmem>>) target(%dma_start3A_112 : memref<10240x128xf32, #tpu.memory_space<vmem_shared>>) offsets(%dma_start3A_109 : memref<128xi32, #tpu.memory_space<vmem>>) semaphore(%run_scoped3A_106 : memref<!tpu.dma_semaphore, #tpu.memory_space<semaphore_mem>>) {add = true}
          %dma_wait3A_113 = arith.constant 0 : i32
          %dma_wait3A_114 = tpu.memref_slice %arg7[%mul3A_73, %dma_wait3A_113] : memref<32x128xi32, #tpu.memory_space<vmem>> -> memref<1x128xi32, #tpu.memory_space<vmem>>
          %dma_wait3A_115 = tpu.memref_squeeze %dma_wait3A_114 : memref<1x128xi32, #tpu.memory_space<vmem>> -> memref<128xi32, #tpu.memory_space<vmem>>
          %dma_wait3A_116 = arith.constant 0 : i32
          %dma_wait3A_117 = arith.constant 0 : i32
          %dma_wait3A_118 = tpu.memref_slice %arg10[%dma_wait3A_116, %dma_wait3A_117] : memref<10240x128xf32, #tpu.memory_space<vmem_shared>> -> memref<10240x128xf32, #tpu.memory_space<vmem_shared>>
          tpu.wait_indirect_dma semaphore(%run_scoped3A_106 : memref<!tpu.dma_semaphore, #tpu.memory_space<semaphore_mem>>) src(%arg8 : memref<128x128xf32, #tpu.memory_space<vmem>>) dst(%dma_wait3A_118 : memref<10240x128xf32, #tpu.memory_space<vmem_shared>>)
          tpu.yield
        }) : () -> ()
        %add3A_80 = arith.constant 2 : i32
        %add3A_81 = arith.addi %mul3A_73, %add3A_80 : i32
        %dma_start3A_82 = arith.constant 0 : i32
        %dma_start3A_83 = tpu.memref_slice %arg6[%add3A_81, %dma_start3A_82] : memref<32x128xi32, #tpu.memory_space<vmem>> -> memref<1x128xi32, #tpu.memory_space<vmem>>
        %dma_start3A_84 = tpu.memref_squeeze %dma_start3A_83 : memref<1x128xi32, #tpu.memory_space<vmem>> -> memref<128xi32, #tpu.memory_space<vmem>>
        %dma_start3A_85 = arith.constant 0 : i32
        %dma_start3A_86 = arith.constant 0 : i32
        %dma_start3A_87 = tpu.memref_slice %arg4[%dma_start3A_85, %dma_start3A_86] : memref<10000x128xf32, #tpu.memory_space<hbm>> -> memref<10000x128xf32, #tpu.memory_space<hbm>>
        tpu.enqueue_indirect_dma source(%dma_start3A_87 : memref<10000x128xf32, #tpu.memory_space<hbm>>) target(%arg8 : memref<128x128xf32, #tpu.memory_space<vmem>>) offsets(%dma_start3A_84 : memref<128xi32, #tpu.memory_space<vmem>>) semaphore(%arg11 : memref<!tpu.dma_semaphore, #tpu.memory_space<semaphore_mem>>)
        %add3A_88 = arith.constant 1 : i32
        %add3A_89 = arith.addi %mul3A_73, %add3A_88 : i32
        %dma_wait3A_90 = arith.constant 0 : i32
        %dma_wait3A_91 = tpu.memref_slice %arg6[%add3A_89, %dma_wait3A_90] : memref<32x128xi32, #tpu.memory_space<vmem>> -> memref<1x128xi32, #tpu.memory_space<vmem>>
        %dma_wait3A_92 = tpu.memref_squeeze %dma_wait3A_91 : memref<1x128xi32, #tpu.memory_space<vmem>> -> memref<128xi32, #tpu.memory_space<vmem>>
        %dma_wait3A_93 = arith.constant 0 : i32
        %dma_wait3A_94 = arith.constant 0 : i32
        %dma_wait3A_95 = tpu.memref_slice %arg4[%dma_wait3A_93, %dma_wait3A_94] : memref<10000x128xf32, #tpu.memory_space<hbm>> -> memref<10000x128xf32, #tpu.memory_space<hbm>>
        tpu.wait_indirect_dma semaphore(%arg12 : memref<!tpu.dma_semaphore, #tpu.memory_space<semaphore_mem>>) src(%dma_wait3A_95 : memref<10000x128xf32, #tpu.memory_space<hbm>>) dst(%arg9 : memref<128x128xf32, #tpu.memory_space<vmem>>)
        %add3A_96 = arith.constant 1 : i32
        %add3A_97 = arith.addi %mul3A_73, %add3A_96 : i32
        "tpu.region"() ({
          %run_scoped3A_106 = tpu.sem_alloc : memref<!tpu.dma_semaphore, #tpu.memory_space<semaphore_mem>>
          %dma_start3A_107 = arith.constant 0 : i32
          %dma_start3A_108 = tpu.memref_slice %arg7[%add3A_97, %dma_start3A_107] : memref<32x128xi32, #tpu.memory_space<vmem>> -> memref<1x128xi32, #tpu.memory_space<vmem>>
          %dma_start3A_109 = tpu.memref_squeeze %dma_start3A_108 : memref<1x128xi32, #tpu.memory_space<vmem>> -> memref<128xi32, #tpu.memory_space<vmem>>
          %dma_start3A_110 = arith.constant 0 : i32
          %dma_start3A_111 = arith.constant 0 : i32
          %dma_start3A_112 = tpu.memref_slice %arg10[%dma_start3A_110, %dma_start3A_111] : memref<10240x128xf32, #tpu.memory_space<vmem_shared>> -> memref<10240x128xf32, #tpu.memory_space<vmem_shared>>
          tpu.enqueue_indirect_dma source(%arg9 : memref<128x128xf32, #tpu.memory_space<vmem>>) target(%dma_start3A_112 : memref<10240x128xf32, #tpu.memory_space<vmem_shared>>) offsets(%dma_start3A_109 : memref<128xi32, #tpu.memory_space<vmem>>) semaphore(%run_scoped3A_106 : memref<!tpu.dma_semaphore, #tpu.memory_space<semaphore_mem>>) {add = true}
          %dma_wait3A_113 = arith.constant 0 : i32
          %dma_wait3A_114 = tpu.memref_slice %arg7[%add3A_97, %dma_wait3A_113] : memref<32x128xi32, #tpu.memory_space<vmem>> -> memref<1x128xi32, #tpu.memory_space<vmem>>
          %dma_wait3A_115 = tpu.memref_squeeze %dma_wait3A_114 : memref<1x128xi32, #tpu.memory_space<vmem>> -> memref<128xi32, #tpu.memory_space<vmem>>
          %dma_wait3A_116 = arith.constant 0 : i32
          %dma_wait3A_117 = arith.constant 0 : i32
          %dma_wait3A_118 = tpu.memref_slice %arg10[%dma_wait3A_116, %dma_wait3A_117] : memref<10240x128xf32, #tpu.memory_space<vmem_shared>> -> memref<10240x128xf32, #tpu.memory_space<vmem_shared>>
          tpu.wait_indirect_dma semaphore(%run_scoped3A_106 : memref<!tpu.dma_semaphore, #tpu.memory_space<semaphore_mem>>) src(%arg9 : memref<128x128xf32, #tpu.memory_space<vmem>>) dst(%dma_wait3A_118 : memref<10240x128xf32, #tpu.memory_space<vmem_shared>>)
          tpu.yield
        }) : () -> ()
        %add3A_98 = arith.constant 3 : i32
        %add3A_99 = arith.addi %mul3A_73, %add3A_98 : i32
        %dma_start3A_100 = arith.constant 0 : i32
        %dma_start3A_101 = tpu.memref_slice %arg6[%add3A_99, %dma_start3A_100] : memref<32x128xi32, #tpu.memory_space<vmem>> -> memref<1x128xi32, #tpu.memory_space<vmem>>
        %dma_start3A_102 = tpu.memref_squeeze %dma_start3A_101 : memref<1x128xi32, #tpu.memory_space<vmem>> -> memref<128xi32, #tpu.memory_space<vmem>>
        %dma_start3A_103 = arith.constant 0 : i32
        %dma_start3A_104 = arith.constant 0 : i32
        %dma_start3A_105 = tpu.memref_slice %arg4[%dma_start3A_103, %dma_start3A_104] : memref<10000x128xf32, #tpu.memory_space<hbm>> -> memref<10000x128xf32, #tpu.memory_space<hbm>>
        tpu.enqueue_indirect_dma source(%dma_start3A_105 : memref<10000x128xf32, #tpu.memory_space<hbm>>) target(%arg9 : memref<128x128xf32, #tpu.memory_space<vmem>>) offsets(%dma_start3A_102 : memref<128xi32, #tpu.memory_space<vmem>>) semaphore(%arg12 : memref<!tpu.dma_semaphore, #tpu.memory_space<semaphore_mem>>)
      }
      %scan3A_56 = arith.constant 15 : i32
      %dma_wait3A = arith.constant 30 : i32
      %dma_wait3A_57 = arith.constant 0 : i32
      %dma_wait3A_58 = tpu.memref_slice %arg6[%dma_wait3A, %dma_wait3A_57] : memref<32x128xi32, #tpu.memory_space<vmem>> -> memref<1x128xi32, #tpu.memory_space<vmem>>
      %dma_wait3A_59 = tpu.memref_squeeze %dma_wait3A_58 : memref<1x128xi32, #tpu.memory_space<vmem>> -> memref<128xi32, #tpu.memory_space<vmem>>
      %dma_wait3A_60 = arith.constant 0 : i32
      %dma_wait3A_61 = arith.constant 0 : i32
      %dma_wait3A_62 = tpu.memref_slice %arg4[%dma_wait3A_60, %dma_wait3A_61] : memref<10000x128xf32, #tpu.memory_space<hbm>> -> memref<10000x128xf32, #tpu.memory_space<hbm>>
      tpu.wait_indirect_dma semaphore(%arg11 : memref<!tpu.dma_semaphore, #tpu.memory_space<semaphore_mem>>) src(%dma_wait3A_62 : memref<10000x128xf32, #tpu.memory_space<hbm>>) dst(%arg8 : memref<128x128xf32, #tpu.memory_space<vmem>>)
      %run_scoped3A = arith.constant 30 : i32
      "tpu.region"() ({
        %run_scoped3A_71 = tpu.sem_alloc : memref<!tpu.dma_semaphore, #tpu.memory_space<semaphore_mem>>
        %dma_start3A_72 = arith.constant 0 : i32
        %dma_start3A_73 = tpu.memref_slice %arg7[%run_scoped3A, %dma_start3A_72] : memref<32x128xi32, #tpu.memory_space<vmem>> -> memref<1x128xi32, #tpu.memory_space<vmem>>
        %dma_start3A_74 = tpu.memref_squeeze %dma_start3A_73 : memref<1x128xi32, #tpu.memory_space<vmem>> -> memref<128xi32, #tpu.memory_space<vmem>>
        %dma_start3A_75 = arith.constant 0 : i32
        %dma_start3A_76 = arith.constant 0 : i32
        %dma_start3A_77 = tpu.memref_slice %arg10[%dma_start3A_75, %dma_start3A_76] : memref<10240x128xf32, #tpu.memory_space<vmem_shared>> -> memref<10240x128xf32, #tpu.memory_space<vmem_shared>>
        tpu.enqueue_indirect_dma source(%arg8 : memref<128x128xf32, #tpu.memory_space<vmem>>) target(%dma_start3A_77 : memref<10240x128xf32, #tpu.memory_space<vmem_shared>>) offsets(%dma_start3A_74 : memref<128xi32, #tpu.memory_space<vmem>>) semaphore(%run_scoped3A_71 : memref<!tpu.dma_semaphore, #tpu.memory_space<semaphore_mem>>) {add = true}
        %dma_wait3A_78 = arith.constant 0 : i32
        %dma_wait3A_79 = tpu.memref_slice %arg7[%run_scoped3A, %dma_wait3A_78] : memref<32x128xi32, #tpu.memory_space<vmem>> -> memref<1x128xi32, #tpu.memory_space<vmem>>
        %dma_wait3A_80 = tpu.memref_squeeze %dma_wait3A_79 : memref<1x128xi32, #tpu.memory_space<vmem>> -> memref<128xi32, #tpu.memory_space<vmem>>
        %dma_wait3A_81 = arith.constant 0 : i32
        %dma_wait3A_82 = arith.constant 0 : i32
        %dma_wait3A_83 = tpu.memref_slice %arg10[%dma_wait3A_81, %dma_wait3A_82] : memref<10240x128xf32, #tpu.memory_space<vmem_shared>> -> memref<10240x128xf32, #tpu.memory_space<vmem_shared>>
        tpu.wait_indirect_dma semaphore(%run_scoped3A_71 : memref<!tpu.dma_semaphore, #tpu.memory_space<semaphore_mem>>) src(%arg8 : memref<128x128xf32, #tpu.memory_space<vmem>>) dst(%dma_wait3A_83 : memref<10240x128xf32, #tpu.memory_space<vmem_shared>>)
        tpu.yield
      }) : () -> ()
      %dma_wait3A_63 = arith.constant 31 : i32
      %dma_wait3A_64 = arith.constant 0 : i32
      %dma_wait3A_65 = tpu.memref_slice %arg6[%dma_wait3A_63, %dma_wait3A_64] : memref<32x128xi32, #tpu.memory_space<vmem>> -> memref<1x128xi32, #tpu.memory_space<vmem>>
      %dma_wait3A_66 = tpu.memref_squeeze %dma_wait3A_65 : memref<1x128xi32, #tpu.memory_space<vmem>> -> memref<128xi32, #tpu.memory_space<vmem>>
      %dma_wait3A_67 = arith.constant 0 : i32
      %dma_wait3A_68 = arith.constant 0 : i32
      %dma_wait3A_69 = tpu.memref_slice %arg4[%dma_wait3A_67, %dma_wait3A_68] : memref<10000x128xf32, #tpu.memory_space<hbm>> -> memref<10000x128xf32, #tpu.memory_space<hbm>>
      tpu.wait_indirect_dma semaphore(%arg12 : memref<!tpu.dma_semaphore, #tpu.memory_space<semaphore_mem>>) src(%dma_wait3A_69 : memref<10000x128xf32, #tpu.memory_space<hbm>>) dst(%arg9 : memref<128x128xf32, #tpu.memory_space<vmem>>)
      %run_scoped3A_70 = arith.constant 31 : i32
      "tpu.region"() ({
        %run_scoped3A_71 = tpu.sem_alloc : memref<!tpu.dma_semaphore, #tpu.memory_space<semaphore_mem>>
        %dma_start3A_72 = arith.constant 0 : i32
        %dma_start3A_73 = tpu.memref_slice %arg7[%run_scoped3A_70, %dma_start3A_72] : memref<32x128xi32, #tpu.memory_space<vmem>> -> memref<1x128xi32, #tpu.memory_space<vmem>>
        %dma_start3A_74 = tpu.memref_squeeze %dma_start3A_73 : memref<1x128xi32, #tpu.memory_space<vmem>> -> memref<128xi32, #tpu.memory_space<vmem>>
        %dma_start3A_75 = arith.constant 0 : i32
        %dma_start3A_76 = arith.constant 0 : i32
        %dma_start3A_77 = tpu.memref_slice %arg10[%dma_start3A_75, %dma_start3A_76] : memref<10240x128xf32, #tpu.memory_space<vmem_shared>> -> memref<10240x128xf32, #tpu.memory_space<vmem_shared>>
        tpu.enqueue_indirect_dma source(%arg9 : memref<128x128xf32, #tpu.memory_space<vmem>>) target(%dma_start3A_77 : memref<10240x128xf32, #tpu.memory_space<vmem_shared>>) offsets(%dma_start3A_74 : memref<128xi32, #tpu.memory_space<vmem>>) semaphore(%run_scoped3A_71 : memref<!tpu.dma_semaphore, #tpu.memory_space<semaphore_mem>>) {add = true}
        %dma_wait3A_78 = arith.constant 0 : i32
        %dma_wait3A_79 = tpu.memref_slice %arg7[%run_scoped3A_70, %dma_wait3A_78] : memref<32x128xi32, #tpu.memory_space<vmem>> -> memref<1x128xi32, #tpu.memory_space<vmem>>
        %dma_wait3A_80 = tpu.memref_squeeze %dma_wait3A_79 : memref<1x128xi32, #tpu.memory_space<vmem>> -> memref<128xi32, #tpu.memory_space<vmem>>
        %dma_wait3A_81 = arith.constant 0 : i32
        %dma_wait3A_82 = arith.constant 0 : i32
        %dma_wait3A_83 = tpu.memref_slice %arg10[%dma_wait3A_81, %dma_wait3A_82] : memref<10240x128xf32, #tpu.memory_space<vmem_shared>> -> memref<10240x128xf32, #tpu.memory_space<vmem_shared>>
        tpu.wait_indirect_dma semaphore(%run_scoped3A_71 : memref<!tpu.dma_semaphore, #tpu.memory_space<semaphore_mem>>) src(%arg9 : memref<128x128xf32, #tpu.memory_space<vmem>>) dst(%dma_wait3A_83 : memref<10240x128xf32, #tpu.memory_space<vmem_shared>>)
        tpu.yield
      }) : () -> ()
    }
    %while3A_28 = arith.constant 1 : i32
    scf.for %while3A_34 = %while3A_26 to %while3A_22 step %while3A_28  : i32 {
      %mul3A_35 = arith.constant 32 : i32
      %mul3A_36 = arith.muli %while3A_34, %mul3A_35 : i32
      %add3A_37 = arith.addi %select_n3A_8, %mul3A_36 : i32
      %multiple_of3A = tpu.assume_multiple %add3A_37, 32 : i32
      "tpu.region"() ({
        %run_scoped3A_71 = tpu.sem_alloc : memref<!tpu.dma_semaphore, #tpu.memory_space<semaphore_mem>>
        %dma_start3A_72 = arith.constant 0 : i32
        %dma_start3A_73 = tpu.memref_slice %arg2[%multiple_of3A, %dma_start3A_72] : memref<2560x128xi32, #tpu.memory_space<hbm>> -> memref<32x128xi32, #tpu.memory_space<hbm>>
        %dma_start3A_74 = arith.constant 0 : i32
        %dma_start3A_75 = tpu.memref_slice %arg2[%multiple_of3A, %dma_start3A_74] : memref<2560x128xi32, #tpu.memory_space<hbm>> -> memref<32x128xi32, #tpu.memory_space<hbm>>
        tpu.enqueue_dma source(%dma_start3A_75 : memref<32x128xi32, #tpu.memory_space<hbm>>) target(%arg6 : memref<32x128xi32, #tpu.memory_space<vmem>>) target_semaphore(%run_scoped3A_71 : memref<!tpu.dma_semaphore, #tpu.memory_space<semaphore_mem>>)
        %dma_wait3A_76 = arith.constant 0 : i32
        %dma_wait3A_77 = tpu.memref_slice %arg2[%multiple_of3A, %dma_wait3A_76] : memref<2560x128xi32, #tpu.memory_space<hbm>> -> memref<32x128xi32, #tpu.memory_space<hbm>>
        %dma_wait3A_78 = arith.constant 0 : i32
        %dma_wait3A_79 = tpu.memref_slice %arg2[%multiple_of3A, %dma_wait3A_78] : memref<2560x128xi32, #tpu.memory_space<hbm>> -> memref<32x128xi32, #tpu.memory_space<hbm>>
        tpu.wait_dma2 semaphore(%run_scoped3A_71 : memref<!tpu.dma_semaphore, #tpu.memory_space<semaphore_mem>>) src(%dma_wait3A_79 : memref<32x128xi32, #tpu.memory_space<hbm>>) dst(%arg6 : memref<32x128xi32, #tpu.memory_space<vmem>>)
        tpu.yield
      }) : () -> ()
      "tpu.region"() ({
        %run_scoped3A_71 = tpu.sem_alloc : memref<!tpu.dma_semaphore, #tpu.memory_space<semaphore_mem>>
        %dma_start3A_72 = arith.constant 0 : i32
        %dma_start3A_73 = tpu.memref_slice %arg3[%multiple_of3A, %dma_start3A_72] : memref<2560x128xi32, #tpu.memory_space<hbm>> -> memref<32x128xi32, #tpu.memory_space<hbm>>
        %dma_start3A_74 = arith.constant 0 : i32
        %dma_start3A_75 = tpu.memref_slice %arg3[%multiple_of3A, %dma_start3A_74] : memref<2560x128xi32, #tpu.memory_space<hbm>> -> memref<32x128xi32, #tpu.memory_space<hbm>>
        tpu.enqueue_dma source(%dma_start3A_75 : memref<32x128xi32, #tpu.memory_space<hbm>>) target(%arg7 : memref<32x128xi32, #tpu.memory_space<vmem>>) target_semaphore(%run_scoped3A_71 : memref<!tpu.dma_semaphore, #tpu.memory_space<semaphore_mem>>)
        %dma_wait3A_76 = arith.constant 0 : i32
        %dma_wait3A_77 = tpu.memref_slice %arg3[%multiple_of3A, %dma_wait3A_76] : memref<2560x128xi32, #tpu.memory_space<hbm>> -> memref<32x128xi32, #tpu.memory_space<hbm>>
        %dma_wait3A_78 = arith.constant 0 : i32
        %dma_wait3A_79 = tpu.memref_slice %arg3[%multiple_of3A, %dma_wait3A_78] : memref<2560x128xi32, #tpu.memory_space<hbm>> -> memref<32x128xi32, #tpu.memory_space<hbm>>
        tpu.wait_dma2 semaphore(%run_scoped3A_71 : memref<!tpu.dma_semaphore, #tpu.memory_space<semaphore_mem>>) src(%dma_wait3A_79 : memref<32x128xi32, #tpu.memory_space<hbm>>) dst(%arg7 : memref<32x128xi32, #tpu.memory_space<vmem>>)
        tpu.yield
      }) : () -> ()
      %dma_start3A = arith.constant 0 : i32
      %dma_start3A_38 = arith.constant 0 : i32
      %dma_start3A_39 = tpu.memref_slice %arg6[%dma_start3A, %dma_start3A_38] : memref<32x128xi32, #tpu.memory_space<vmem>> -> memref<1x128xi32, #tpu.memory_space<vmem>>
      %dma_start3A_40 = tpu.memref_squeeze %dma_start3A_39 : memref<1x128xi32, #tpu.memory_space<vmem>> -> memref<128xi32, #tpu.memory_space<vmem>>
      %dma_start3A_41 = arith.constant 0 : i32
      %dma_start3A_42 = arith.constant 0 : i32
      %dma_start3A_43 = tpu.memref_slice %arg4[%dma_start3A_41, %dma_start3A_42] : memref<10000x128xf32, #tpu.memory_space<hbm>> -> memref<10000x128xf32, #tpu.memory_space<hbm>>
      tpu.enqueue_indirect_dma source(%dma_start3A_43 : memref<10000x128xf32, #tpu.memory_space<hbm>>) target(%arg8 : memref<128x128xf32, #tpu.memory_space<vmem>>) offsets(%dma_start3A_40 : memref<128xi32, #tpu.memory_space<vmem>>) semaphore(%arg11 : memref<!tpu.dma_semaphore, #tpu.memory_space<semaphore_mem>>)
      %dma_start3A_44 = arith.constant 1 : i32
      %dma_start3A_45 = arith.constant 0 : i32
      %dma_start3A_46 = tpu.memref_slice %arg6[%dma_start3A_44, %dma_start3A_45] : memref<32x128xi32, #tpu.memory_space<vmem>> -> memref<1x128xi32, #tpu.memory_space<vmem>>
      %dma_start3A_47 = tpu.memref_squeeze %dma_start3A_46 : memref<1x128xi32, #tpu.memory_space<vmem>> -> memref<128xi32, #tpu.memory_space<vmem>>
      %dma_start3A_48 = arith.constant 0 : i32
      %dma_start3A_49 = arith.constant 0 : i32
      %dma_start3A_50 = tpu.memref_slice %arg4[%dma_start3A_48, %dma_start3A_49] : memref<10000x128xf32, #tpu.memory_space<hbm>> -> memref<10000x128xf32, #tpu.memory_space<hbm>>
      tpu.enqueue_indirect_dma source(%dma_start3A_50 : memref<10000x128xf32, #tpu.memory_space<hbm>>) target(%arg9 : memref<128x128xf32, #tpu.memory_space<vmem>>) offsets(%dma_start3A_47 : memref<128xi32, #tpu.memory_space<vmem>>) semaphore(%arg12 : memref<!tpu.dma_semaphore, #tpu.memory_space<semaphore_mem>>)
      %scan3A_51 = arith.constant 0 : i32
      %scan3A_52 = arith.constant 0 : i32
      %scan3A_53 = arith.constant 15 : i32
      %scan3A_54 = arith.addi %scan3A_52, %scan3A_53 : i32
      %scan3A_55 = arith.constant 1 : i32
      scf.for %scan3A_71 = %scan3A_52 to %scan3A_54 step %scan3A_55  : i32 {
        %mul3A_72 = arith.constant 2 : i32
        %mul3A_73 = arith.muli %mul3A_72, %scan3A_71 : i32
        %dma_wait3A_74 = arith.constant 0 : i32
        %dma_wait3A_75 = tpu.memref_slice %arg6[%mul3A_73, %dma_wait3A_74] : memref<32x128xi32, #tpu.memory_space<vmem>> -> memref<1x128xi32, #tpu.memory_space<vmem>>
        %dma_wait3A_76 = tpu.memref_squeeze %dma_wait3A_75 : memref<1x128xi32, #tpu.memory_space<vmem>> -> memref<128xi32, #tpu.memory_space<vmem>>
        %dma_wait3A_77 = arith.constant 0 : i32
        %dma_wait3A_78 = arith.constant 0 : i32
        %dma_wait3A_79 = tpu.memref_slice %arg4[%dma_wait3A_77, %dma_wait3A_78] : memref<10000x128xf32, #tpu.memory_space<hbm>> -> memref<10000x128xf32, #tpu.memory_space<hbm>>
        tpu.wait_indirect_dma semaphore(%arg11 : memref<!tpu.dma_semaphore, #tpu.memory_space<semaphore_mem>>) src(%dma_wait3A_79 : memref<10000x128xf32, #tpu.memory_space<hbm>>) dst(%arg8 : memref<128x128xf32, #tpu.memory_space<vmem>>)
        "tpu.region"() ({
          %run_scoped3A_106 = tpu.sem_alloc : memref<!tpu.dma_semaphore, #tpu.memory_space<semaphore_mem>>
          %dma_start3A_107 = arith.constant 0 : i32
          %dma_start3A_108 = tpu.memref_slice %arg7[%mul3A_73, %dma_start3A_107] : memref<32x128xi32, #tpu.memory_space<vmem>> -> memref<1x128xi32, #tpu.memory_space<vmem>>
          %dma_start3A_109 = tpu.memref_squeeze %dma_start3A_108 : memref<1x128xi32, #tpu.memory_space<vmem>> -> memref<128xi32, #tpu.memory_space<vmem>>
          %dma_start3A_110 = arith.constant 0 : i32
          %dma_start3A_111 = arith.constant 0 : i32
          %dma_start3A_112 = tpu.memref_slice %arg10[%dma_start3A_110, %dma_start3A_111] : memref<10240x128xf32, #tpu.memory_space<vmem_shared>> -> memref<10240x128xf32, #tpu.memory_space<vmem_shared>>
          tpu.enqueue_indirect_dma source(%arg8 : memref<128x128xf32, #tpu.memory_space<vmem>>) target(%dma_start3A_112 : memref<10240x128xf32, #tpu.memory_space<vmem_shared>>) offsets(%dma_start3A_109 : memref<128xi32, #tpu.memory_space<vmem>>) semaphore(%run_scoped3A_106 : memref<!tpu.dma_semaphore, #tpu.memory_space<semaphore_mem>>) {add = true}
          %dma_wait3A_113 = arith.constant 0 : i32
          %dma_wait3A_114 = tpu.memref_slice %arg7[%mul3A_73, %dma_wait3A_113] : memref<32x128xi32, #tpu.memory_space<vmem>> -> memref<1x128xi32, #tpu.memory_space<vmem>>
          %dma_wait3A_115 = tpu.memref_squeeze %dma_wait3A_114 : memref<1x128xi32, #tpu.memory_space<vmem>> -> memref<128xi32, #tpu.memory_space<vmem>>
          %dma_wait3A_116 = arith.constant 0 : i32
          %dma_wait3A_117 = arith.constant 0 : i32
          %dma_wait3A_118 = tpu.memref_slice %arg10[%dma_wait3A_116, %dma_wait3A_117] : memref<10240x128xf32, #tpu.memory_space<vmem_shared>> -> memref<10240x128xf32, #tpu.memory_space<vmem_shared>>
          tpu.wait_indirect_dma semaphore(%run_scoped3A_106 : memref<!tpu.dma_semaphore, #tpu.memory_space<semaphore_mem>>) src(%arg8 : memref<128x128xf32, #tpu.memory_space<vmem>>) dst(%dma_wait3A_118 : memref<10240x128xf32, #tpu.memory_space<vmem_shared>>)
          tpu.yield
        }) : () -> ()
        %add3A_80 = arith.constant 2 : i32
        %add3A_81 = arith.addi %mul3A_73, %add3A_80 : i32
        %dma_start3A_82 = arith.constant 0 : i32
        %dma_start3A_83 = tpu.memref_slice %arg6[%add3A_81, %dma_start3A_82] : memref<32x128xi32, #tpu.memory_space<vmem>> -> memref<1x128xi32, #tpu.memory_space<vmem>>
        %dma_start3A_84 = tpu.memref_squeeze %dma_start3A_83 : memref<1x128xi32, #tpu.memory_space<vmem>> -> memref<128xi32, #tpu.memory_space<vmem>>
        %dma_start3A_85 = arith.constant 0 : i32
        %dma_start3A_86 = arith.constant 0 : i32
        %dma_start3A_87 = tpu.memref_slice %arg4[%dma_start3A_85, %dma_start3A_86] : memref<10000x128xf32, #tpu.memory_space<hbm>> -> memref<10000x128xf32, #tpu.memory_space<hbm>>
        tpu.enqueue_indirect_dma source(%dma_start3A_87 : memref<10000x128xf32, #tpu.memory_space<hbm>>) target(%arg8 : memref<128x128xf32, #tpu.memory_space<vmem>>) offsets(%dma_start3A_84 : memref<128xi32, #tpu.memory_space<vmem>>) semaphore(%arg11 : memref<!tpu.dma_semaphore, #tpu.memory_space<semaphore_mem>>)
        %add3A_88 = arith.constant 1 : i32
        %add3A_89 = arith.addi %mul3A_73, %add3A_88 : i32
        %dma_wait3A_90 = arith.constant 0 : i32
        %dma_wait3A_91 = tpu.memref_slice %arg6[%add3A_89, %dma_wait3A_90] : memref<32x128xi32, #tpu.memory_space<vmem>> -> memref<1x128xi32, #tpu.memory_space<vmem>>
        %dma_wait3A_92 = tpu.memref_squeeze %dma_wait3A_91 : memref<1x128xi32, #tpu.memory_space<vmem>> -> memref<128xi32, #tpu.memory_space<vmem>>
        %dma_wait3A_93 = arith.constant 0 : i32
        %dma_wait3A_94 = arith.constant 0 : i32
        %dma_wait3A_95 = tpu.memref_slice %arg4[%dma_wait3A_93, %dma_wait3A_94] : memref<10000x128xf32, #tpu.memory_space<hbm>> -> memref<10000x128xf32, #tpu.memory_space<hbm>>
        tpu.wait_indirect_dma semaphore(%arg12 : memref<!tpu.dma_semaphore, #tpu.memory_space<semaphore_mem>>) src(%dma_wait3A_95 : memref<10000x128xf32, #tpu.memory_space<hbm>>) dst(%arg9 : memref<128x128xf32, #tpu.memory_space<vmem>>)
        %add3A_96 = arith.constant 1 : i32
        %add3A_97 = arith.addi %mul3A_73, %add3A_96 : i32
        "tpu.region"() ({
          %run_scoped3A_106 = tpu.sem_alloc : memref<!tpu.dma_semaphore, #tpu.memory_space<semaphore_mem>>
          %dma_start3A_107 = arith.constant 0 : i32
          %dma_start3A_108 = tpu.memref_slice %arg7[%add3A_97, %dma_start3A_107] : memref<32x128xi32, #tpu.memory_space<vmem>> -> memref<1x128xi32, #tpu.memory_space<vmem>>
          %dma_start3A_109 = tpu.memref_squeeze %dma_start3A_108 : memref<1x128xi32, #tpu.memory_space<vmem>> -> memref<128xi32, #tpu.memory_space<vmem>>
          %dma_start3A_110 = arith.constant 0 : i32
          %dma_start3A_111 = arith.constant 0 : i32
          %dma_start3A_112 = tpu.memref_slice %arg10[%dma_start3A_110, %dma_start3A_111] : memref<10240x128xf32, #tpu.memory_space<vmem_shared>> -> memref<10240x128xf32, #tpu.memory_space<vmem_shared>>
          tpu.enqueue_indirect_dma source(%arg9 : memref<128x128xf32, #tpu.memory_space<vmem>>) target(%dma_start3A_112 : memref<10240x128xf32, #tpu.memory_space<vmem_shared>>) offsets(%dma_start3A_109 : memref<128xi32, #tpu.memory_space<vmem>>) semaphore(%run_scoped3A_106 : memref<!tpu.dma_semaphore, #tpu.memory_space<semaphore_mem>>) {add = true}
          %dma_wait3A_113 = arith.constant 0 : i32
          %dma_wait3A_114 = tpu.memref_slice %arg7[%add3A_97, %dma_wait3A_113] : memref<32x128xi32, #tpu.memory_space<vmem>> -> memref<1x128xi32, #tpu.memory_space<vmem>>
          %dma_wait3A_115 = tpu.memref_squeeze %dma_wait3A_114 : memref<1x128xi32, #tpu.memory_space<vmem>> -> memref<128xi32, #tpu.memory_space<vmem>>
          %dma_wait3A_116 = arith.constant 0 : i32
          %dma_wait3A_117 = arith.constant 0 : i32
          %dma_wait3A_118 = tpu.memref_slice %arg10[%dma_wait3A_116, %dma_wait3A_117] : memref<10240x128xf32, #tpu.memory_space<vmem_shared>> -> memref<10240x128xf32, #tpu.memory_space<vmem_shared>>
          tpu.wait_indirect_dma semaphore(%run_scoped3A_106 : memref<!tpu.dma_semaphore, #tpu.memory_space<semaphore_mem>>) src(%arg9 : memref<128x128xf32, #tpu.memory_space<vmem>>) dst(%dma_wait3A_118 : memref<10240x128xf32, #tpu.memory_space<vmem_shared>>)
          tpu.yield
        }) : () -> ()
        %add3A_98 = arith.constant 3 : i32
        %add3A_99 = arith.addi %mul3A_73, %add3A_98 : i32
        %dma_start3A_100 = arith.constant 0 : i32
        %dma_start3A_101 = tpu.memref_slice %arg6[%add3A_99, %dma_start3A_100] : memref<32x128xi32, #tpu.memory_space<vmem>> -> memref<1x128xi32, #tpu.memory_space<vmem>>
        %dma_start3A_102 = tpu.memref_squeeze %dma_start3A_101 : memref<1x128xi32, #tpu.memory_space<vmem>> -> memref<128xi32, #tpu.memory_space<vmem>>
        %dma_start3A_103 = arith.constant 0 : i32
        %dma_start3A_104 = arith.constant 0 : i32
        %dma_start3A_105 = tpu.memref_slice %arg4[%dma_start3A_103, %dma_start3A_104] : memref<10000x128xf32, #tpu.memory_space<hbm>> -> memref<10000x128xf32, #tpu.memory_space<hbm>>
        tpu.enqueue_indirect_dma source(%dma_start3A_105 : memref<10000x128xf32, #tpu.memory_space<hbm>>) target(%arg9 : memref<128x128xf32, #tpu.memory_space<vmem>>) offsets(%dma_start3A_102 : memref<128xi32, #tpu.memory_space<vmem>>) semaphore(%arg12 : memref<!tpu.dma_semaphore, #tpu.memory_space<semaphore_mem>>)
      }
      %scan3A_56 = arith.constant 15 : i32
      %dma_wait3A = arith.constant 30 : i32
      %dma_wait3A_57 = arith.constant 0 : i32
      %dma_wait3A_58 = tpu.memref_slice %arg6[%dma_wait3A, %dma_wait3A_57] : memref<32x128xi32, #tpu.memory_space<vmem>> -> memref<1x128xi32, #tpu.memory_space<vmem>>
      %dma_wait3A_59 = tpu.memref_squeeze %dma_wait3A_58 : memref<1x128xi32, #tpu.memory_space<vmem>> -> memref<128xi32, #tpu.memory_space<vmem>>
      %dma_wait3A_60 = arith.constant 0 : i32
      %dma_wait3A_61 = arith.constant 0 : i32
      %dma_wait3A_62 = tpu.memref_slice %arg4[%dma_wait3A_60, %dma_wait3A_61] : memref<10000x128xf32, #tpu.memory_space<hbm>> -> memref<10000x128xf32, #tpu.memory_space<hbm>>
      tpu.wait_indirect_dma semaphore(%arg11 : memref<!tpu.dma_semaphore, #tpu.memory_space<semaphore_mem>>) src(%dma_wait3A_62 : memref<10000x128xf32, #tpu.memory_space<hbm>>) dst(%arg8 : memref<128x128xf32, #tpu.memory_space<vmem>>)
      %run_scoped3A = arith.constant 30 : i32
      "tpu.region"() ({
        %run_scoped3A_71 = tpu.sem_alloc : memref<!tpu.dma_semaphore, #tpu.memory_space<semaphore_mem>>
        %dma_start3A_72 = arith.constant 0 : i32
        %dma_start3A_73 = tpu.memref_slice %arg7[%run_scoped3A, %dma_start3A_72] : memref<32x128xi32, #tpu.memory_space<vmem>> -> memref<1x128xi32, #tpu.memory_space<vmem>>
        %dma_start3A_74 = tpu.memref_squeeze %dma_start3A_73 : memref<1x128xi32, #tpu.memory_space<vmem>> -> memref<128xi32, #tpu.memory_space<vmem>>
        %dma_start3A_75 = arith.constant 0 : i32
        %dma_start3A_76 = arith.constant 0 : i32
        %dma_start3A_77 = tpu.memref_slice %arg10[%dma_start3A_75, %dma_start3A_76] : memref<10240x128xf32, #tpu.memory_space<vmem_shared>> -> memref<10240x128xf32, #tpu.memory_space<vmem_shared>>
        tpu.enqueue_indirect_dma source(%arg8 : memref<128x128xf32, #tpu.memory_space<vmem>>) target(%dma_start3A_77 : memref<10240x128xf32, #tpu.memory_space<vmem_shared>>) offsets(%dma_start3A_74 : memref<128xi32, #tpu.memory_space<vmem>>) semaphore(%run_scoped3A_71 : memref<!tpu.dma_semaphore, #tpu.memory_space<semaphore_mem>>) {add = true}
        %dma_wait3A_78 = arith.constant 0 : i32
        %dma_wait3A_79 = tpu.memref_slice %arg7[%run_scoped3A, %dma_wait3A_78] : memref<32x128xi32, #tpu.memory_space<vmem>> -> memref<1x128xi32, #tpu.memory_space<vmem>>
        %dma_wait3A_80 = tpu.memref_squeeze %dma_wait3A_79 : memref<1x128xi32, #tpu.memory_space<vmem>> -> memref<128xi32, #tpu.memory_space<vmem>>
        %dma_wait3A_81 = arith.constant 0 : i32
        %dma_wait3A_82 = arith.constant 0 : i32
        %dma_wait3A_83 = tpu.memref_slice %arg10[%dma_wait3A_81, %dma_wait3A_82] : memref<10240x128xf32, #tpu.memory_space<vmem_shared>> -> memref<10240x128xf32, #tpu.memory_space<vmem_shared>>
        tpu.wait_indirect_dma semaphore(%run_scoped3A_71 : memref<!tpu.dma_semaphore, #tpu.memory_space<semaphore_mem>>) src(%arg8 : memref<128x128xf32, #tpu.memory_space<vmem>>) dst(%dma_wait3A_83 : memref<10240x128xf32, #tpu.memory_space<vmem_shared>>)
        tpu.yield
      }) : () -> ()
      %dma_wait3A_63 = arith.constant 31 : i32
      %dma_wait3A_64 = arith.constant 0 : i32
      %dma_wait3A_65 = tpu.memref_slice %arg6[%dma_wait3A_63, %dma_wait3A_64] : memref<32x128xi32, #tpu.memory_space<vmem>> -> memref<1x128xi32, #tpu.memory_space<vmem>>
      %dma_wait3A_66 = tpu.memref_squeeze %dma_wait3A_65 : memref<1x128xi32, #tpu.memory_space<vmem>> -> memref<128xi32, #tpu.memory_space<vmem>>
      %dma_wait3A_67 = arith.constant 0 : i32
      %dma_wait3A_68 = arith.constant 0 : i32
      %dma_wait3A_69 = tpu.memref_slice %arg4[%dma_wait3A_67, %dma_wait3A_68] : memref<10000x128xf32, #tpu.memory_space<hbm>> -> memref<10000x128xf32, #tpu.memory_space<hbm>>
      tpu.wait_indirect_dma semaphore(%arg12 : memref<!tpu.dma_semaphore, #tpu.memory_space<semaphore_mem>>) src(%dma_wait3A_69 : memref<10000x128xf32, #tpu.memory_space<hbm>>) dst(%arg9 : memref<128x128xf32, #tpu.memory_space<vmem>>)
      %run_scoped3A_70 = arith.constant 31 : i32
      "tpu.region"() ({
        %run_scoped3A_71 = tpu.sem_alloc : memref<!tpu.dma_semaphore, #tpu.memory_space<semaphore_mem>>
        %dma_start3A_72 = arith.constant 0 : i32
        %dma_start3A_73 = tpu.memref_slice %arg7[%run_scoped3A_70, %dma_start3A_72] : memref<32x128xi32, #tpu.memory_space<vmem>> -> memref<1x128xi32, #tpu.memory_space<vmem>>
        %dma_start3A_74 = tpu.memref_squeeze %dma_start3A_73 : memref<1x128xi32, #tpu.memory_space<vmem>> -> memref<128xi32, #tpu.memory_space<vmem>>
        %dma_start3A_75 = arith.constant 0 : i32
        %dma_start3A_76 = arith.constant 0 : i32
        %dma_start3A_77 = tpu.memref_slice %arg10[%dma_start3A_75, %dma_start3A_76] : memref<10240x128xf32, #tpu.memory_space<vmem_shared>> -> memref<10240x128xf32, #tpu.memory_space<vmem_shared>>
        tpu.enqueue_indirect_dma source(%arg9 : memref<128x128xf32, #tpu.memory_space<vmem>>) target(%dma_start3A_77 : memref<10240x128xf32, #tpu.memory_space<vmem_shared>>) offsets(%dma_start3A_74 : memref<128xi32, #tpu.memory_space<vmem>>) semaphore(%run_scoped3A_71 : memref<!tpu.dma_semaphore, #tpu.memory_space<semaphore_mem>>) {add = true}
        %dma_wait3A_78 = arith.constant 0 : i32
        %dma_wait3A_79 = tpu.memref_slice %arg7[%run_scoped3A_70, %dma_wait3A_78] : memref<32x128xi32, #tpu.memory_space<vmem>> -> memref<1x128xi32, #tpu.memory_space<vmem>>
        %dma_wait3A_80 = tpu.memref_squeeze %dma_wait3A_79 : memref<1x128xi32, #tpu.memory_space<vmem>> -> memref<128xi32, #tpu.memory_space<vmem>>
        %dma_wait3A_81 = arith.constant 0 : i32
        %dma_wait3A_82 = arith.constant 0 : i32
        %dma_wait3A_83 = tpu.memref_slice %arg10[%dma_wait3A_81, %dma_wait3A_82] : memref<10240x128xf32, #tpu.memory_space<vmem_shared>> -> memref<10240x128xf32, #tpu.memory_space<vmem_shared>>
        tpu.wait_indirect_dma semaphore(%run_scoped3A_71 : memref<!tpu.dma_semaphore, #tpu.memory_space<semaphore_mem>>) src(%arg9 : memref<128x128xf32, #tpu.memory_space<vmem>>) dst(%dma_wait3A_83 : memref<10240x128xf32, #tpu.memory_space<vmem_shared>>)
        tpu.yield
      }) : () -> ()
    }
    %barrier3A_29 = arith.constant 0 : index
    tpu.barrier barrier_id(%barrier3A_29)
    %mul3A_30 = arith.constant 640 : i32
    %mul3A_31 = arith.muli %arg1, %mul3A_30 : i32
    %mul3A_32 = arith.constant 640 : i32
    %mul3A_33 = arith.muli %arg1, %mul3A_32 : i32
    "tpu.region"() ({
      %run_scoped3A = tpu.sem_alloc : memref<!tpu.dma_semaphore, #tpu.memory_space<semaphore_mem>>
      %dma_start3A = arith.constant 0 : i32
      %dma_start3A_34 = tpu.memref_slice %arg5[%arg0, %mul3A_33, %dma_start3A] : memref<2x10240x128xf32, #tpu.memory_space<hbm>> -> memref<1x640x128xf32, #tpu.memory_space<hbm>>
      %dma_start3A_35 = tpu.memref_squeeze %dma_start3A_34 : memref<1x640x128xf32, #tpu.memory_space<hbm>> -> memref<640x128xf32, #tpu.memory_space<hbm>>
      %dma_start3A_36 = arith.constant 0 : i32
      %dma_start3A_37 = tpu.memref_slice %arg10[%mul3A_31, %dma_start3A_36] : memref<10240x128xf32, #tpu.memory_space<vmem_shared>> -> memref<640x128xf32, #tpu.memory_space<vmem_shared>>
      tpu.enqueue_dma source(%dma_start3A_37 : memref<640x128xf32, #tpu.memory_space<vmem_shared>>) target(%dma_start3A_35 : memref<640x128xf32, #tpu.memory_space<hbm>>) target_semaphore(%run_scoped3A : memref<!tpu.dma_semaphore, #tpu.memory_space<semaphore_mem>>)
      %dma_wait3A = arith.constant 0 : i32
      %dma_wait3A_38 = tpu.memref_slice %arg5[%arg0, %mul3A_33, %dma_wait3A] : memref<2x10240x128xf32, #tpu.memory_space<hbm>> -> memref<1x640x128xf32, #tpu.memory_space<hbm>>
      %dma_wait3A_39 = tpu.memref_squeeze %dma_wait3A_38 : memref<1x640x128xf32, #tpu.memory_space<hbm>> -> memref<640x128xf32, #tpu.memory_space<hbm>>
      %dma_wait3A_40 = arith.constant 0 : i32
      %dma_wait3A_41 = tpu.memref_slice %arg10[%mul3A_31, %dma_wait3A_40] : memref<10240x128xf32, #tpu.memory_space<vmem_shared>> -> memref<640x128xf32, #tpu.memory_space<vmem_shared>>
      tpu.wait_dma2 semaphore(%run_scoped3A : memref<!tpu.dma_semaphore, #tpu.memory_space<semaphore_mem>>) src(%dma_wait3A_41 : memref<640x128xf32, #tpu.memory_space<vmem_shared>>) dst(%dma_wait3A_39 : memref<640x128xf32, #tpu.memory_space<hbm>>)
      tpu.yield
    }) : () -> ()
    return
  }
}

module attributes {stable_mosaic.version = 14 : i64} {
  func.func @_prep1_body(%arg0: i32, %arg1: memref<2000x128xf32, #tpu.memory_space<vmem>>, %arg2: memref<2000x16xf32, #tpu.memory_space<vmem>>, %arg3: memref<2000x16xf32, #tpu.memory_space<vmem>>, %arg4: memref<128x128xf32, #tpu.memory_space<vmem>>, %arg5: memref<2000x128xf32, #tpu.memory_space<vmem>>, %arg6: memref<2000x128xf32, #tpu.memory_space<vmem>>, %arg7: memref<2000x128xf32, #tpu.memory_space<vmem>>) attributes {dimension_semantics = [#tpu.dimension_semantics<arbitrary>], iteration_bounds = array<i64: 5>, scalar_prefetch = 0 : i64, scratch_operands = 0 : i64, tpu.core_type = #tpu.core_type<tc>, window_params = [{transform_indices = @transform_0, window_bounds = array<i64: 2000, 128>}, {transform_indices = @transform_1, window_bounds = array<i64: 2000, 16>}, {transform_indices = @transform_2, window_bounds = array<i64: 2000, 16>}, {pipeline_mode = #tpu.pipeline_mode<synchronous>, transform_indices = @transform_3, window_bounds = array<i64: 128, 128>}, {transform_indices = @transform_4, window_bounds = array<i64: 2000, 128>}, {transform_indices = @transform_5, window_bounds = array<i64: 2000, 128>}, {transform_indices = @transform_6, window_bounds = array<i64: 2000, 128>}]} {
    %get3A = arith.constant 0 : index
    %get3A_0 = arith.constant 0 : index
    %get3A_1 = vector.load %arg2[%get3A, %get3A_0] : memref<2000x16xf32, #tpu.memory_space<vmem>>, vector<2000x1xf32>
    %add3A = arith.constant 1.000000e+00 : f32
    %add3A_2 = vector.broadcast %add3A : f32 to vector<2000x1xf32>
    %add3A_3 = arith.addf %add3A_2, %get3A_1 : vector<2000x1xf32>
    %get3A_4 = arith.constant 0 : index
    %get3A_5 = arith.constant 0 : index
    %get3A_6 = vector.load %arg3[%get3A_4, %get3A_5] : memref<2000x16xf32, #tpu.memory_space<vmem>>, vector<2000x1xf32>
    %add3A_7 = arith.addf %add3A_3, %get3A_6 : vector<2000x1xf32>
    %rsqrt3A = math.rsqrt %add3A_7 : vector<2000x1xf32>
    %get3A_8 = arith.constant 0 : index
    %get3A_9 = arith.constant 0 : index
    %get3A_10 = vector.load %arg1[%get3A_8, %get3A_9] : memref<2000x128xf32, #tpu.memory_space<vmem>>, vector<2000x128xf32>
    %get3A_11 = arith.constant 0 : index
    %get3A_12 = arith.constant 0 : index
    %get3A_13 = vector.load %arg4[%get3A_11, %get3A_12] : memref<128x128xf32, #tpu.memory_space<vmem>>, vector<128x128xf32>
    %dot_general3A = arith.constant dense<0.000000e+00> : vector<2000x128xf32>
    %dot_general3A_14 = tpu.matmul %get3A_10, %get3A_13, %dot_general3A {dimension_numbers = #tpu.dot_dimension_numbers<[1], [0], [0], [1], [0, 0, 1, 1], [], []>, transpose_lhs_hint = false} : vector<2000x128xf32>, vector<128x128xf32>, vector<2000x128xf32> -> vector<2000x128xf32>
    %mul3A = vector.broadcast %rsqrt3A : vector<2000x1xf32> to vector<2000x128xf32>
    %mul3A_15 = arith.mulf %dot_general3A_14, %mul3A : vector<2000x128xf32>
    %swap3A = arith.constant 0 : index
    %swap3A_16 = arith.constant 0 : index
    %swap3A_17 = vector.load %arg5[%swap3A, %swap3A_16] : memref<2000x128xf32, #tpu.memory_space<vmem>>, vector<2000x128xf32>
    tpu.vector_store %arg5[%swap3A, %swap3A_16], %mul3A_15 {strides = array<i32>} : memref<2000x128xf32, #tpu.memory_space<vmem>>, vector<2000x128xf32>,
    %mul3A_18 = vector.broadcast %rsqrt3A : vector<2000x1xf32> to vector<2000x128xf32>
    %mul3A_19 = arith.mulf %mul3A_15, %mul3A_18 : vector<2000x128xf32>
    %swap3A_20 = arith.constant 0 : index
    %swap3A_21 = arith.constant 0 : index
    %swap3A_22 = vector.load %arg6[%swap3A_20, %swap3A_21] : memref<2000x128xf32, #tpu.memory_space<vmem>>, vector<2000x128xf32>
    tpu.vector_store %arg6[%swap3A_20, %swap3A_21], %mul3A_19 {strides = array<i32>} : memref<2000x128xf32, #tpu.memory_space<vmem>>, vector<2000x128xf32>,
    %broadcast_in_dim3A = vector.shape_cast %rsqrt3A : vector<2000x1xf32> to vector<2000x1xf32>
    %broadcast_in_dim3A_23 = vector.broadcast %broadcast_in_dim3A : vector<2000x1xf32> to vector<2000x128xf32>
    %swap3A_24 = arith.constant 0 : index
    %swap3A_25 = arith.constant 0 : index
    %swap3A_26 = vector.load %arg7[%swap3A_24, %swap3A_25] : memref<2000x128xf32, #tpu.memory_space<vmem>>, vector<2000x128xf32>
    tpu.vector_store %arg7[%swap3A_24, %swap3A_25], %broadcast_in_dim3A_23 {strides = array<i32>} : memref<2000x128xf32, #tpu.memory_space<vmem>>, vector<2000x128xf32>,
    return
  }
  func.func @transform_0(%arg0: i32) -> (i32, i32) {
    %c0_i32 = arith.constant 0 : i32
    %c0_i32_0 = arith.constant 0 : i32
    return %arg0, %c0_i32 : i32, i32
  }
  func.func @transform_1(%arg0: i32) -> (i32, i32) {
    %c0_i32 = arith.constant 0 : i32
    %c0_i32_0 = arith.constant 0 : i32
    return %arg0, %c0_i32 : i32, i32
  }
  func.func @transform_2(%arg0: i32) -> (i32, i32) {
    %c0_i32 = arith.constant 0 : i32
    %c0_i32_0 = arith.constant 0 : i32
    return %arg0, %c0_i32 : i32, i32
  }
  func.func @transform_3(%arg0: i32) -> (i32, i32) {
    %c0_i32 = arith.constant 0 : i32
    %c0_i32_0 = arith.constant 0 : i32
    %c0_i32_1 = arith.constant 0 : i32
    return %c0_i32, %c0_i32_0 : i32, i32
  }
  func.func @transform_4(%arg0: i32) -> (i32, i32) {
    %c0_i32 = arith.constant 0 : i32
    %c0_i32_0 = arith.constant 0 : i32
    return %arg0, %c0_i32 : i32, i32
  }
  func.func @transform_5(%arg0: i32) -> (i32, i32) {
    %c0_i32 = arith.constant 0 : i32
    %c0_i32_0 = arith.constant 0 : i32
    return %arg0, %c0_i32 : i32, i32
  }
  func.func @transform_6(%arg0: i32) -> (i32, i32) {
    %c0_i32 = arith.constant 0 : i32
    %c0_i32_0 = arith.constant 0 : i32
    return %arg0, %c0_i32 : i32, i32
  }
}

module attributes {stable_mosaic.version = 14 : i64} {
  func.func @_mid_body(%arg0: i32, %arg1: memref<2000x128xf32, #tpu.memory_space<vmem>>, %arg2: memref<2000x128xf32, #tpu.memory_space<vmem>>, %arg3: memref<2000x128xf32, #tpu.memory_space<vmem>>, %arg4: memref<2000x128xf32, #tpu.memory_space<vmem>>, %arg5: memref<1x128xf32, #tpu.memory_space<vmem>>, %arg6: memref<128x128xf32, #tpu.memory_space<vmem>>, %arg7: memref<2000x128xf32, #tpu.memory_space<vmem>>, %arg8: memref<2000x128xf32, #tpu.memory_space<vmem>>, %arg9: memref<2000x128xf32, #tpu.memory_space<vmem>>) attributes {dimension_semantics = [#tpu.dimension_semantics<arbitrary>], iteration_bounds = array<i64: 5>, scalar_prefetch = 0 : i64, scratch_operands = 0 : i64, tpu.core_type = #tpu.core_type<tc>, window_params = [{transform_indices = @transform_0, window_bounds = array<i64: 2000, 128>}, {transform_indices = @transform_1, window_bounds = array<i64: 2000, 128>}, {transform_indices = @transform_2, window_bounds = array<i64: 2000, 128>}, {transform_indices = @transform_3, window_bounds = array<i64: 2000, 128>}, {pipeline_mode = #tpu.pipeline_mode<synchronous>, transform_indices = @transform_4, window_bounds = array<i64: 1, 128>}, {pipeline_mode = #tpu.pipeline_mode<synchronous>, transform_indices = @transform_5, window_bounds = array<i64: 128, 128>}, {transform_indices = @transform_6, window_bounds = array<i64: 2000, 128>}, {transform_indices = @transform_7, window_bounds = array<i64: 2000, 128>}, {transform_indices = @transform_8, window_bounds = array<i64: 2000, 128>}]} {
    %get3A = arith.constant 0 : index
    %get3A_0 = arith.constant 0 : index
    %get3A_1 = vector.load %arg4[%get3A, %get3A_0] : memref<2000x128xf32, #tpu.memory_space<vmem>>, vector<2000x128xf32>
    %get3A_2 = arith.constant 0 : index
    %get3A_3 = arith.constant 0 : index
    %get3A_4 = vector.load %arg1[%get3A_2, %get3A_3] : memref<2000x128xf32, #tpu.memory_space<vmem>>, vector<2000x128xf32>
    %get3A_5 = arith.constant 0 : index
    %get3A_6 = arith.constant 0 : index
    %get3A_7 = vector.load %arg2[%get3A_5, %get3A_6] : memref<2000x128xf32, #tpu.memory_space<vmem>>, vector<2000x128xf32>
    %add3A = arith.addf %get3A_4, %get3A_7 : vector<2000x128xf32>
    %mul3A = arith.mulf %get3A_1, %add3A : vector<2000x128xf32>
    %get3A_8 = arith.constant 0 : index
    %get3A_9 = arith.constant 0 : index
    %get3A_10 = vector.load %arg3[%get3A_8, %get3A_9] : memref<2000x128xf32, #tpu.memory_space<vmem>>, vector<2000x128xf32>
    %add3A_11 = arith.addf %mul3A, %get3A_10 : vector<2000x128xf32>
    %get3A_12 = arith.constant 0 : index
    %get3A_13 = arith.constant 0 : index
    %get3A_14 = vector.load %arg5[%get3A_12, %get3A_13] : memref<1x128xf32, #tpu.memory_space<vmem>>, vector<1x128xf32>
    %add3A_15 = vector.broadcast %get3A_14 : vector<1x128xf32> to vector<2000x128xf32>
    %add3A_16 = arith.addf %add3A_11, %add3A_15 : vector<2000x128xf32>
    %max3A = arith.constant 0.000000e+00 : f32
    %max3A_17 = vector.broadcast %max3A : f32 to vector<2000x128xf32>
    %max3A_18 = arith.maximumf %add3A_16, %max3A_17 : vector<2000x128xf32>
    %get3A_19 = arith.constant 0 : index
    %get3A_20 = arith.constant 0 : index
    %get3A_21 = vector.load %arg6[%get3A_19, %get3A_20] : memref<128x128xf32, #tpu.memory_space<vmem>>, vector<128x128xf32>
    %dot_general3A = arith.constant dense<0.000000e+00> : vector<2000x128xf32>
    %dot_general3A_22 = tpu.matmul %max3A_18, %get3A_21, %dot_general3A {dimension_numbers = #tpu.dot_dimension_numbers<[1], [0], [0], [1], [0, 0, 1, 1], [], []>, transpose_lhs_hint = false} : vector<2000x128xf32>, vector<128x128xf32>, vector<2000x128xf32> -> vector<2000x128xf32>
    %mul3A_23 = arith.mulf %dot_general3A_22, %get3A_1 : vector<2000x128xf32>
    %swap3A = arith.constant 0 : index
    %swap3A_24 = arith.constant 0 : index
    %swap3A_25 = vector.load %arg7[%swap3A, %swap3A_24] : memref<2000x128xf32, #tpu.memory_space<vmem>>, vector<2000x128xf32>
    tpu.vector_store %arg7[%swap3A, %swap3A_24], %max3A_18 {strides = array<i32>} : memref<2000x128xf32, #tpu.memory_space<vmem>>, vector<2000x128xf32>,
    %swap3A_26 = arith.constant 0 : index
    %swap3A_27 = arith.constant 0 : index
    %swap3A_28 = vector.load %arg8[%swap3A_26, %swap3A_27] : memref<2000x128xf32, #tpu.memory_space<vmem>>, vector<2000x128xf32>
    tpu.vector_store %arg8[%swap3A_26, %swap3A_27], %mul3A_23 {strides = array<i32>} : memref<2000x128xf32, #tpu.memory_space<vmem>>, vector<2000x128xf32>,
    %mul3A_29 = arith.mulf %mul3A_23, %get3A_1 : vector<2000x128xf32>
    %swap3A_30 = arith.constant 0 : index
    %swap3A_31 = arith.constant 0 : index
    %swap3A_32 = vector.load %arg9[%swap3A_30, %swap3A_31] : memref<2000x128xf32, #tpu.memory_space<vmem>>, vector<2000x128xf32>
    tpu.vector_store %arg9[%swap3A_30, %swap3A_31], %mul3A_29 {strides = array<i32>} : memref<2000x128xf32, #tpu.memory_space<vmem>>, vector<2000x128xf32>,
    return
  }
  func.func @transform_0(%arg0: i32) -> (i32, i32) {
    %c0_i32 = arith.constant 0 : i32
    %c0_i32_0 = arith.constant 0 : i32
    return %arg0, %c0_i32 : i32, i32
  }
  func.func @transform_1(%arg0: i32) -> (i32, i32) {
    %c0_i32 = arith.constant 0 : i32
    %c0_i32_0 = arith.constant 0 : i32
    return %arg0, %c0_i32 : i32, i32
  }
  func.func @transform_2(%arg0: i32) -> (i32, i32) {
    %c0_i32 = arith.constant 0 : i32
    %c0_i32_0 = arith.constant 0 : i32
    return %arg0, %c0_i32 : i32, i32
  }
  func.func @transform_3(%arg0: i32) -> (i32, i32) {
    %c0_i32 = arith.constant 0 : i32
    %c0_i32_0 = arith.constant 0 : i32
    return %arg0, %c0_i32 : i32, i32
  }
  func.func @transform_4(%arg0: i32) -> (i32, i32) {
    %c0_i32 = arith.constant 0 : i32
    %c0_i32_0 = arith.constant 0 : i32
    %c0_i32_1 = arith.constant 0 : i32
    return %c0_i32, %c0_i32_0 : i32, i32
  }
  func.func @transform_5(%arg0: i32) -> (i32, i32) {
    %c0_i32 = arith.constant 0 : i32
    %c0_i32_0 = arith.constant 0 : i32
    %c0_i32_1 = arith.constant 0 : i32
    return %c0_i32, %c0_i32_0 : i32, i32
  }
  func.func @transform_6(%arg0: i32) -> (i32, i32) {
    %c0_i32 = arith.constant 0 : i32
    %c0_i32_0 = arith.constant 0 : i32
    return %arg0, %c0_i32 : i32, i32
  }
  func.func @transform_7(%arg0: i32) -> (i32, i32) {
    %c0_i32 = arith.constant 0 : i32
    %c0_i32_0 = arith.constant 0 : i32
    return %arg0, %c0_i32 : i32, i32
  }
  func.func @transform_8(%arg0: i32) -> (i32, i32) {
    %c0_i32 = arith.constant 0 : i32
    %c0_i32_0 = arith.constant 0 : i32
    return %arg0, %c0_i32 : i32, i32
  }
}

module attributes {stable_mosaic.version = 14 : i64} {
  func.func @_head_body(%arg0: i32, %arg1: memref<2000x128xf32, #tpu.memory_space<vmem>>, %arg2: memref<2000x128xf32, #tpu.memory_space<vmem>>, %arg3: memref<2000x128xf32, #tpu.memory_space<vmem>>, %arg4: memref<2000x128xf32, #tpu.memory_space<vmem>>, %arg5: memref<1x128xf32, #tpu.memory_space<vmem>>, %arg6: memref<2000x128xf32, #tpu.memory_space<vmem>>, %arg7: memref<2000x128xf32, #tpu.memory_space<vmem>>, %arg8: memref<384x128xf32, #tpu.memory_space<vmem>>, %arg9: memref<1x128xf32, #tpu.memory_space<vmem>>, %arg10: memref<128x64xf32, #tpu.memory_space<vmem>>, %arg11: memref<1x64xf32, #tpu.memory_space<vmem>>, %arg12: memref<2000x64xf32, #tpu.memory_space<vmem>>) attributes {dimension_semantics = [#tpu.dimension_semantics<arbitrary>], iteration_bounds = array<i64: 5>, scalar_prefetch = 0 : i64, scratch_operands = 0 : i64, tpu.core_type = #tpu.core_type<tc>, window_params = [{transform_indices = @transform_0, window_bounds = array<i64: 2000, 128>}, {transform_indices = @transform_1, window_bounds = array<i64: 2000, 128>}, {transform_indices = @transform_2, window_bounds = array<i64: 2000, 128>}, {transform_indices = @transform_3, window_bounds = array<i64: 2000, 128>}, {pipeline_mode = #tpu.pipeline_mode<synchronous>, transform_indices = @transform_4, window_bounds = array<i64: 1, 128>}, {transform_indices = @transform_5, window_bounds = array<i64: 2000, 128>}, {transform_indices = @transform_6, window_bounds = array<i64: 2000, 128>}, {pipeline_mode = #tpu.pipeline_mode<synchronous>, transform_indices = @transform_7, window_bounds = array<i64: 384, 128>}, {pipeline_mode = #tpu.pipeline_mode<synchronous>, transform_indices = @transform_8, window_bounds = array<i64: 1, 128>}, {pipeline_mode = #tpu.pipeline_mode<synchronous>, transform_indices = @transform_9, window_bounds = array<i64: 128, 64>}, {pipeline_mode = #tpu.pipeline_mode<synchronous>, transform_indices = @transform_10, window_bounds = array<i64: 1, 64>}, {transform_indices = @transform_11, window_bounds = array<i64: 2000, 64>}]} {
    %get3A = arith.constant 0 : index
    %get3A_0 = arith.constant 0 : index
    %get3A_1 = vector.load %arg4[%get3A, %get3A_0] : memref<2000x128xf32, #tpu.memory_space<vmem>>, vector<2000x128xf32>
    %get3A_2 = arith.constant 0 : index
    %get3A_3 = arith.constant 0 : index
    %get3A_4 = vector.load %arg1[%get3A_2, %get3A_3] : memref<2000x128xf32, #tpu.memory_space<vmem>>, vector<2000x128xf32>
    %get3A_5 = arith.constant 0 : index
    %get3A_6 = arith.constant 0 : index
    %get3A_7 = vector.load %arg2[%get3A_5, %get3A_6] : memref<2000x128xf32, #tpu.memory_space<vmem>>, vector<2000x128xf32>
    %add3A = arith.addf %get3A_4, %get3A_7 : vector<2000x128xf32>
    %mul3A = arith.mulf %get3A_1, %add3A : vector<2000x128xf32>
    %get3A_8 = arith.constant 0 : index
    %get3A_9 = arith.constant 0 : index
    %get3A_10 = vector.load %arg3[%get3A_8, %get3A_9] : memref<2000x128xf32, #tpu.memory_space<vmem>>, vector<2000x128xf32>
    %add3A_11 = arith.addf %mul3A, %get3A_10 : vector<2000x128xf32>
    %get3A_12 = arith.constant 0 : index
    %get3A_13 = arith.constant 0 : index
    %get3A_14 = vector.load %arg5[%get3A_12, %get3A_13] : memref<1x128xf32, #tpu.memory_space<vmem>>, vector<1x128xf32>
    %add3A_15 = vector.broadcast %get3A_14 : vector<1x128xf32> to vector<2000x128xf32>
    %add3A_16 = arith.addf %add3A_11, %add3A_15 : vector<2000x128xf32>
    %max3A = arith.constant 0.000000e+00 : f32
    %max3A_17 = vector.broadcast %max3A : f32 to vector<2000x128xf32>
    %max3A_18 = arith.maximumf %add3A_16, %max3A_17 : vector<2000x128xf32>
    %get3A_19 = arith.constant 0 : index
    %get3A_20 = arith.constant 0 : index
    %get3A_21 = vector.load %arg6[%get3A_19, %get3A_20] : memref<2000x128xf32, #tpu.memory_space<vmem>>, vector<2000x128xf32>
    %get3A_22 = arith.constant 0 : index
    %get3A_23 = arith.constant 0 : index
    %get3A_24 = vector.load %arg8[%get3A_22, %get3A_23] : memref<384x128xf32, #tpu.memory_space<vmem>>, vector<128x128xf32>
    %dot_general3A = arith.constant dense<0.000000e+00> : vector<2000x128xf32>
    %dot_general3A_25 = tpu.matmul %get3A_21, %get3A_24, %dot_general3A {dimension_numbers = #tpu.dot_dimension_numbers<[1], [0], [0], [1], [0, 0, 1, 1], [], []>, transpose_lhs_hint = false} : vector<2000x128xf32>, vector<128x128xf32>, vector<2000x128xf32> -> vector<2000x128xf32>
    %get3A_26 = arith.constant 0 : index
    %get3A_27 = arith.constant 0 : index
    %get3A_28 = vector.load %arg7[%get3A_26, %get3A_27] : memref<2000x128xf32, #tpu.memory_space<vmem>>, vector<2000x128xf32>
    %get3A_29 = arith.constant 128 : index
    %get3A_30 = arith.constant 0 : index
    %get3A_31 = vector.load %arg8[%get3A_29, %get3A_30] : memref<384x128xf32, #tpu.memory_space<vmem>>, vector<128x128xf32>
    %dot_general3A_32 = arith.constant dense<0.000000e+00> : vector<2000x128xf32>
    %dot_general3A_33 = tpu.matmul %get3A_28, %get3A_31, %dot_general3A_32 {dimension_numbers = #tpu.dot_dimension_numbers<[1], [0], [0], [1], [0, 0, 1, 1], [], []>, transpose_lhs_hint = false} : vector<2000x128xf32>, vector<128x128xf32>, vector<2000x128xf32> -> vector<2000x128xf32>
    %add3A_34 = arith.addf %dot_general3A_25, %dot_general3A_33 : vector<2000x128xf32>
    %get3A_35 = arith.constant 256 : index
    %get3A_36 = arith.constant 0 : index
    %get3A_37 = vector.load %arg8[%get3A_35, %get3A_36] : memref<384x128xf32, #tpu.memory_space<vmem>>, vector<128x128xf32>
    %dot_general3A_38 = arith.constant dense<0.000000e+00> : vector<2000x128xf32>
    %dot_general3A_39 = tpu.matmul %max3A_18, %get3A_37, %dot_general3A_38 {dimension_numbers = #tpu.dot_dimension_numbers<[1], [0], [0], [1], [0, 0, 1, 1], [], []>, transpose_lhs_hint = false} : vector<2000x128xf32>, vector<128x128xf32>, vector<2000x128xf32> -> vector<2000x128xf32>
    %add3A_40 = arith.addf %add3A_34, %dot_general3A_39 : vector<2000x128xf32>
    %get3A_41 = arith.constant 0 : index
    %get3A_42 = arith.constant 0 : index
    %get3A_43 = vector.load %arg9[%get3A_41, %get3A_42] : memref<1x128xf32, #tpu.memory_space<vmem>>, vector<1x128xf32>
    %add3A_44 = vector.broadcast %get3A_43 : vector<1x128xf32> to vector<2000x128xf32>
    %add3A_45 = arith.addf %add3A_40, %add3A_44 : vector<2000x128xf32>
    %max3A_46 = arith.constant 0.000000e+00 : f32
    %max3A_47 = vector.broadcast %max3A_46 : f32 to vector<2000x128xf32>
    %max3A_48 = arith.maximumf %add3A_45, %max3A_47 : vector<2000x128xf32>
    %get3A_49 = arith.constant 0 : index
    %get3A_50 = arith.constant 0 : index
    %get3A_51 = vector.load %arg10[%get3A_49, %get3A_50] : memref<128x64xf32, #tpu.memory_space<vmem>>, vector<128x64xf32>
    %dot_general3A_52 = arith.constant dense<0.000000e+00> : vector<2000x64xf32>
    %dot_general3A_53 = tpu.matmul %max3A_48, %get3A_51, %dot_general3A_52 {dimension_numbers = #tpu.dot_dimension_numbers<[1], [0], [0], [1], [0, 0, 1, 1], [], []>, transpose_lhs_hint = false} : vector<2000x128xf32>, vector<128x64xf32>, vector<2000x64xf32> -> vector<2000x64xf32>
    %get3A_54 = arith.constant 0 : index
    %get3A_55 = arith.constant 0 : index
    %get3A_56 = vector.load %arg11[%get3A_54, %get3A_55] : memref<1x64xf32, #tpu.memory_space<vmem>>, vector<1x64xf32>
    %add3A_57 = vector.broadcast %get3A_56 : vector<1x64xf32> to vector<2000x64xf32>
    %add3A_58 = arith.addf %dot_general3A_53, %add3A_57 : vector<2000x64xf32>
    %logistic3A = arith.negf %add3A_58 : vector<2000x64xf32>
    %logistic3A_59 = math.exp %logistic3A : vector<2000x64xf32>
    %logistic3A_60 = arith.constant 1.000000e+00 : f32
    %logistic3A_61 = vector.broadcast %logistic3A_60 : f32 to vector<2000x64xf32>
    %logistic3A_62 = arith.addf %logistic3A_61, %logistic3A_59 : vector<2000x64xf32>
    %logistic3A_63 = arith.divf %logistic3A_61, %logistic3A_62 : vector<2000x64xf32>
    %swap3A = arith.constant 0 : index
    %swap3A_64 = arith.constant 0 : index
    %swap3A_65 = vector.load %arg12[%swap3A, %swap3A_64] : memref<2000x64xf32, #tpu.memory_space<vmem>>, vector<2000x64xf32>
    tpu.vector_store %arg12[%swap3A, %swap3A_64], %logistic3A_63 {strides = array<i32>} : memref<2000x64xf32, #tpu.memory_space<vmem>>, vector<2000x64xf32>,
    return
  }
  func.func @transform_0(%arg0: i32) -> (i32, i32) {
    %c0_i32 = arith.constant 0 : i32
    %c0_i32_0 = arith.constant 0 : i32
    return %arg0, %c0_i32 : i32, i32
  }
  func.func @transform_1(%arg0: i32) -> (i32, i32) {
    %c0_i32 = arith.constant 0 : i32
    %c0_i32_0 = arith.constant 0 : i32
    return %arg0, %c0_i32 : i32, i32
  }
  func.func @transform_2(%arg0: i32) -> (i32, i32) {
    %c0_i32 = arith.constant 0 : i32
    %c0_i32_0 = arith.constant 0 : i32
    return %arg0, %c0_i32 : i32, i32
  }
  func.func @transform_3(%arg0: i32) -> (i32, i32) {
    %c0_i32 = arith.constant 0 : i32
    %c0_i32_0 = arith.constant 0 : i32
    return %arg0, %c0_i32 : i32, i32
  }
  func.func @transform_4(%arg0: i32) -> (i32, i32) {
    %c0_i32 = arith.constant 0 : i32
    %c0_i32_0 = arith.constant 0 : i32
    %c0_i32_1 = arith.constant 0 : i32
    return %c0_i32, %c0_i32_0 : i32, i32
  }
  func.func @transform_5(%arg0: i32) -> (i32, i32) {
    %c0_i32 = arith.constant 0 : i32
    %c0_i32_0 = arith.constant 0 : i32
    return %arg0, %c0_i32 : i32, i32
  }
  func.func @transform_6(%arg0: i32) -> (i32, i32) {
    %c0_i32 = arith.constant 0 : i32
    %c0_i32_0 = arith.constant 0 : i32
    return %arg0, %c0_i32 : i32, i32
  }
  func.func @transform_7(%arg0: i32) -> (i32, i32) {
    %c0_i32 = arith.constant 0 : i32
    %c0_i32_0 = arith.constant 0 : i32
    %c0_i32_1 = arith.constant 0 : i32
    return %c0_i32, %c0_i32_0 : i32, i32
  }
  func.func @transform_8(%arg0: i32) -> (i32, i32) {
    %c0_i32 = arith.constant 0 : i32
    %c0_i32_0 = arith.constant 0 : i32
    %c0_i32_1 = arith.constant 0 : i32
    return %c0_i32, %c0_i32_0 : i32, i32
  }
  func.func @transform_9(%arg0: i32) -> (i32, i32) {
    %c0_i32 = arith.constant 0 : i32
    %c0_i32_0 = arith.constant 0 : i32
    %c0_i32_1 = arith.constant 0 : i32
    return %c0_i32, %c0_i32_0 : i32, i32
  }
  func.func @transform_10(%arg0: i32) -> (i32, i32) {
    %c0_i32 = arith.constant 0 : i32
    %c0_i32_0 = arith.constant 0 : i32
    %c0_i32_1 = arith.constant 0 : i32
    return %c0_i32, %c0_i32_0 : i32, i32
  }
  func.func @transform_11(%arg0: i32) -> (i32, i32) {
    %c0_i32 = arith.constant 0 : i32
    %c0_i32_0 = arith.constant 0 : i32
    return %arg0, %c0_i32 : i32, i32
  }
}

</mosaic_0001>

<sc_bundles>
// kernel: kernel.11.cloned.1.call-start
scs
__scs_entry_jumppad:
0x0: {  	(pc) =	sbr.rel $0x88, $3  }
0x1: {  	(tag) =	ssettag $0x0;
	lr =	simm.s32 $0x1  }
0x2: {  	[smem:$0x3F97] =	sst lr;
	_ =	strace $0xD0000000  }
0x3: {  	_ = 	snop  }
0x4: {  	_ = 	snop  }
0x5: {  	_ = 	snop  }
0x6: {  	_ = 	snop  }
0x7: {  	_ = 	snop  }
__scs_overlays_trampoline_lowered:
0x8: {  	[smem:$0x3FA6] =	sst s0  }
0x9: {  	[smem:$0x3FA7] =	sst s1  }
0xa: {  	[smem:$0x3FA8] =	sst s2  }
0xb: {  	[smem:$0x3FA9] =	sst s3  }
0xc: {  	[smem:$0x3FAA] =	sst s4  }
0xd: {  	[smem:$0x3FAB] =	sst s5  }
0xe: {  	[smem:$0x3FAC] =	sst s6  }
0xf: {  	[smem:$0x3FAD] =	sst s7  }
0x10: {  	[smem:$0x3FAE] =	sst s8  }
0x11: {  	[smem:$0x3FAF] =	sst s9;
	s0 =	simm.s32 @!p0 $0x0  }
0x12: {  	s1 =	sld [smem:$0x3F95];
	s0 =	simm.s32 @p0 $0x1  }
0x13: {  	[smem:$0x3FB0] =	sst s0;
	s0 =	simm.s32 @!p1 $0x0  }
0x14: {  	s2 =	sld [smem:$0x3F94];
	s0 =	simm.s32 @p1 $0x1  }
0x15: {  	[smem:$0x3FB1] =	sst s0;
	s0 =	simm.s32 @!p2 $0x0  }
0x16: {  	s3 =	sld [smem:$0x3FDB];
	s0 =	simm.s32 @p2 $0x1  }
0x17: {  	s4 =	simm.s32 $0x1BF5;
	[smem:$0x3FB3] =	sst s0  }
0x18: {  	s0 =	sld [smem:$0x3F96];
	_ =	swait.ge [sflag:s4], $0x0  }
0x19: {  	s7 =	sld [smem:$0x3F97]  }
0x1a: {  	s8 =	sadd.s32 $0xFFFFE003, lr  }
0x1b: {  	s9 =	sadd.s32 $0xFFFFFEF7, lr;
	s5 =	simm.s32 $0xFFFFFFFF;
	p2 =	slt.u32 s8, $0xFFFFF086  }
0x1c: {  	p1 =	slt.u32 s9, $0xF7A;
	s5 =	simm.s32 @!p2 $0x0  }
0x1d: {  	s5 =	simm.s32 @p1 $0x1;
	p0 =	seq.s32 s7, s2  }
0x1e: {  	s7 =	smul.u32 @!p0 $0xF7A, s2;
	p2 =	seq.s32 @!p0 s5, $0x0  }
0x1f: {  	s9 =	smul.u32 $0xF7A, s1;
	s8 =	simm.s32 @!p0 $0x1BF5;
	p2 =	por !p2, p0  }
0x20: {  	[sflag:s8] =	ssyncset.s32 @!p0 $0xFFFFF086;
	s6 =	sadd.s32 @!p0 s3, s7;
	s7 =	simm.s32 @!p0 $0x108  }
0x21: {  	s3 =	sadd.s32 s3, s9;
	s6 =	sadd.s32 @!p0 $0x88, s6;
	s7 =	simm.s32 @p2 $0x1082  }
0x22: {  	[simem:s7], [sflag:s8] =	dma.local @!p0 [hbm:s6], $0xF7A  }
0x23: {  	s9 =	sor.u32 $0xD0000000, s2;
	s6 =	simm.s32 $0x108;
	_ =	swait.ge @!p0 [sflag:s8], $0x0  }
0x24: {  	s3 =	sadd.s32 $0x88, s3;
	s6 =	simm.s32 @!p1 $0x1082;
	[sflag:s4] =	ssyncset.s32 $0xFFFFF086  }
0x25: {  	[simem:s6], [sflag:s4] =	dma.local [hbm:s3], $0xF7A  }
0x26: {  	[smem:$0x3F97] =	sst s1;
	(tag) =	ssettag s2;
	_ =	strace s9  }
0x27: {  	s1 =	sld [smem:$0x3FA7]  }
0x28: {  	s2 =	sld [smem:$0x3FA8]  }
0x29: {  	s4 =	sld [smem:$0x3FAA]  }
0x2a: {  	p0 =	seq.s32 s5, $0x0;
	s5 =	sld [smem:$0x3FAB]  }
0x2b: {  	s6 =	sld [smem:$0x3FAC]  }
0x2c: {  	s7 =	sld [smem:$0x3FAD]  }
0x2d: {  	s3 =	simm.s32 $0x108;
	s8 =	sld [smem:$0x3FAE]  }
0x2e: {  	s3 =	simm.s32 @!p0 $0x1082;
	s9 =	sld [smem:$0x3FAF]  }
0x2f: {  	lr =	sadd.s32 s0, s3;
	s0 =	sld [smem:$0x3FA6]  }
0x30: {  	s3 =	sld [smem:$0x3FA9]  }
0x31: {  	[smem:$0x3FB2] =	sst s10  }
0x32: {  	s10 =	sld [smem:$0x3FB0];
	_ =	sdelay $0x3  }
0x33: {  	p0 =	seq.s32 s10, $0x1;
	s10 =	sld [smem:$0x3FB2];
	_ =	sdelay $0x3  }
0x34: {  	[smem:$0x3FB2] =	sst s10  }
0x35: {  	s10 =	sld [smem:$0x3FB1];
	_ =	sdelay $0x3  }
0x36: {  	p1 =	seq.s32 s10, $0x1;
	s10 =	sld [smem:$0x3FB2];
	_ =	sdelay $0x3  }
0x37: {  	[smem:$0x3FB2] =	sst s10  }
0x38: {  	s10 =	sld [smem:$0x3FB3]  }
0x39: {  	_ = 	snop;
	(pc) =	sbr.ind lr, $3  }
0x3a: {  	_ = 	snop  }
0x3b: {  	_ = 	snop  }
0x3c: {  	p2 =	seq.s32 s10, $0x1;
	s10 =	sld [smem:$0x3FB2]  }
0x3d: {  	_ =	shalt  }
0x3e: {  	_ =	shalt  }
0x3f: {  	_ =	shalt  }
0x40: {  	_ =	shalt  }
0x41: {  	_ =	shalt  }
0x42: {  	_ =	shalt  }
0x43: {  	_ =	shalt  }
0x44: {  	_ =	shalt  }
0x45: {  	_ =	shalt  }
0x46: {  	_ =	shalt  }
0x47: {  	_ =	shalt  }
0x48: {  	_ =	shalt  }
0x49: {  	_ =	shalt  }
0x4a: {  	_ =	shalt  }
0x4b: {  	_ =	shalt  }
0x4c: {  	_ =	shalt  }
0x4d: {  	_ =	shalt  }
0x4e: {  	_ =	shalt  }
0x4f: {  	_ =	shalt  }
0x50: {  	_ =	shalt  }
0x51: {  	_ =	shalt  }
0x52: {  	_ =	shalt  }
0x53: {  	_ =	shalt  }
0x54: {  	_ =	shalt  }
0x55: {  	_ =	shalt  }
0x56: {  	_ =	shalt  }
0x57: {  	_ =	shalt  }
0x58: {  	_ =	shalt  }
0x59: {  	_ =	shalt  }
0x5a: {  	_ =	shalt  }
0x5b: {  	_ =	shalt  }
0x5c: {  	_ =	shalt  }
0x5d: {  	_ =	shalt  }
0x5e: {  	_ =	shalt  }
0x5f: {  	_ =	shalt  }
0x60: {  	_ =	shalt  }
0x61: {  	_ =	shalt  }
0x62: {  	_ =	shalt  }
0x63: {  	_ =	shalt  }
0x64: {  	_ =	shalt  }
0x65: {  	_ =	shalt  }
0x66: {  	_ =	shalt  }
0x67: {  	_ =	shalt  }
0x68: {  	_ =	shalt  }
0x69: {  	_ =	shalt  }
0x6a: {  	_ =	shalt  }
0x6b: {  	_ =	shalt  }
0x6c: {  	_ =	shalt  }
0x6d: {  	_ =	shalt  }
0x6e: {  	_ =	shalt  }
0x6f: {  	_ =	shalt  }
0x70: {  	_ =	shalt  }
0x71: {  	_ =	shalt  }
0x72: {  	_ =	shalt  }
0x73: {  	_ =	shalt  }
0x74: {  	_ =	shalt  }
0x75: {  	_ =	shalt  }
0x76: {  	_ =	shalt  }
0x77: {  	_ =	shalt  }
0x78: {  	_ =	shalt  }
0x79: {  	_ =	shalt  }
0x7a: {  	_ =	shalt  }
0x7b: {  	_ =	shalt  }
0x7c: {  	_ =	shalt  }
0x7d: {  	_ =	shalt  }
0x7e: {  	_ =	shalt  }
0x7f: {  	_ =	shalt  }
0x80: {  	_ =	shalt  }
0x81: {  	_ =	shalt  }
0x82: {  	_ =	shalt  }
0x83: {  	_ =	shalt  }
0x84: {  	_ =	shalt  }
0x85: {  	_ =	shalt  }
0x86: {  	_ =	shalt  }
0x87: {  	_ =	shalt  }
.Lfunc_end0:
.L_simem_size_0:
called_computation.1_lowered:
.L_overlay_start_0:
0x88: {  	s2 =	sld [smem:$0x3FD9]  }
0x89: {  	s3 =	sld [smem:$0x3FFE];
	_ =	sdelay $0x1  }
0x8a: {  	s1 =	srdreg.scid  }
0x8b: {  	s0 =	sand.u32 $0x1, s1  }
0x8c: {  	s17 =	sshll.u32 s0, $0xA;
	s2 =	sadd.s32 s3, s2  }
0x8d: {  	s2 =	sadd.s32 s2, s17  }
0x8e: {  	[smem:$0x3FBE] =	sst s2  }
0x8f: {  	_ = 	snop  }
0x90: {  	s2 =	sld [smem:$0x3FD0];
	(tm) =	ssettm $0x1  }
0x91: {  	s18 =	sld [smem:$0x3FFB];
	_ =	sdelay $0x3  }
0x92: {  	_ =	strace s18  }
0x93: {  	s3 =	sld [smem:$0x3FFC];
	_ =	sdelay $0x3  }
0x94: {  	_ =	strace s3  }
0x95: {  	s3 =	sld [smem:$0x3FFD];
	_ =	sdelay $0x3  }
0x96: {  	_ =	strace s3  }
0x97: {  	_ =	strace $0x8FFFFFFF  }
0x98: {  	s19 =	sld [smem:$0x3FDB];
	_ =	sdelay $0x1  }
0x99: {  	s4 =	simm.s32 $_scs_section_size  }
0x9a: {  	s5 =	simm.s32 $_size__tile_overlayer_lowered;
	s6 =	simm.s32 $_tile_overlayer_lowered  }
0x9b: {  	s22 =	simm.s32 $0x1BFF;
	s21 =	sshll.u32 s6, $0x1;
	s3 =	sadd.s32 s4, s19  }
0x9c: {  	s7 =	simm.s32 $0x0;
	s20 =	sshll.u32 s5, $0x1;
	s5 =	sadd.s32 s21, s3  }
0x9d: {  	[timem:s7], [sflag:s22] =	dma.local [hbm:s5], s20  }
0x9e: {  	_ =	swait.ge [sflag:s22], s20  }
0x9f: {  	s4 =	ssub.s32 $0x0, s20;
	[sflag:s22] =	ssyncset.done $0x0  }
0xa0: {  	[sflag:s22] =	ssyncadd.s32 s4;
	_ =	sdelay $0x1  }
0xa1: {  	s23 =	simm.s32 $0x1B8B  }
0xa2: {  	_ =	swait.ge [sflag:s23], $0x1  }
0xa3: {  	[sflag:s23] =	ssyncset.done $0x0  }
0xa4: {  	s25 =	simm.s32 $0x1B8E;
	s24 =	sld [smem:$0x3FFE];
	[sflag:s23] =	ssyncadd.s32 $0xFFFFFFFF  }
0xa5: {  	s26 =	simm.s32 $execute0_lowered;
	[smem:$0x3FD2] =	sst s25  }
0xa6: {  	s5 =	sshll.u32 s26, $0x1;
	_ =	strace $0x80000049;
	[dreg:$0x1] =	wrdreg $0xFFFFFFFF  }
0xa7: {  	s28 =	simm.s32 $_size_execute0_lowered;
	s3 =	sadd.s32 s3, s5;
	[dreg:$0x0] =	wrdreg $0x0  }
0xa8: {  	s5 =	sshll.u32 s28, $0x1;
	[dreg:$0x2] =	wrdreg s3  }
0xa9: {  	[dreg:$0x3] =	wrdreg s5  }
0xaa: {  	[dreg:$0x4] =	wrdreg $0xC0  }
0xab: {  	_ =	task [dreg:s7], $0x5FFFF  }
0xac: {  	[dreg:$0x1] =	wrdreg $0xFFFFFFFF  }
0xad: {  	[dreg:$0x0] =	wrdreg $0x60  }
0xae: {  	[dreg:$0x2] =	wrdreg s24  }
0xaf: {  	[dreg:$0x3] =	wrdreg s2  }
0xb0: {  	[dreg:$0x4] =	wrdreg $0xA0000  }
0xb1: {  	[dreg:$0x5] =	wrdreg $0x9  }
0xb2: {  	_ =	task.clear_ibuf [dreg:s7], $0x6FFFF;
	_ =	strace $0x90000049  }
0xb3: {  	s29 =	simm.s32 $0x9;
	_ =	strace $0x8000004B  }
0xb4: {  	_ =	swait.ge [sflag:s29], $0x1  }
0xb5: {  	[sflag:s29] =	ssyncadd.s32 $0xFFFFFFFF  }
0xb6: {  	_ =	strace $0x9000004B  }
0xb7: {  	_ =	sfence  }
0xb8: {  	s30 =	sld [smem:$0x0];
	_ =	sdelay $0x2  }
0xb9: {  	s31 =	sshll.u32 s1, $0xD;
	s1 =	sshrl.u32 s1, $0x2  }
0xba: {  	s3 =	sand.u32 $0x4000, s31;
	s1 =	sadd.s32 s1, s30  }
0xbb: {  	s0 =	sor.u32 s3, s0;
	s1 =	sshll.u32 s1, $0x11  }
0xbc: {  	s0 =	sor.u32 s1, s0  }
0xbd: {  	s0 =	sadd.s32 $0x8F2B, s0  }
0xbe: {  	[sflag:s0] =	ssyncadd.remote.s32 $0x1  }
0xbf: {  	_ =	sfence.sel $0xFFFF  }
0xc0: {  	[dreg:$0x0] =	wrdreg $0xFFFFFFFF;
	(pc) =	sbr.abs _section_cstart, $3  }
0xc1: {  	[dreg:$0x1] =	wrdreg $0xFFFFFFFF  }
0xc2: {  	_ =	task.clear_ibuf [dreg:s7], $0x2FFFF;
	_ =	strace $0x9FFFFFFF  }
0xc3: {  	(tm) =	ssettm $0x7FFFFFFF  }
tec
execute0_lowered:
.L_overlay_start_1:
0x0: {  	(tag) =	ssettag $0x1  }
0x1: {  	s7 =	rddreg [dreg:$0x0]  }
0x2: {  	s2 =	rddreg [dreg:$0x1];
	s0 =	srdreg.scid  }
0x3: {  	s3 =	rddreg [dreg:$0x2];
	s1 =	stileid.u32  }
0x4: {  	s4 =	simm.s32 $0x0;
	s15 =	simm.s32 $0x2000;
	s16 =	simm.s32 $0x3  }
0x5: {  	s17 =	simm.s32 $0x1000;
	s18 =	simm.s32 $0x80;
	s19 =	simm.s32 $0x6000  }
0x6: {  	s20 =	simm.s32 $0x1;
	s21 =	simm.s32 $0x2;
	s23 =	simm.s32 $0x1F80  }
0x7: {  	s22 =	sand.u32 $0x1, s0;
	s0 =	rddreg [dreg:$0x3];
	s8 =	smul.u32 $0x14000, s1  }
0x8: {  	[smem:$0x7FF] =	sst s4;
	s5 =	sadd.s32 $0x3200, s7;
	s6 =	smul.u32 $0x140000, s22  }
0x9: {  	s30 =	smul.u32 $0x50000, s1;
	s31 =	sshll.u32 s1, $0xC;
	s9 =	ssub.s32 $0x2, s22  }
0xa: {  	p0 =	seq.s32 s22, $0x0;
	s29 =	sshrl.u32 s9, $0x1;
	s8 =	sadd.s32 s8, s6  }
0xb: {  	s6 =	sadd.s32 $0xD200, s7;
	s11 =	ssub.s32 s9, s29;
	s8 =	sshrl.u32 s8, $0x3  }
0xc: {  	s9 =	sshll.u32 s1, $0xE;
	s10 =	sadd.s32 s8, s7;
	s7 =	sor.u32 $0x40000, s31  }
0xd: {  	_ =	strace $0x8000004A;
	s8 =	sshrl.u32 s30, $0x2;
	s7 =	smov.u32 @p0 s9  }
0xe: {  	s8 =	sadd.s32 s8, s3;
	s9 =	sadd.s32 $0x82800, s10;
	s10 =	smax.u32 s11, $0x1  }
0xf: {  	p0 =	sne.s32 s22, $0x0;
	s22 =	simm.s32 $0x1F00;
	s11 =	sadd.s32 $0x4000, s8  }
0x10: {  	v0 =	vimm.f32 $0.0e+00;
	s12 =	sadd.s32 $0x8000, s8;
	s13 =	sadd.s32 $0xC000, s8;
	s14 =	sadd.s32 $0x10000, s8  }
.LBB2_1:
0x11: {  	s24 =	simm.s32 $0x0;
	s25 =	simm.s32 $0x200  }
.LBB2_2:
0x12: {  	p1 =	sne.s32 s25, $0xFE00;
	[tilespmem:s24+$0x2070] =	vst v0  }
0x13: {  	[tilespmem:s24+$0x2000] =	vst v0  }
0x14: {  	[tilespmem:s24+$0x2010] =	vst v0  }
.Ltmp0:
0x15: {  	[tilespmem:s24+$0x2020] =	vst v0;
	(pc) =	sbr.rel @p1 .LBB2_2-.Ltmp0, $4  }
0x16: {  	[tilespmem:s24+$0x2030] =	vst v0  }
0x17: {  	[tilespmem:s24+$0x2040] =	vst v0  }
0x18: {  	[tilespmem:s24+$0x2050] =	vst v0  }
0x19: {  	[tilespmem:s24+$0x2060] =	vst v0;
	s24 =	sshra.s32 s25, $0x2;
	s25 =	sadd.s32 $0x200, s25  }
0x1a: {  	[tilespmem:s24+$0x2070] =	vst v0  }
0x1b: {  	[tilespmem:s24+$0x2000] =	vst v0  }
0x1c: {  	[tilespmem:s24+$0x2010] =	vst v0  }
0x1d: {  	[tilespmem:s24+$0x2020] =	vst v0  }
0x1e: {  	[tilespmem:s24+$0x2030] =	vst v0  }
0x1f: {  	[tilespmem:s24+$0x2040] =	vst v0  }
0x20: {  	[tilespmem:s24+$0x2050] =	vst v0  }
0x21: {  	[tilespmem:s24+$0x2060] =	vst v0  }
0x22: {  	[spmem:s8] =	stream.linear.scatter [tilespmem:s15], [sflag:$0x3], $0x4000, $0x38;
	[tilespmem:$0x1E000] =	vst v63  }
0x23: {  	_ =	swait.ge [sflag:s16], $0x4000  }
0x24: {  	[sflag:s16] =	ssyncset.done $0x0  }
0x25: {  	[sflag:s16] =	ssyncadd.s32 $0xFFFFC000  }
0x26: {  	[spmem:s11] =	stream.linear.scatter [tilespmem:s15], [sflag:$0x3], $0x4000, $0x38;
	[tilespmem:$0x1E000] =	vst v63  }
0x27: {  	_ =	swait.ge [sflag:s16], $0x4000  }
0x28: {  	[sflag:s16] =	ssyncset.done $0x0  }
0x29: {  	[sflag:s16] =	ssyncadd.s32 $0xFFFFC000  }
0x2a: {  	[spmem:s12] =	stream.linear.scatter [tilespmem:s15], [sflag:$0x3], $0x4000, $0x38;
	[tilespmem:$0x1E000] =	vst v63  }
0x2b: {  	_ =	swait.ge [sflag:s16], $0x4000  }
0x2c: {  	[sflag:s16] =	ssyncset.done $0x0  }
0x2d: {  	[sflag:s16] =	ssyncadd.s32 $0xFFFFC000  }
0x2e: {  	[spmem:s13] =	stream.linear.scatter [tilespmem:s15], [sflag:$0x3], $0x4000, $0x38;
	[tilespmem:$0x1E000] =	vst v63  }
0x2f: {  	_ =	swait.ge [sflag:s16], $0x4000  }
0x30: {  	[sflag:s16] =	ssyncset.done $0x0  }
0x31: {  	[sflag:s16] =	ssyncadd.s32 $0xFFFFC000  }
0x32: {  	[spmem:s14] =	stream.linear.scatter [tilespmem:s15], [sflag:$0x3], $0x4000, $0x38;
	[tilespmem:$0x1E000] =	vst v63  }
0x33: {  	_ =	swait.ge [sflag:s16], $0x4000  }
0x34: {  	[sflag:s16] =	ssyncset.done $0x0  }
0x35: {  	[sflag:s16] =	ssyncadd.s32 $0xFFFFC000  }
0x36: {  	s24 =	simm.s32 $0x0;
	s25 =	simm.s32 $0x0;
	[bflag:$0x0] =	sbarrier.arrive $0xFFFF  }
.LBB2_4:
0x37: {  	s26 =	sshll.u32 s25, $0xC  }
0x38: {  	s26 =	sadd.s32 s7, s26  }
0x39: {  	s26 =	sshrl.u32 s26, $0x3  }
0x3a: {  	s28 =	sadd.s32 s5, s26  }
0x3b: {  	[tilespmem:s24], [sflag:$0x3] =	stream.linear.gather [hbm4b:s28+s24], $0x1000, $0x38;
	[tilespmem:$0x1E000] =	vst v63  }
0x3c: {  	_ =	swait.ge [sflag:s16], $0x1000  }
0x3d: {  	[sflag:s16] =	ssyncset.done $0x0  }
0x3e: {  	s26 =	sadd.s32 s2, s26;
	[sflag:s16] =	ssyncadd.s32 $0xFFFFF000  }
0x3f: {  	[tilespmem:s17], [sflag:$0x3] =	stream.linear.gather [hbm4b:s26+s24], $0x1000, $0x38;
	[tilespmem:$0x1E000] =	vst v63  }
0x40: {  	_ =	swait.ge [sflag:s16], $0x1000  }
0x41: {  	[sflag:s16] =	ssyncset.done $0x0  }
0x42: {  	[sflag:s16] =	ssyncadd.s32 $0xFFFFF000  }
0x43: {  	[tilespmem:s15], [sflag:$0x1] =	stream.indirect.gather [hbm4b:s6+s18], $0x80, s24, s18, $0xb8;
	[tilespmem:$0x1E000] =	vst v63  }
0x44: {  	_ = 	snop  }
0x45: {  	[tilespmem:s19], [sflag:$0x2] =	stream.indirect.gather [hbm4b:s6+s18], $0x80, s18, s18, $0xb8;
	[tilespmem:$0x1E000] =	vst v63  }
0x46: {  	_ =	swait.ge [sflag:s20], $0x4000  }
0x47: {  	[sflag:s20] =	ssyncset.done $0x0  }
0x48: {  	s29 =	simm.s32 $0x1000;
	[sflag:s20] =	ssyncadd.s32 $0xFFFFC000  }
0x49: {  	[spmem:s3] =	stream.indirect.scatter.add.f32 [tilespmem:s15], [sflag:$0x3], $0x80, s29, s18, $0xb8;
	[tilespmem:$0x1E000] =	vst v63  }
0x4a: {  	_ =	swait.ge [sflag:s16], $0x4000  }
0x4b: {  	[sflag:s16] =	ssyncset.done $0x0  }
0x4c: {  	s30 =	simm.s32 $0x100;
	[sflag:s16] =	ssyncadd.s32 $0xFFFFC000  }
0x4d: {  	[tilespmem:s15], [sflag:$0x1] =	stream.indirect.gather [hbm4b:s6+s18], $0x80, s30, s18, $0xb8;
	[tilespmem:$0x1E000] =	vst v63  }
0x4e: {  	_ =	swait.ge [sflag:s21], $0x4000  }
0x4f: {  	[sflag:s21] =	ssyncset.done $0x0  }
0x50: {  	s31 =	simm.s32 $0x1080;
	[sflag:s21] =	ssyncadd.s32 $0xFFFFC000  }
0x51: {  	[spmem:s3] =	stream.indirect.scatter.add.f32 [tilespmem:s19], [sflag:$0x3], $0x80, s31, s18, $0xb8;
	[tilespmem:$0x1E000] =	vst v63  }
0x52: {  	_ =	swait.ge [sflag:s16], $0x4000  }
0x53: {  	[sflag:s16] =	ssyncset.done $0x0  }
0x54: {  	s28 =	simm.s32 $0x180;
	s26 =	simm.s32 $0x400;
	[sflag:s16] =	ssyncadd.s32 $0xFFFFC000  }
.LBB2_5:
0x55: {  	[tilespmem:s19], [sflag:$0x2] =	stream.indirect.gather [hbm4b:s6+s18], $0x80, s28, s18, $0xb8;
	[tilespmem:$0x1E000] =	vst v63  }
0x56: {  	s28 =	smov.u32 s26  }
0x57: {  	p1 =	sne.s32 s26, $0x3800;
	s26 =	sadd.s32 $0x400, s26;
	_ =	swait.ge [sflag:s20], $0x4000  }
0x58: {  	s28 =	sshra.s32 s28, $0x2;
	[sflag:s20] =	ssyncset.done $0x0  }
0x59: {  	s29 =	sadd.s32 $0x1000, s28;
	[sflag:s20] =	ssyncadd.s32 $0xFFFFC000  }
0x5a: {  	[spmem:s3] =	stream.indirect.scatter.add.f32 [tilespmem:s15], [sflag:$0x3], $0x80, s29, s18, $0xb8;
	[tilespmem:$0x1E000] =	vst v63  }
0x5b: {  	_ =	swait.ge [sflag:s16], $0x4000  }
0x5c: {  	[sflag:s16] =	ssyncset.done $0x0  }
0x5d: {  	s29 =	sadd.s32 $0x100, s28;
	[sflag:s16] =	ssyncadd.s32 $0xFFFFC000  }
0x5e: {  	[tilespmem:s15], [sflag:$0x1] =	stream.indirect.gather [hbm4b:s6+s18], $0x80, s29, s18, $0xb8;
	[tilespmem:$0x1E000] =	vst v63  }
0x5f: {  	_ =	swait.ge [sflag:s21], $0x4000  }
0x60: {  	[sflag:s21] =	ssyncset.done $0x0  }
.Ltmp1:
0x61: {  	s29 =	sadd.s32 $0x1080, s28;
	[sflag:s21] =	ssyncadd.s32 $0xFFFFC000;
	(pc) =	sbr.rel @p1 .LBB2_5-.Ltmp1, $4  }
0x62: {  	[spmem:s3] =	stream.indirect.scatter.add.f32 [tilespmem:s19], [sflag:$0x3], $0x80, s29, s18, $0xb8;
	[tilespmem:$0x1E000] =	vst v63  }
0x63: {  	_ =	swait.ge [sflag:s16], $0x4000  }
0x64: {  	[sflag:s16] =	ssyncset.done $0x0  }
0x65: {  	s28 =	sadd.s32 $0x180, s28;
	[sflag:s16] =	ssyncadd.s32 $0xFFFFC000  }
0x66: {  	[tilespmem:s19], [sflag:$0x2] =	stream.indirect.gather [hbm4b:s6+s18], $0x80, s28, s18, $0xb8;
	[tilespmem:$0x1E000] =	vst v63  }
0x67: {  	_ =	swait.ge [sflag:s20], $0x4000  }
0x68: {  	[sflag:s20] =	ssyncset.done $0x0  }
0x69: {  	[sflag:s20] =	ssyncadd.s32 $0xFFFFC000  }
0x6a: {  	[spmem:s3] =	stream.indirect.scatter.add.f32 [tilespmem:s15], [sflag:$0x3], $0x80, s22, s18, $0xb8;
	[tilespmem:$0x1E000] =	vst v63  }
0x6b: {  	_ =	swait.ge [sflag:s16], $0x4000  }
0x6c: {  	[sflag:s16] =	ssyncset.done $0x0  }
0x6d: {  	[sflag:s16] =	ssyncadd.s32 $0xFFFFC000  }
0x6e: {  	p1 =	slt.u32 @!p0 s25, $0x3;
	_ =	swait.ge [sflag:s21], $0x4000  }
0x6f: {  	p1 =	por p0, !p1;
	[sflag:s21] =	ssyncset.done $0x0  }
.Ltmp2:
0x70: {  	[sflag:s21] =	ssyncadd.s32 $0xFFFFC000;
	(pc) =	sbr.rel @!p1 .LBB2_4-.Ltmp2, $4  }
0x71: {  	[spmem:s3] =	stream.indirect.scatter.add.f32 [tilespmem:s19], [sflag:$0x3], $0x80, s23, s18, $0xb8;
	[tilespmem:$0x1E000] =	vst v63  }
0x72: {  	_ =	swait.ge [sflag:s16], $0x4000  }
0x73: {  	[sflag:s16] =	ssyncset.done $0x0  }
0x74: {  	s25 =	sadd.s32 $0x1, s25;
	[sflag:s16] =	ssyncadd.s32 $0xFFFFC000  }
0x75: {  	s4 =	sadd.s32 $0x1, s4  }
0x76: {  	s24 =	sshll.u32 s1, $0x6;
	[bflag:$0x0] =	sbarrier.arrive $0xFFFF;
	p1 =	sne.s32 s4, s10  }
.Ltmp3:
0x77: {  	s25 =	sshrl.u32 s8, $0x3;
	s24 =	sor.u32 $0x1C03, s24;
	(pc) =	sbr.rel @p1 .LBB2_1-.Ltmp3, $4  }
0x78: {  	[hbm:s9], [sflag:s24] =	dma.local [spmem:s25], $0x2800  }
0x79: {  	_ =	swait.ge [sflag:s16], $0x2800  }
0x7a: {  	[sflag:s16] =	ssyncset.done $0x0  }
0x7b: {  	[sflag:s16] =	ssyncadd.s32 $0xFFFFD800  }
0x7c: {  	_ =	sfence.sel $0x180000  }
0x7d: {  	[bflag:$0x0] =	sbarrier.arrive $0xFFFF  }
0x7e: {  	p0 =	sne.s32 s1, $0x0;
	_ =	strace $0x9000004A  }
0x7f: {  	s0 =	sadd.s32 @!p0 $0x100000, s0;
	[bflag:$0x2] =	sbarrier.arrive $0xFFFF  }
0x80: {  	[sflag:s0] =	ssyncadd.tile.s32 @!p0 $0x1;
	_ =	shalt  }
.Lfunc_end2:
_tile_overlayer_lowered:
.L_overlay_start_2:
0x81: {  	(tag) =	ssettag $0x2  }
0x82: {  	s0 =	rddreg [dreg:$0x0];
	s2 =	stileid.u32  }
0x83: {  	s1 =	rddreg [dreg:$0x1];
	p0 =	sne.s32 s2, $0x0  }
0x84: {  	s3 =	rddreg [dreg:$0x2];
	[bflag:$0x3] =	sbarrier.arrive $0xFFFF;
	s2 =	simm.s32 @!p0 $0x1C03  }
0x85: {  	[timem:s3], [sflag:s2] =	dma.local @!p0 [hbm:s0], s1  }
0x86: {  	s0 =	simm.s32 @!p0 $0x3  }
0x87: {  	_ =	swait.ge @!p0 [sflag:s0], s1  }
0x88: {  	s1 =	ssub.s32 @!p0 $0x0, s1;
	[sflag:s0] =	ssyncset.done @!p0 $0x0  }
0x89: {  	[sflag:s0] =	ssyncadd.s32 @!p0 s1  }
0x8a: {  	[bflag:$0x3] =	sbarrier.arrive $0xFFFF  }
0x8b: {  	_ =	shalt  }

// kernel: kernel.14.cloned.1.call-start
scs
__scs_entry_jumppad:
0x0: {  	(pc) =	sbr.rel $0x88, $3  }
0x1: {  	(tag) =	ssettag $0x0;
	lr =	simm.s32 $0x1  }
0x2: {  	[smem:$0x3F97] =	sst lr;
	_ =	strace $0xD0000000  }
0x3: {  	_ = 	snop  }
0x4: {  	_ = 	snop  }
0x5: {  	_ = 	snop  }
0x6: {  	_ = 	snop  }
0x7: {  	_ = 	snop  }
__scs_overlays_trampoline_lowered:
0x8: {  	[smem:$0x3FA6] =	sst s0  }
0x9: {  	[smem:$0x3FA7] =	sst s1  }
0xa: {  	[smem:$0x3FA8] =	sst s2  }
0xb: {  	[smem:$0x3FA9] =	sst s3  }
0xc: {  	[smem:$0x3FAA] =	sst s4  }
0xd: {  	[smem:$0x3FAB] =	sst s5  }
0xe: {  	[smem:$0x3FAC] =	sst s6  }
0xf: {  	[smem:$0x3FAD] =	sst s7  }
0x10: {  	[smem:$0x3FAE] =	sst s8  }
0x11: {  	[smem:$0x3FAF] =	sst s9;
	s0 =	simm.s32 @!p0 $0x0  }
0x12: {  	s1 =	sld [smem:$0x3F95];
	s0 =	simm.s32 @p0 $0x1  }
0x13: {  	[smem:$0x3FB0] =	sst s0;
	s0 =	simm.s32 @!p1 $0x0  }
0x14: {  	s2 =	sld [smem:$0x3F94];
	s0 =	simm.s32 @p1 $0x1  }
0x15: {  	[smem:$0x3FB1] =	sst s0;
	s0 =	simm.s32 @!p2 $0x0  }
0x16: {  	s3 =	sld [smem:$0x3FDB];
	s0 =	simm.s32 @p2 $0x1  }
0x17: {  	s4 =	simm.s32 $0x1BF5;
	[smem:$0x3FB3] =	sst s0  }
0x18: {  	s0 =	sld [smem:$0x3F96];
	_ =	swait.ge [sflag:s4], $0x0  }
0x19: {  	s7 =	sld [smem:$0x3F97]  }
0x1a: {  	s8 =	sadd.s32 $0xFFFFE003, lr  }
0x1b: {  	s9 =	sadd.s32 $0xFFFFFEF7, lr;
	s5 =	simm.s32 $0xFFFFFFFF;
	p2 =	slt.u32 s8, $0xFFFFF086  }
0x1c: {  	p1 =	slt.u32 s9, $0xF7A;
	s5 =	simm.s32 @!p2 $0x0  }
0x1d: {  	s5 =	simm.s32 @p1 $0x1;
	p0 =	seq.s32 s7, s2  }
0x1e: {  	s7 =	smul.u32 @!p0 $0xF7A, s2;
	p2 =	seq.s32 @!p0 s5, $0x0  }
0x1f: {  	s9 =	smul.u32 $0xF7A, s1;
	s8 =	simm.s32 @!p0 $0x1BF5;
	p2 =	por !p2, p0  }
0x20: {  	[sflag:s8] =	ssyncset.s32 @!p0 $0xFFFFF086;
	s6 =	sadd.s32 @!p0 s3, s7;
	s7 =	simm.s32 @!p0 $0x108  }
0x21: {  	s3 =	sadd.s32 s3, s9;
	s6 =	sadd.s32 @!p0 $0x88, s6;
	s7 =	simm.s32 @p2 $0x1082  }
0x22: {  	[simem:s7], [sflag:s8] =	dma.local @!p0 [hbm:s6], $0xF7A  }
0x23: {  	s9 =	sor.u32 $0xD0000000, s2;
	s6 =	simm.s32 $0x108;
	_ =	swait.ge @!p0 [sflag:s8], $0x0  }
0x24: {  	s3 =	sadd.s32 $0x88, s3;
	s6 =	simm.s32 @!p1 $0x1082;
	[sflag:s4] =	ssyncset.s32 $0xFFFFF086  }
0x25: {  	[simem:s6], [sflag:s4] =	dma.local [hbm:s3], $0xF7A  }
0x26: {  	[smem:$0x3F97] =	sst s1;
	(tag) =	ssettag s2;
	_ =	strace s9  }
0x27: {  	s1 =	sld [smem:$0x3FA7]  }
0x28: {  	s2 =	sld [smem:$0x3FA8]  }
0x29: {  	s4 =	sld [smem:$0x3FAA]  }
0x2a: {  	p0 =	seq.s32 s5, $0x0;
	s5 =	sld [smem:$0x3FAB]  }
0x2b: {  	s6 =	sld [smem:$0x3FAC]  }
0x2c: {  	s7 =	sld [smem:$0x3FAD]  }
0x2d: {  	s3 =	simm.s32 $0x108;
	s8 =	sld [smem:$0x3FAE]  }
0x2e: {  	s3 =	simm.s32 @!p0 $0x1082;
	s9 =	sld [smem:$0x3FAF]  }
0x2f: {  	lr =	sadd.s32 s0, s3;
	s0 =	sld [smem:$0x3FA6]  }
0x30: {  	s3 =	sld [smem:$0x3FA9]  }
0x31: {  	[smem:$0x3FB2] =	sst s10  }
0x32: {  	s10 =	sld [smem:$0x3FB0];
	_ =	sdelay $0x3  }
0x33: {  	p0 =	seq.s32 s10, $0x1;
	s10 =	sld [smem:$0x3FB2];
	_ =	sdelay $0x3  }
0x34: {  	[smem:$0x3FB2] =	sst s10  }
0x35: {  	s10 =	sld [smem:$0x3FB1];
	_ =	sdelay $0x3  }
0x36: {  	p1 =	seq.s32 s10, $0x1;
	s10 =	sld [smem:$0x3FB2];
	_ =	sdelay $0x3  }
0x37: {  	[smem:$0x3FB2] =	sst s10  }
0x38: {  	s10 =	sld [smem:$0x3FB3]  }
0x39: {  	_ = 	snop;
	(pc) =	sbr.ind lr, $3  }
0x3a: {  	_ = 	snop  }
0x3b: {  	_ = 	snop  }
0x3c: {  	p2 =	seq.s32 s10, $0x1;
	s10 =	sld [smem:$0x3FB2]  }
0x3d: {  	_ =	shalt  }
0x3e: {  	_ =	shalt  }
0x3f: {  	_ =	shalt  }
0x40: {  	_ =	shalt  }
0x41: {  	_ =	shalt  }
0x42: {  	_ =	shalt  }
0x43: {  	_ =	shalt  }
0x44: {  	_ =	shalt  }
0x45: {  	_ =	shalt  }
0x46: {  	_ =	shalt  }
0x47: {  	_ =	shalt  }
0x48: {  	_ =	shalt  }
0x49: {  	_ =	shalt  }
0x4a: {  	_ =	shalt  }
0x4b: {  	_ =	shalt  }
0x4c: {  	_ =	shalt  }
0x4d: {  	_ =	shalt  }
0x4e: {  	_ =	shalt  }
0x4f: {  	_ =	shalt  }
0x50: {  	_ =	shalt  }
0x51: {  	_ =	shalt  }
0x52: {  	_ =	shalt  }
0x53: {  	_ =	shalt  }
0x54: {  	_ =	shalt  }
0x55: {  	_ =	shalt  }
0x56: {  	_ =	shalt  }
0x57: {  	_ =	shalt  }
0x58: {  	_ =	shalt  }
0x59: {  	_ =	shalt  }
0x5a: {  	_ =	shalt  }
0x5b: {  	_ =	shalt  }
0x5c: {  	_ =	shalt  }
0x5d: {  	_ =	shalt  }
0x5e: {  	_ =	shalt  }
0x5f: {  	_ =	shalt  }
0x60: {  	_ =	shalt  }
0x61: {  	_ =	shalt  }
0x62: {  	_ =	shalt  }
0x63: {  	_ =	shalt  }
0x64: {  	_ =	shalt  }
0x65: {  	_ =	shalt  }
0x66: {  	_ =	shalt  }
0x67: {  	_ =	shalt  }
0x68: {  	_ =	shalt  }
0x69: {  	_ =	shalt  }
0x6a: {  	_ =	shalt  }
0x6b: {  	_ =	shalt  }
0x6c: {  	_ =	shalt  }
0x6d: {  	_ =	shalt  }
0x6e: {  	_ =	shalt  }
0x6f: {  	_ =	shalt  }
0x70: {  	_ =	shalt  }
0x71: {  	_ =	shalt  }
0x72: {  	_ =	shalt  }
0x73: {  	_ =	shalt  }
0x74: {  	_ =	shalt  }
0x75: {  	_ =	shalt  }
0x76: {  	_ =	shalt  }
0x77: {  	_ =	shalt  }
0x78: {  	_ =	shalt  }
0x79: {  	_ =	shalt  }
0x7a: {  	_ =	shalt  }
0x7b: {  	_ =	shalt  }
0x7c: {  	_ =	shalt  }
0x7d: {  	_ =	shalt  }
0x7e: {  	_ =	shalt  }
0x7f: {  	_ =	shalt  }
0x80: {  	_ =	shalt  }
0x81: {  	_ =	shalt  }
0x82: {  	_ =	shalt  }
0x83: {  	_ =	shalt  }
0x84: {  	_ =	shalt  }
0x85: {  	_ =	shalt  }
0x86: {  	_ =	shalt  }
0x87: {  	_ =	shalt  }
.Lfunc_end0:
.L_simem_size_0:
called_computation.2_lowered:
.L_overlay_start_0:
0x88: {  	s2 =	sld [smem:$0x3FD9]  }
0x89: {  	s3 =	sld [smem:$0x3FFE];
	_ =	sdelay $0x1  }
0x8a: {  	s1 =	srdreg.scid  }
0x8b: {  	s0 =	sand.u32 $0x1, s1  }
0x8c: {  	s17 =	sshll.u32 s0, $0xA;
	s2 =	sadd.s32 s3, s2  }
0x8d: {  	s2 =	sadd.s32 s2, s17  }
0x8e: {  	[smem:$0x3FBE] =	sst s2  }
0x8f: {  	_ = 	snop  }
0x90: {  	s2 =	sld [smem:$0x3FD0];
	(tm) =	ssettm $0x1  }
0x91: {  	s18 =	sld [smem:$0x3FFB];
	_ =	sdelay $0x3  }
0x92: {  	_ =	strace s18  }
0x93: {  	s3 =	sld [smem:$0x3FFC];
	_ =	sdelay $0x3  }
0x94: {  	_ =	strace s3  }
0x95: {  	s3 =	sld [smem:$0x3FFD];
	_ =	sdelay $0x3  }
0x96: {  	_ =	strace s3  }
0x97: {  	_ =	strace $0x8FFFFFFF  }
0x98: {  	s19 =	sld [smem:$0x3FDB];
	_ =	sdelay $0x1  }
0x99: {  	s4 =	simm.s32 $_scs_section_size  }
0x9a: {  	s5 =	simm.s32 $_size__tile_overlayer_lowered;
	s6 =	simm.s32 $_tile_overlayer_lowered  }
0x9b: {  	s22 =	simm.s32 $0x1BFF;
	s21 =	sshll.u32 s6, $0x1;
	s3 =	sadd.s32 s4, s19  }
0x9c: {  	s7 =	simm.s32 $0x0;
	s20 =	sshll.u32 s5, $0x1;
	s5 =	sadd.s32 s21, s3  }
0x9d: {  	[timem:s7], [sflag:s22] =	dma.local [hbm:s5], s20  }
0x9e: {  	_ =	swait.ge [sflag:s22], s20  }
0x9f: {  	s4 =	ssub.s32 $0x0, s20;
	[sflag:s22] =	ssyncset.done $0x0  }
0xa0: {  	[sflag:s22] =	ssyncadd.s32 s4;
	_ =	sdelay $0x1  }
0xa1: {  	s23 =	simm.s32 $0x1B8B  }
0xa2: {  	_ =	swait.ge [sflag:s23], $0x1  }
0xa3: {  	[sflag:s23] =	ssyncset.done $0x0  }
0xa4: {  	s25 =	simm.s32 $0x1B8E;
	s24 =	sld [smem:$0x3FFE];
	[sflag:s23] =	ssyncadd.s32 $0xFFFFFFFF  }
0xa5: {  	s26 =	simm.s32 $execute0_lowered;
	[smem:$0x3FD2] =	sst s25  }
0xa6: {  	s5 =	sshll.u32 s26, $0x1;
	_ =	strace $0x8000004C;
	[dreg:$0x1] =	wrdreg $0xFFFFFFFF  }
0xa7: {  	s28 =	simm.s32 $_size_execute0_lowered;
	s3 =	sadd.s32 s3, s5;
	[dreg:$0x0] =	wrdreg $0x0  }
0xa8: {  	s5 =	sshll.u32 s28, $0x1;
	[dreg:$0x2] =	wrdreg s3  }
0xa9: {  	[dreg:$0x3] =	wrdreg s5  }
0xaa: {  	[dreg:$0x4] =	wrdreg $0xC0  }
0xab: {  	_ =	task [dreg:s7], $0x5FFFF  }
0xac: {  	[dreg:$0x1] =	wrdreg $0xFFFFFFFF  }
0xad: {  	[dreg:$0x0] =	wrdreg $0x60  }
0xae: {  	[dreg:$0x2] =	wrdreg s24  }
0xaf: {  	[dreg:$0x3] =	wrdreg s2  }
0xb0: {  	[dreg:$0x4] =	wrdreg $0xA0000  }
0xb1: {  	[dreg:$0x5] =	wrdreg $0x9  }
0xb2: {  	_ =	task.clear_ibuf [dreg:s7], $0x6FFFF;
	_ =	strace $0x9000004C  }
0xb3: {  	s29 =	simm.s32 $0x9;
	_ =	strace $0x8000004E  }
0xb4: {  	_ =	swait.ge [sflag:s29], $0x1  }
0xb5: {  	[sflag:s29] =	ssyncadd.s32 $0xFFFFFFFF  }
0xb6: {  	_ =	strace $0x9000004E  }
0xb7: {  	_ =	sfence  }
0xb8: {  	s30 =	sld [smem:$0x0];
	_ =	sdelay $0x2  }
0xb9: {  	s31 =	sshll.u32 s1, $0xD;
	s1 =	sshrl.u32 s1, $0x2  }
0xba: {  	s3 =	sand.u32 $0x4000, s31;
	s1 =	sadd.s32 s1, s30  }
0xbb: {  	s0 =	sor.u32 s3, s0;
	s1 =	sshll.u32 s1, $0x11  }
0xbc: {  	s0 =	sor.u32 s1, s0  }
0xbd: {  	s0 =	sadd.s32 $0x8F2B, s0  }
0xbe: {  	[sflag:s0] =	ssyncadd.remote.s32 $0x1  }
0xbf: {  	_ =	sfence.sel $0xFFFF  }
0xc0: {  	[dreg:$0x0] =	wrdreg $0xFFFFFFFF;
	(pc) =	sbr.abs _section_cstart, $3  }
0xc1: {  	[dreg:$0x1] =	wrdreg $0xFFFFFFFF  }
0xc2: {  	_ =	task.clear_ibuf [dreg:s7], $0x2FFFF;
	_ =	strace $0x9FFFFFFF  }
0xc3: {  	(tm) =	ssettm $0x7FFFFFFF  }
tec
execute0_lowered:
.L_overlay_start_1:
0x0: {  	(tag) =	ssettag $0x1  }
0x1: {  	s7 =	rddreg [dreg:$0x0]  }
0x2: {  	s2 =	rddreg [dreg:$0x1];
	s0 =	srdreg.scid  }
0x3: {  	s3 =	rddreg [dreg:$0x2];
	s1 =	stileid.u32  }
0x4: {  	s4 =	simm.s32 $0x0;
	s15 =	simm.s32 $0x2000;
	s16 =	simm.s32 $0x3  }
0x5: {  	s17 =	simm.s32 $0x1000;
	s18 =	simm.s32 $0x80;
	s19 =	simm.s32 $0x6000  }
0x6: {  	s20 =	simm.s32 $0x1;
	s21 =	simm.s32 $0x2;
	s23 =	simm.s32 $0x1F80  }
0x7: {  	s22 =	sand.u32 $0x1, s0;
	s0 =	rddreg [dreg:$0x3];
	s8 =	smul.u32 $0x14000, s1  }
0x8: {  	[smem:$0x7FF] =	sst s4;
	s5 =	sadd.s32 $0x3200, s7;
	s6 =	smul.u32 $0x140000, s22  }
0x9: {  	s30 =	smul.u32 $0x50000, s1;
	s31 =	sshll.u32 s1, $0xC;
	s9 =	ssub.s32 $0x2, s22  }
0xa: {  	p0 =	seq.s32 s22, $0x0;
	s29 =	sshrl.u32 s9, $0x1;
	s8 =	sadd.s32 s8, s6  }
0xb: {  	s6 =	sadd.s32 $0xD200, s7;
	s11 =	ssub.s32 s9, s29;
	s8 =	sshrl.u32 s8, $0x3  }
0xc: {  	s9 =	sshll.u32 s1, $0xE;
	s10 =	sadd.s32 s8, s7;
	s7 =	sor.u32 $0x40000, s31  }
0xd: {  	_ =	strace $0x8000004D;
	s8 =	sshrl.u32 s30, $0x2;
	s7 =	smov.u32 @p0 s9  }
0xe: {  	s8 =	sadd.s32 s8, s3;
	s9 =	sadd.s32 $0x82800, s10;
	s10 =	smax.u32 s11, $0x1  }
0xf: {  	p0 =	sne.s32 s22, $0x0;
	s22 =	simm.s32 $0x1F00;
	s11 =	sadd.s32 $0x4000, s8  }
0x10: {  	v0 =	vimm.f32 $0.0e+00;
	s12 =	sadd.s32 $0x8000, s8;
	s13 =	sadd.s32 $0xC000, s8;
	s14 =	sadd.s32 $0x10000, s8  }
.LBB2_1:
0x11: {  	s24 =	simm.s32 $0x0;
	s25 =	simm.s32 $0x200  }
.LBB2_2:
0x12: {  	p1 =	sne.s32 s25, $0xFE00;
	[tilespmem:s24+$0x2070] =	vst v0  }
0x13: {  	[tilespmem:s24+$0x2000] =	vst v0  }
0x14: {  	[tilespmem:s24+$0x2010] =	vst v0  }
.Ltmp0:
0x15: {  	[tilespmem:s24+$0x2020] =	vst v0;
	(pc) =	sbr.rel @p1 .LBB2_2-.Ltmp0, $4  }
0x16: {  	[tilespmem:s24+$0x2030] =	vst v0  }
0x17: {  	[tilespmem:s24+$0x2040] =	vst v0  }
0x18: {  	[tilespmem:s24+$0x2050] =	vst v0  }
0x19: {  	[tilespmem:s24+$0x2060] =	vst v0;
	s24 =	sshra.s32 s25, $0x2;
	s25 =	sadd.s32 $0x200, s25  }
0x1a: {  	[tilespmem:s24+$0x2070] =	vst v0  }
0x1b: {  	[tilespmem:s24+$0x2000] =	vst v0  }
0x1c: {  	[tilespmem:s24+$0x2010] =	vst v0  }
0x1d: {  	[tilespmem:s24+$0x2020] =	vst v0  }
0x1e: {  	[tilespmem:s24+$0x2030] =	vst v0  }
0x1f: {  	[tilespmem:s24+$0x2040] =	vst v0  }
0x20: {  	[tilespmem:s24+$0x2050] =	vst v0  }
0x21: {  	[tilespmem:s24+$0x2060] =	vst v0  }
0x22: {  	[spmem:s8] =	stream.linear.scatter [tilespmem:s15], [sflag:$0x3], $0x4000, $0x38;
	[tilespmem:$0x1E000] =	vst v63  }
0x23: {  	_ =	swait.ge [sflag:s16], $0x4000  }
0x24: {  	[sflag:s16] =	ssyncset.done $0x0  }
0x25: {  	[sflag:s16] =	ssyncadd.s32 $0xFFFFC000  }
0x26: {  	[spmem:s11] =	stream.linear.scatter [tilespmem:s15], [sflag:$0x3], $0x4000, $0x38;
	[tilespmem:$0x1E000] =	vst v63  }
0x27: {  	_ =	swait.ge [sflag:s16], $0x4000  }
0x28: {  	[sflag:s16] =	ssyncset.done $0x0  }
0x29: {  	[sflag:s16] =	ssyncadd.s32 $0xFFFFC000  }
0x2a: {  	[spmem:s12] =	stream.linear.scatter [tilespmem:s15], [sflag:$0x3], $0x4000, $0x38;
	[tilespmem:$0x1E000] =	vst v63  }
0x2b: {  	_ =	swait.ge [sflag:s16], $0x4000  }
0x2c: {  	[sflag:s16] =	ssyncset.done $0x0  }
0x2d: {  	[sflag:s16] =	ssyncadd.s32 $0xFFFFC000  }
0x2e: {  	[spmem:s13] =	stream.linear.scatter [tilespmem:s15], [sflag:$0x3], $0x4000, $0x38;
	[tilespmem:$0x1E000] =	vst v63  }
0x2f: {  	_ =	swait.ge [sflag:s16], $0x4000  }
0x30: {  	[sflag:s16] =	ssyncset.done $0x0  }
0x31: {  	[sflag:s16] =	ssyncadd.s32 $0xFFFFC000  }
0x32: {  	[spmem:s14] =	stream.linear.scatter [tilespmem:s15], [sflag:$0x3], $0x4000, $0x38;
	[tilespmem:$0x1E000] =	vst v63  }
0x33: {  	_ =	swait.ge [sflag:s16], $0x4000  }
0x34: {  	[sflag:s16] =	ssyncset.done $0x0  }
0x35: {  	[sflag:s16] =	ssyncadd.s32 $0xFFFFC000  }
0x36: {  	s24 =	simm.s32 $0x0;
	s25 =	simm.s32 $0x0;
	[bflag:$0x0] =	sbarrier.arrive $0xFFFF  }
.LBB2_4:
0x37: {  	s26 =	sshll.u32 s25, $0xC  }
0x38: {  	s26 =	sadd.s32 s7, s26  }
0x39: {  	s26 =	sshrl.u32 s26, $0x3  }
0x3a: {  	s28 =	sadd.s32 s5, s26  }
0x3b: {  	[tilespmem:s24], [sflag:$0x3] =	stream.linear.gather [hbm4b:s28+s24], $0x1000, $0x38;
	[tilespmem:$0x1E000] =	vst v63  }
0x3c: {  	_ =	swait.ge [sflag:s16], $0x1000  }
0x3d: {  	[sflag:s16] =	ssyncset.done $0x0  }
0x3e: {  	s26 =	sadd.s32 s2, s26;
	[sflag:s16] =	ssyncadd.s32 $0xFFFFF000  }
0x3f: {  	[tilespmem:s17], [sflag:$0x3] =	stream.linear.gather [hbm4b:s26+s24], $0x1000, $0x38;
	[tilespmem:$0x1E000] =	vst v63  }
0x40: {  	_ =	swait.ge [sflag:s16], $0x1000  }
0x41: {  	[sflag:s16] =	ssyncset.done $0x0  }
0x42: {  	[sflag:s16] =	ssyncadd.s32 $0xFFFFF000  }
0x43: {  	[tilespmem:s15], [sflag:$0x1] =	stream.indirect.gather [hbm4b:s6+s18], $0x80, s24, s18, $0xb8;
	[tilespmem:$0x1E000] =	vst v63  }
0x44: {  	_ = 	snop  }
0x45: {  	[tilespmem:s19], [sflag:$0x2] =	stream.indirect.gather [hbm4b:s6+s18], $0x80, s18, s18, $0xb8;
	[tilespmem:$0x1E000] =	vst v63  }
0x46: {  	_ =	swait.ge [sflag:s20], $0x4000  }
0x47: {  	[sflag:s20] =	ssyncset.done $0x0  }
0x48: {  	s29 =	simm.s32 $0x1000;
	[sflag:s20] =	ssyncadd.s32 $0xFFFFC000  }
0x49: {  	[spmem:s3] =	stream.indirect.scatter.add.f32 [tilespmem:s15], [sflag:$0x3], $0x80, s29, s18, $0xb8;
	[tilespmem:$0x1E000] =	vst v63  }
0x4a: {  	_ =	swait.ge [sflag:s16], $0x4000  }
0x4b: {  	[sflag:s16] =	ssyncset.done $0x0  }
0x4c: {  	s30 =	simm.s32 $0x100;
	[sflag:s16] =	ssyncadd.s32 $0xFFFFC000  }
0x4d: {  	[tilespmem:s15], [sflag:$0x1] =	stream.indirect.gather [hbm4b:s6+s18], $0x80, s30, s18, $0xb8;
	[tilespmem:$0x1E000] =	vst v63  }
0x4e: {  	_ =	swait.ge [sflag:s21], $0x4000  }
0x4f: {  	[sflag:s21] =	ssyncset.done $0x0  }
0x50: {  	s31 =	simm.s32 $0x1080;
	[sflag:s21] =	ssyncadd.s32 $0xFFFFC000  }
0x51: {  	[spmem:s3] =	stream.indirect.scatter.add.f32 [tilespmem:s19], [sflag:$0x3], $0x80, s31, s18, $0xb8;
	[tilespmem:$0x1E000] =	vst v63  }
0x52: {  	_ =	swait.ge [sflag:s16], $0x4000  }
0x53: {  	[sflag:s16] =	ssyncset.done $0x0  }
0x54: {  	s28 =	simm.s32 $0x180;
	s26 =	simm.s32 $0x400;
	[sflag:s16] =	ssyncadd.s32 $0xFFFFC000  }
.LBB2_5:
0x55: {  	[tilespmem:s19], [sflag:$0x2] =	stream.indirect.gather [hbm4b:s6+s18], $0x80, s28, s18, $0xb8;
	[tilespmem:$0x1E000] =	vst v63  }
0x56: {  	s28 =	smov.u32 s26  }
0x57: {  	p1 =	sne.s32 s26, $0x3800;
	s26 =	sadd.s32 $0x400, s26;
	_ =	swait.ge [sflag:s20], $0x4000  }
0x58: {  	s28 =	sshra.s32 s28, $0x2;
	[sflag:s20] =	ssyncset.done $0x0  }
0x59: {  	s29 =	sadd.s32 $0x1000, s28;
	[sflag:s20] =	ssyncadd.s32 $0xFFFFC000  }
0x5a: {  	[spmem:s3] =	stream.indirect.scatter.add.f32 [tilespmem:s15], [sflag:$0x3], $0x80, s29, s18, $0xb8;
	[tilespmem:$0x1E000] =	vst v63  }
0x5b: {  	_ =	swait.ge [sflag:s16], $0x4000  }
0x5c: {  	[sflag:s16] =	ssyncset.done $0x0  }
0x5d: {  	s29 =	sadd.s32 $0x100, s28;
	[sflag:s16] =	ssyncadd.s32 $0xFFFFC000  }
0x5e: {  	[tilespmem:s15], [sflag:$0x1] =	stream.indirect.gather [hbm4b:s6+s18], $0x80, s29, s18, $0xb8;
	[tilespmem:$0x1E000] =	vst v63  }
0x5f: {  	_ =	swait.ge [sflag:s21], $0x4000  }
0x60: {  	[sflag:s21] =	ssyncset.done $0x0  }
.Ltmp1:
0x61: {  	s29 =	sadd.s32 $0x1080, s28;
	[sflag:s21] =	ssyncadd.s32 $0xFFFFC000;
	(pc) =	sbr.rel @p1 .LBB2_5-.Ltmp1, $4  }
0x62: {  	[spmem:s3] =	stream.indirect.scatter.add.f32 [tilespmem:s19], [sflag:$0x3], $0x80, s29, s18, $0xb8;
	[tilespmem:$0x1E000] =	vst v63  }
0x63: {  	_ =	swait.ge [sflag:s16], $0x4000  }
0x64: {  	[sflag:s16] =	ssyncset.done $0x0  }
0x65: {  	s28 =	sadd.s32 $0x180, s28;
	[sflag:s16] =	ssyncadd.s32 $0xFFFFC000  }
0x66: {  	[tilespmem:s19], [sflag:$0x2] =	stream.indirect.gather [hbm4b:s6+s18], $0x80, s28, s18, $0xb8;
	[tilespmem:$0x1E000] =	vst v63  }
0x67: {  	_ =	swait.ge [sflag:s20], $0x4000  }
0x68: {  	[sflag:s20] =	ssyncset.done $0x0  }
0x69: {  	[sflag:s20] =	ssyncadd.s32 $0xFFFFC000  }
0x6a: {  	[spmem:s3] =	stream.indirect.scatter.add.f32 [tilespmem:s15], [sflag:$0x3], $0x80, s22, s18, $0xb8;
	[tilespmem:$0x1E000] =	vst v63  }
0x6b: {  	_ =	swait.ge [sflag:s16], $0x4000  }
0x6c: {  	[sflag:s16] =	ssyncset.done $0x0  }
0x6d: {  	[sflag:s16] =	ssyncadd.s32 $0xFFFFC000  }
0x6e: {  	p1 =	slt.u32 @!p0 s25, $0x3;
	_ =	swait.ge [sflag:s21], $0x4000  }
0x6f: {  	p1 =	por p0, !p1;
	[sflag:s21] =	ssyncset.done $0x0  }
.Ltmp2:
0x70: {  	[sflag:s21] =	ssyncadd.s32 $0xFFFFC000;
	(pc) =	sbr.rel @!p1 .LBB2_4-.Ltmp2, $4  }
0x71: {  	[spmem:s3] =	stream.indirect.scatter.add.f32 [tilespmem:s19], [sflag:$0x3], $0x80, s23, s18, $0xb8;
	[tilespmem:$0x1E000] =	vst v63  }
0x72: {  	_ =	swait.ge [sflag:s16], $0x4000  }
0x73: {  	[sflag:s16] =	ssyncset.done $0x0  }
0x74: {  	s25 =	sadd.s32 $0x1, s25;
	[sflag:s16] =	ssyncadd.s32 $0xFFFFC000  }
0x75: {  	s4 =	sadd.s32 $0x1, s4  }
0x76: {  	s24 =	sshll.u32 s1, $0x6;
	[bflag:$0x0] =	sbarrier.arrive $0xFFFF;
	p1 =	sne.s32 s4, s10  }
.Ltmp3:
0x77: {  	s25 =	sshrl.u32 s8, $0x3;
	s24 =	sor.u32 $0x1C03, s24;
	(pc) =	sbr.rel @p1 .LBB2_1-.Ltmp3, $4  }
0x78: {  	[hbm:s9], [sflag:s24] =	dma.local [spmem:s25], $0x2800  }
0x79: {  	_ =	swait.ge [sflag:s16], $0x2800  }
0x7a: {  	[sflag:s16] =	ssyncset.done $0x0  }
0x7b: {  	[sflag:s16] =	ssyncadd.s32 $0xFFFFD800  }
0x7c: {  	_ =	sfence.sel $0x180000  }
0x7d: {  	[bflag:$0x0] =	sbarrier.arrive $0xFFFF  }
0x7e: {  	p0 =	sne.s32 s1, $0x0;
	_ =	strace $0x9000004D  }
0x7f: {  	s0 =	sadd.s32 @!p0 $0x100000, s0;
	[bflag:$0x2] =	sbarrier.arrive $0xFFFF  }
0x80: {  	[sflag:s0] =	ssyncadd.tile.s32 @!p0 $0x1;
	_ =	shalt  }
.Lfunc_end2:
_tile_overlayer_lowered:
.L_overlay_start_2:
0x81: {  	(tag) =	ssettag $0x2  }
0x82: {  	s0 =	rddreg [dreg:$0x0];
	s2 =	stileid.u32  }
0x83: {  	s1 =	rddreg [dreg:$0x1];
	p0 =	sne.s32 s2, $0x0  }
0x84: {  	s3 =	rddreg [dreg:$0x2];
	[bflag:$0x3] =	sbarrier.arrive $0xFFFF;
	s2 =	simm.s32 @!p0 $0x1C03  }
0x85: {  	[timem:s3], [sflag:s2] =	dma.local @!p0 [hbm:s0], s1  }
0x86: {  	s0 =	simm.s32 @!p0 $0x3  }
0x87: {  	_ =	swait.ge @!p0 [sflag:s0], s1  }
0x88: {  	s1 =	ssub.s32 @!p0 $0x0, s1;
	[sflag:s0] =	ssyncset.done @!p0 $0x0  }
0x89: {  	[sflag:s0] =	ssyncadd.s32 @!p0 s1  }
0x8a: {  	[bflag:$0x3] =	sbarrier.arrive $0xFFFF  }
0x8b: {  	_ =	shalt  }

// kernel: kernel.8.cloned.1.call-start
scs
__scs_entry_jumppad:
0x0: {  	(pc) =	sbr.rel $0x88, $3  }
0x1: {  	(tag) =	ssettag $0x0;
	lr =	simm.s32 $0x1  }
0x2: {  	[smem:$0x3F97] =	sst lr;
	_ =	strace $0xD0000000  }
0x3: {  	_ = 	snop  }
0x4: {  	_ = 	snop  }
0x5: {  	_ = 	snop  }
0x6: {  	_ = 	snop  }
0x7: {  	_ = 	snop  }
__scs_overlays_trampoline_lowered:
0x8: {  	[smem:$0x3FA6] =	sst s0  }
0x9: {  	[smem:$0x3FA7] =	sst s1  }
0xa: {  	[smem:$0x3FA8] =	sst s2  }
0xb: {  	[smem:$0x3FA9] =	sst s3  }
0xc: {  	[smem:$0x3FAA] =	sst s4  }
0xd: {  	[smem:$0x3FAB] =	sst s5  }
0xe: {  	[smem:$0x3FAC] =	sst s6  }
0xf: {  	[smem:$0x3FAD] =	sst s7  }
0x10: {  	[smem:$0x3FAE] =	sst s8  }
0x11: {  	[smem:$0x3FAF] =	sst s9;
	s0 =	simm.s32 @!p0 $0x0  }
0x12: {  	s1 =	sld [smem:$0x3F95];
	s0 =	simm.s32 @p0 $0x1  }
0x13: {  	[smem:$0x3FB0] =	sst s0;
	s0 =	simm.s32 @!p1 $0x0  }
0x14: {  	s2 =	sld [smem:$0x3F94];
	s0 =	simm.s32 @p1 $0x1  }
0x15: {  	[smem:$0x3FB1] =	sst s0;
	s0 =	simm.s32 @!p2 $0x0  }
0x16: {  	s3 =	sld [smem:$0x3FDB];
	s0 =	simm.s32 @p2 $0x1  }
0x17: {  	s4 =	simm.s32 $0x1BF5;
	[smem:$0x3FB3] =	sst s0  }
0x18: {  	s0 =	sld [smem:$0x3F96];
	_ =	swait.ge [sflag:s4], $0x0  }
0x19: {  	s7 =	sld [smem:$0x3F97]  }
0x1a: {  	s8 =	sadd.s32 $0xFFFFE003, lr  }
0x1b: {  	s9 =	sadd.s32 $0xFFFFFEF7, lr;
	s5 =	simm.s32 $0xFFFFFFFF;
	p2 =	slt.u32 s8, $0xFFFFF086  }
0x1c: {  	p1 =	slt.u32 s9, $0xF7A;
	s5 =	simm.s32 @!p2 $0x0  }
0x1d: {  	s5 =	simm.s32 @p1 $0x1;
	p0 =	seq.s32 s7, s2  }
0x1e: {  	s7 =	smul.u32 @!p0 $0xF7A, s2;
	p2 =	seq.s32 @!p0 s5, $0x0  }
0x1f: {  	s9 =	smul.u32 $0xF7A, s1;
	s8 =	simm.s32 @!p0 $0x1BF5;
	p2 =	por !p2, p0  }
0x20: {  	[sflag:s8] =	ssyncset.s32 @!p0 $0xFFFFF086;
	s6 =	sadd.s32 @!p0 s3, s7;
	s7 =	simm.s32 @!p0 $0x108  }
0x21: {  	s3 =	sadd.s32 s3, s9;
	s6 =	sadd.s32 @!p0 $0x88, s6;
	s7 =	simm.s32 @p2 $0x1082  }
0x22: {  	[simem:s7], [sflag:s8] =	dma.local @!p0 [hbm:s6], $0xF7A  }
0x23: {  	s9 =	sor.u32 $0xD0000000, s2;
	s6 =	simm.s32 $0x108;
	_ =	swait.ge @!p0 [sflag:s8], $0x0  }
0x24: {  	s3 =	sadd.s32 $0x88, s3;
	s6 =	simm.s32 @!p1 $0x1082;
	[sflag:s4] =	ssyncset.s32 $0xFFFFF086  }
0x25: {  	[simem:s6], [sflag:s4] =	dma.local [hbm:s3], $0xF7A  }
0x26: {  	[smem:$0x3F97] =	sst s1;
	(tag) =	ssettag s2;
	_ =	strace s9  }
0x27: {  	s1 =	sld [smem:$0x3FA7]  }
0x28: {  	s2 =	sld [smem:$0x3FA8]  }
0x29: {  	s4 =	sld [smem:$0x3FAA]  }
0x2a: {  	p0 =	seq.s32 s5, $0x0;
	s5 =	sld [smem:$0x3FAB]  }
0x2b: {  	s6 =	sld [smem:$0x3FAC]  }
0x2c: {  	s7 =	sld [smem:$0x3FAD]  }
0x2d: {  	s3 =	simm.s32 $0x108;
	s8 =	sld [smem:$0x3FAE]  }
0x2e: {  	s3 =	simm.s32 @!p0 $0x1082;
	s9 =	sld [smem:$0x3FAF]  }
0x2f: {  	lr =	sadd.s32 s0, s3;
	s0 =	sld [smem:$0x3FA6]  }
0x30: {  	s3 =	sld [smem:$0x3FA9]  }
0x31: {  	[smem:$0x3FB2] =	sst s10  }
0x32: {  	s10 =	sld [smem:$0x3FB0];
	_ =	sdelay $0x3  }
0x33: {  	p0 =	seq.s32 s10, $0x1;
	s10 =	sld [smem:$0x3FB2];
	_ =	sdelay $0x3  }
0x34: {  	[smem:$0x3FB2] =	sst s10  }
0x35: {  	s10 =	sld [smem:$0x3FB1];
	_ =	sdelay $0x3  }
0x36: {  	p1 =	seq.s32 s10, $0x1;
	s10 =	sld [smem:$0x3FB2];
	_ =	sdelay $0x3  }
0x37: {  	[smem:$0x3FB2] =	sst s10  }
0x38: {  	s10 =	sld [smem:$0x3FB3]  }
0x39: {  	_ = 	snop;
	(pc) =	sbr.ind lr, $3  }
0x3a: {  	_ = 	snop  }
0x3b: {  	_ = 	snop  }
0x3c: {  	p2 =	seq.s32 s10, $0x1;
	s10 =	sld [smem:$0x3FB2]  }
0x3d: {  	_ =	shalt  }
0x3e: {  	_ =	shalt  }
0x3f: {  	_ =	shalt  }
0x40: {  	_ =	shalt  }
0x41: {  	_ =	shalt  }
0x42: {  	_ =	shalt  }
0x43: {  	_ =	shalt  }
0x44: {  	_ =	shalt  }
0x45: {  	_ =	shalt  }
0x46: {  	_ =	shalt  }
0x47: {  	_ =	shalt  }
0x48: {  	_ =	shalt  }
0x49: {  	_ =	shalt  }
0x4a: {  	_ =	shalt  }
0x4b: {  	_ =	shalt  }
0x4c: {  	_ =	shalt  }
0x4d: {  	_ =	shalt  }
0x4e: {  	_ =	shalt  }
0x4f: {  	_ =	shalt  }
0x50: {  	_ =	shalt  }
0x51: {  	_ =	shalt  }
0x52: {  	_ =	shalt  }
0x53: {  	_ =	shalt  }
0x54: {  	_ =	shalt  }
0x55: {  	_ =	shalt  }
0x56: {  	_ =	shalt  }
0x57: {  	_ =	shalt  }
0x58: {  	_ =	shalt  }
0x59: {  	_ =	shalt  }
0x5a: {  	_ =	shalt  }
0x5b: {  	_ =	shalt  }
0x5c: {  	_ =	shalt  }
0x5d: {  	_ =	shalt  }
0x5e: {  	_ =	shalt  }
0x5f: {  	_ =	shalt  }
0x60: {  	_ =	shalt  }
0x61: {  	_ =	shalt  }
0x62: {  	_ =	shalt  }
0x63: {  	_ =	shalt  }
0x64: {  	_ =	shalt  }
0x65: {  	_ =	shalt  }
0x66: {  	_ =	shalt  }
0x67: {  	_ =	shalt  }
0x68: {  	_ =	shalt  }
0x69: {  	_ =	shalt  }
0x6a: {  	_ =	shalt  }
0x6b: {  	_ =	shalt  }
0x6c: {  	_ =	shalt  }
0x6d: {  	_ =	shalt  }
0x6e: {  	_ =	shalt  }
0x6f: {  	_ =	shalt  }
0x70: {  	_ =	shalt  }
0x71: {  	_ =	shalt  }
0x72: {  	_ =	shalt  }
0x73: {  	_ =	shalt  }
0x74: {  	_ =	shalt  }
0x75: {  	_ =	shalt  }
0x76: {  	_ =	shalt  }
0x77: {  	_ =	shalt  }
0x78: {  	_ =	shalt  }
0x79: {  	_ =	shalt  }
0x7a: {  	_ =	shalt  }
0x7b: {  	_ =	shalt  }
0x7c: {  	_ =	shalt  }
0x7d: {  	_ =	shalt  }
0x7e: {  	_ =	shalt  }
0x7f: {  	_ =	shalt  }
0x80: {  	_ =	shalt  }
0x81: {  	_ =	shalt  }
0x82: {  	_ =	shalt  }
0x83: {  	_ =	shalt  }
0x84: {  	_ =	shalt  }
0x85: {  	_ =	shalt  }
0x86: {  	_ =	shalt  }
0x87: {  	_ =	shalt  }
.Lfunc_end0:
.L_simem_size_0:
called_computation_lowered:
.L_overlay_start_0:
0x88: {  	s2 =	sld [smem:$0x3FD9]  }
0x89: {  	s3 =	sld [smem:$0x3FFE];
	_ =	sdelay $0x1  }
0x8a: {  	s1 =	srdreg.scid  }
0x8b: {  	s0 =	sand.u32 $0x1, s1  }
0x8c: {  	s17 =	sshll.u32 s0, $0xA;
	s2 =	sadd.s32 s3, s2  }
0x8d: {  	s2 =	sadd.s32 s2, s17  }
0x8e: {  	[smem:$0x3FBE] =	sst s2  }
0x8f: {  	_ = 	snop  }
0x90: {  	s2 =	sld [smem:$0x3FD0];
	(tm) =	ssettm $0x1  }
0x91: {  	s18 =	sld [smem:$0x3FFB];
	_ =	sdelay $0x3  }
0x92: {  	_ =	strace s18  }
0x93: {  	s3 =	sld [smem:$0x3FFC];
	_ =	sdelay $0x3  }
0x94: {  	_ =	strace s3  }
0x95: {  	s3 =	sld [smem:$0x3FFD];
	_ =	sdelay $0x3  }
0x96: {  	_ =	strace s3  }
0x97: {  	_ =	strace $0x8FFFFFFF  }
0x98: {  	s19 =	sld [smem:$0x3FDB];
	_ =	sdelay $0x1  }
0x99: {  	s4 =	simm.s32 $_scs_section_size  }
0x9a: {  	s5 =	simm.s32 $_size__tile_overlayer_lowered;
	s6 =	simm.s32 $_tile_overlayer_lowered  }
0x9b: {  	s22 =	simm.s32 $0x1BFF;
	s21 =	sshll.u32 s6, $0x1;
	s3 =	sadd.s32 s4, s19  }
0x9c: {  	s7 =	simm.s32 $0x0;
	s20 =	sshll.u32 s5, $0x1;
	s5 =	sadd.s32 s21, s3  }
0x9d: {  	[timem:s7], [sflag:s22] =	dma.local [hbm:s5], s20  }
0x9e: {  	_ =	swait.ge [sflag:s22], s20  }
0x9f: {  	s4 =	ssub.s32 $0x0, s20;
	[sflag:s22] =	ssyncset.done $0x0  }
0xa0: {  	[sflag:s22] =	ssyncadd.s32 s4;
	_ =	sdelay $0x1  }
0xa1: {  	s23 =	simm.s32 $0x1B8B  }
0xa2: {  	_ =	swait.ge [sflag:s23], $0x1  }
0xa3: {  	[sflag:s23] =	ssyncset.done $0x0  }
0xa4: {  	s25 =	simm.s32 $0x1B8E;
	s24 =	sld [smem:$0x3FFE];
	[sflag:s23] =	ssyncadd.s32 $0xFFFFFFFF  }
0xa5: {  	s26 =	simm.s32 $execute0_lowered;
	[smem:$0x3FD2] =	sst s25  }
0xa6: {  	s5 =	sshll.u32 s26, $0x1;
	_ =	strace $0x80000046;
	[dreg:$0x1] =	wrdreg $0xFFFFFFFF  }
0xa7: {  	s28 =	simm.s32 $_size_execute0_lowered;
	s3 =	sadd.s32 s3, s5;
	[dreg:$0x0] =	wrdreg $0x0  }
0xa8: {  	s5 =	sshll.u32 s28, $0x1;
	[dreg:$0x2] =	wrdreg s3  }
0xa9: {  	[dreg:$0x3] =	wrdreg s5  }
0xaa: {  	[dreg:$0x4] =	wrdreg $0xC0  }
0xab: {  	_ =	task [dreg:s7], $0x5FFFF  }
0xac: {  	[dreg:$0x1] =	wrdreg $0xFFFFFFFF  }
0xad: {  	[dreg:$0x0] =	wrdreg $0x60  }
0xae: {  	[dreg:$0x2] =	wrdreg s2  }
0xaf: {  	[dreg:$0x3] =	wrdreg s24  }
0xb0: {  	[dreg:$0x4] =	wrdreg $0xA8000  }
0xb1: {  	[dreg:$0x5] =	wrdreg $0x9  }
0xb2: {  	_ =	task.clear_ibuf [dreg:s7], $0x6FFFF;
	_ =	strace $0x90000046  }
0xb3: {  	s29 =	simm.s32 $0x9;
	_ =	strace $0x80000048  }
0xb4: {  	_ =	swait.ge [sflag:s29], $0x1  }
0xb5: {  	[sflag:s29] =	ssyncadd.s32 $0xFFFFFFFF  }
0xb6: {  	_ =	strace $0x90000048  }
0xb7: {  	_ =	sfence  }
0xb8: {  	s30 =	sld [smem:$0x0];
	_ =	sdelay $0x2  }
0xb9: {  	s31 =	sshll.u32 s1, $0xD;
	s1 =	sshrl.u32 s1, $0x2  }
0xba: {  	s3 =	sand.u32 $0x4000, s31;
	s1 =	sadd.s32 s1, s30  }
0xbb: {  	s0 =	sor.u32 s3, s0;
	s1 =	sshll.u32 s1, $0x11  }
0xbc: {  	s0 =	sor.u32 s1, s0  }
0xbd: {  	s0 =	sadd.s32 $0x8F2B, s0  }
0xbe: {  	[sflag:s0] =	ssyncadd.remote.s32 $0x1  }
0xbf: {  	_ =	sfence.sel $0xFFFF  }
0xc0: {  	[dreg:$0x0] =	wrdreg $0xFFFFFFFF;
	(pc) =	sbr.abs _section_cstart, $3  }
0xc1: {  	[dreg:$0x1] =	wrdreg $0xFFFFFFFF  }
0xc2: {  	_ =	task.clear_ibuf [dreg:s7], $0x2FFFF;
	_ =	strace $0x9FFFFFFF  }
0xc3: {  	(tm) =	ssettm $0x7FFFFFFF  }
tec
execute0_lowered:
.L_overlay_start_1:
0x0: {  	(tag) =	ssettag $0x1  }
0x1: {  	s5 =	rddreg [dreg:$0x0]  }
0x2: {  	s4 =	rddreg [dreg:$0x1];
	s0 =	srdreg.scid  }
0x3: {  	s2 =	rddreg [dreg:$0x2];
	s1 =	stileid.u32  }
0x4: {  	s3 =	simm.s32 $0x0;
	s12 =	simm.s32 $0x6800;
	s13 =	simm.s32 $0x1  }
0x5: {  	s14 =	simm.s32 $0x80;
	s15 =	simm.s32 $0x2800;
	s8 =	smul.u32 $0x14000, s1  }
0x6: {  	s6 =	sand.u32 $0x1, s0;
	s0 =	rddreg [dreg:$0x3];
	s9 =	smul.u32 $0x50000, s1  }
0x7: {  	[smem:$0x7FF] =	sst s3;
	s16 =	sshll.u32 s1, $0x6;
	s7 =	smul.u32 $0x140000, s6  }
0x8: {  	_ =	strace $0x80000047;
	s30 =	sshll.u32 s6, $0x4;
	s6 =	ssub.s32 $0x2, s6  }
0x9: {  	s16 =	sor.u32 $0x1C01, s16;
	s7 =	sadd.s32 s8, s7;
	s8 =	sor.u32 s1, s30  }
0xa: {  	s10 =	sshrl.u32 s6, $0x1;
	s7 =	sshrl.u32 s7, $0x3;
	s8 =	smul.u32 $0x500, s8  }
0xb: {  	s31 =	sshrl.u32 s9, $0x2;
	s10 =	ssub.s32 s6, s10;
	s7 =	sadd.s32 s7, s4  }
0xc: {  	s4 =	sadd.s32 s31, s2;
	s5 =	sadd.s32 s5, s8;
	s6 =	sadd.s32 $0xD200, s7  }
0xd: {  	s7 =	smax.u32 s10, $0x1;
	s8 =	sadd.s32 $0x4000, s4;
	s9 =	sadd.s32 $0x8000, s4  }
0xe: {  	v0 =	vimm.f32 $1.000000000e+00;
	v1 =	vimm.f32 $0.0e+00;
	s10 =	sadd.s32 $0xC000, s4;
	s11 =	sadd.s32 $0x10000, s4;
	s17 =	sshrl.u32 s4, $0x3  }
.LBB2_1:
0xf: {  	s18 =	simm.s32 $0x200;
	s19 =	simm.s32 $0x0  }
.LBB2_2:
0x10: {  	p0 =	sne.s32 s18, $0xFE00;
	[tilespmem:s19+$0x2800] =	vst v0;
	s20 =	smov.u32 s18;
	s18 =	sadd.s32 $0x200, s18  }
.Ltmp0:
0x11: {  	[tilespmem:s19+$0x6800] =	vst v1;
	(pc) =	sbr.rel @p0 .LBB2_2-.Ltmp0, $2  }
0x12: {  	_ =	sdelay $0x2  }
0x13: {  	s19 =	sshra.s32 s20, $0x2  }
0x14: {  	[tilespmem:s19+$0x2800] =	vst v0  }
0x15: {  	[tilespmem:s19+$0x6800] =	vst v1  }
0x16: {  	[spmem:s4] =	stream.linear.scatter [tilespmem:s12], [sflag:$0x1], $0x4000, $0x38;
	[tilespmem:$0xD000] =	vst v63  }
0x17: {  	_ =	swait.ge [sflag:s13], $0x4000  }
0x18: {  	[sflag:s13] =	ssyncset.done $0x0  }
0x19: {  	[sflag:s13] =	ssyncadd.s32 $0xFFFFC000  }
0x1a: {  	[spmem:s8] =	stream.linear.scatter [tilespmem:s12], [sflag:$0x1], $0x4000, $0x38;
	[tilespmem:$0xD000] =	vst v63  }
0x1b: {  	_ =	swait.ge [sflag:s13], $0x4000  }
0x1c: {  	[sflag:s13] =	ssyncset.done $0x0  }
0x1d: {  	[sflag:s13] =	ssyncadd.s32 $0xFFFFC000  }
0x1e: {  	[spmem:s9] =	stream.linear.scatter [tilespmem:s12], [sflag:$0x1], $0x4000, $0x38;
	[tilespmem:$0xD000] =	vst v63  }
0x1f: {  	_ =	swait.ge [sflag:s13], $0x4000  }
0x20: {  	[sflag:s13] =	ssyncset.done $0x0  }
0x21: {  	[sflag:s13] =	ssyncadd.s32 $0xFFFFC000  }
0x22: {  	[spmem:s10] =	stream.linear.scatter [tilespmem:s12], [sflag:$0x1], $0x4000, $0x38;
	[tilespmem:$0xD000] =	vst v63  }
0x23: {  	_ =	swait.ge [sflag:s13], $0x4000  }
0x24: {  	[sflag:s13] =	ssyncset.done $0x0  }
0x25: {  	[sflag:s13] =	ssyncadd.s32 $0xFFFFC000  }
0x26: {  	[spmem:s11] =	stream.linear.scatter [tilespmem:s12], [sflag:$0x1], $0x4000, $0x38;
	[tilespmem:$0xD000] =	vst v63  }
0x27: {  	_ =	swait.ge [sflag:s13], $0x4000  }
0x28: {  	[sflag:s13] =	ssyncset.done $0x0  }
0x29: {  	s18 =	simm.s32 $0x0;
	[sflag:s13] =	ssyncadd.s32 $0xFFFFC000  }
0x2a: {  	[tilespmem:s18], [sflag:$0x1] =	stream.linear.gather [hbm4b:s5+s18], $0x2800, $0x38;
	[tilespmem:$0xD000] =	vst v63  }
0x2b: {  	_ =	swait.ge [sflag:s13], $0x2800  }
0x2c: {  	[sflag:s13] =	ssyncset.done $0x0  }
0x2d: {  	[sflag:s13] =	ssyncadd.s32 $0xFFFFD800  }
0x2e: {  	s31 =	simm.s32 $0x0;
	[bflag:$0x0] =	sbarrier.arrive $0xFFFF  }
0x2f: {  	[spmem:s2] =	stream.indirect.scatter.add.f32 [tilespmem:s15], [sflag:$0x1], $0x10, s31, s14, $0xb8;
	[tilespmem:$0xD000] =	vst v63  }
0x30: {  	_ =	swait.ge [sflag:s13], $0x800  }
0x31: {  	s18 =	simm.s32 $0x200;
	[sflag:s13] =	ssyncset.done $0x0  }
.LBB2_4:
0x32: {  	s19 =	sshra.s32 s18, $0x2;
	[sflag:s13] =	ssyncadd.s32 $0xFFFFF800;
	p0 =	sne.s32 s18, $0x9E00  }
0x33: {  	[spmem:s2] =	stream.indirect.scatter.add.f32 [tilespmem:s15], [sflag:$0x1], $0x10, s19, s14, $0xb8;
	[tilespmem:$0xD000] =	vst v63  }
.Ltmp1:
0x34: {  	_ = 	snop;
	(pc) =	sbr.rel @p0 .LBB2_4-.Ltmp1, $4  }
0x35: {  	_ = 	snop  }
0x36: {  	s18 =	sadd.s32 $0x200, s18  }
0x37: {  	_ =	swait.ge [sflag:s13], $0x800  }
0x38: {  	[sflag:s13] =	ssyncset.done $0x0  }
0x39: {  	s3 =	sadd.s32 $0x1, s3  }
0x3a: {  	[sflag:s13] =	ssyncadd.s32 $0xFFFFF800;
	p0 =	sne.s32 s3, s7  }
.Ltmp2:
0x3b: {  	[bflag:$0x0] =	sbarrier.arrive $0xFFFF;
	(pc) =	sbr.rel @p0 .LBB2_1-.Ltmp2, $4  }
0x3c: {  	[hbm:s6], [sflag:s16] =	dma.local [spmem:s17], $0x2800  }
0x3d: {  	_ =	swait.ge [sflag:s13], $0x2800  }
0x3e: {  	[sflag:s13] =	ssyncset.done $0x0  }
0x3f: {  	[sflag:s13] =	ssyncadd.s32 $0xFFFFD800  }
0x40: {  	_ =	sfence.sel $0x180000  }
0x41: {  	[bflag:$0x0] =	sbarrier.arrive $0xFFFF  }
0x42: {  	p0 =	sne.s32 s1, $0x0;
	_ =	strace $0x90000047  }
0x43: {  	s0 =	sadd.s32 @!p0 $0x100000, s0;
	[bflag:$0x2] =	sbarrier.arrive $0xFFFF  }
0x44: {  	[sflag:s0] =	ssyncadd.tile.s32 @!p0 $0x1;
	_ =	shalt  }
.Lfunc_end2:
_tile_overlayer_lowered:
.L_overlay_start_2:
0x45: {  	(tag) =	ssettag $0x2  }
0x46: {  	s0 =	rddreg [dreg:$0x0];
	s2 =	stileid.u32  }
0x47: {  	s1 =	rddreg [dreg:$0x1];
	p0 =	sne.s32 s2, $0x0  }
0x48: {  	s3 =	rddreg [dreg:$0x2];
	[bflag:$0x3] =	sbarrier.arrive $0xFFFF;
	s2 =	simm.s32 @!p0 $0x1C01  }
0x49: {  	[timem:s3], [sflag:s2] =	dma.local @!p0 [hbm:s0], s1  }
0x4a: {  	s0 =	simm.s32 @!p0 $0x1  }
0x4b: {  	_ =	swait.ge @!p0 [sflag:s0], s1  }
0x4c: {  	s1 =	ssub.s32 @!p0 $0x0, s1;
	[sflag:s0] =	ssyncset.done @!p0 $0x0  }
0x4d: {  	[sflag:s0] =	ssyncadd.s32 @!p0 s1  }
0x4e: {  	[bflag:$0x3] =	sbarrier.arrive $0xFFFF  }
0x4f: {  	_ =	shalt  }

</sc_bundles>
